<compile_context>
chip_gen: v7x
topology: tpu7x:2x2x1
jax: 0.10.2.dev20260603
libtpu: 0.0.44.dev20260713+nightly
codegen_flags: <defaults>
</compile_context>

<pallas_src>
import functools

import jax
import jax.numpy as jnp
from jax import lax
from jax.experimental import pallas as pl
from jax.experimental.pallas import tpu as pltpu
from jax.experimental.pallas import tpu_sc as plsc

N_NODES = 10000
N_PAD = 10240
E = 320000
D = 128
AUG = 128
NG = 64
NC = 2
NS = 16
NW = NC * NS
CHUNK = 128
EPT0 = 106
EPT1 = 52
E_PAD = NS * (EPT0 + EPT1) * CHUNK
X_PAD = 12288
RPT = N_PAD // NS
BLK = 512
GRID = N_PAD // BLK


def _wid():
    return lax.axis_index("c") * NS + lax.axis_index("s")


@functools.lru_cache(maxsize=None)
def _sc_kernels():
    mesh = plsc.VectorSubcoreMesh(
        core_axis_name="c", subcore_axis_name="s",
        num_cores=NC, num_subcores=NS)

    @functools.partial(
        pl.kernel,
        out_type=jax.ShapeDtypeStruct((X_PAD, D), jnp.float32),
        mesh=mesh,
        scratch_types=[
            pltpu.VMEM((CHUNK,), jnp.int32),
            pltpu.VMEM((CHUNK, D), jnp.float32),
            pltpu.SemaphoreType.DMA,
        ],
    )
    def _gather(table, idx, out, idx_v, rows_v, sem):
        base = _wid() * ((X_PAD // NW // CHUNK) * CHUNK)

        def body(j, carry):
            off = pl.multiple_of(base + j * CHUNK, CHUNK)
            pltpu.sync_copy(idx.at[pl.ds(off, CHUNK)], idx_v)
            pltpu.async_copy(table.at[idx_v], rows_v, sem).wait()
            pltpu.sync_copy(rows_v, out.at[pl.ds(off, CHUNK)])
            return carry

        lax.fori_loop(0, X_PAD // NW // CHUNK, body, 0)

    @functools.partial(
        pl.kernel,
        out_type=(
            jax.ShapeDtypeStruct((N_PAD, D), jnp.float32),
            jax.ShapeDtypeStruct((N_PAD, D), jnp.float32),
        ),
        mesh=mesh,
        scratch_types=[
            [pltpu.VMEM((CHUNK,), jnp.int32)] * 2,
            [pltpu.VMEM((CHUNK,), jnp.int32)] * 2,
            [pltpu.VMEM((CHUNK, D), jnp.float32)] * 2,
            pltpu.VMEM_SHARED((N_PAD, D), jnp.float32),
            pltpu.SemaphoreType.DMA,
            pltpu.SemaphoreType.DMA,
        ],
    )
    def _agg(table, src, dst, zeros, out0, out1,
             src_v, dst_v, rows_v, acc, gsem, ssem):
        c = lax.axis_index("c")
        s = lax.axis_index("s")
        r0 = pl.multiple_of(s * RPT, RPT)
        pltpu.sync_copy(zeros.at[pl.ds(r0, RPT)], acc.at[pl.ds(r0, RPT)])
        plsc.subcore_barrier()
        base = jnp.where(c == 0, s * EPT0,
                         NS * EPT0 + s * EPT1) * CHUNK
        ept = jnp.where(c == 0, EPT0, EPT1)

        def body(g, carry):
            j0 = g * 2
            off0 = pl.multiple_of(base + j0 * CHUNK, CHUNK)
            off1 = pl.multiple_of(base + (j0 + 1) * CHUNK, CHUNK)
            pltpu.sync_copy(src.at[pl.ds(off0, CHUNK)], src_v[0])
            pltpu.sync_copy(dst.at[pl.ds(off0, CHUNK)], dst_v[0])
            g0 = pltpu.async_copy(table.at[src_v[0]], rows_v[0], gsem)
            pltpu.sync_copy(src.at[pl.ds(off1, CHUNK)], src_v[1])
            pltpu.sync_copy(dst.at[pl.ds(off1, CHUNK)], dst_v[1])
            g0.wait()
            s0 = pltpu.async_copy(rows_v[0], acc.at[dst_v[0]], ssem, add=True)
            pltpu.async_copy(table.at[src_v[1]], rows_v[1], gsem).wait()
            s0.wait()
            pltpu.sync_copy(rows_v[1], acc.at[dst_v[1]], add=True)
            return carry

        lax.fori_loop(0, ept // 2, body, 0)
        plsc.subcore_barrier()

        @pl.when(c == 0)
        def _():
            pltpu.sync_copy(acc.at[pl.ds(r0, RPT)], out0.at[pl.ds(r0, RPT)])

        @pl.when(c == 1)
        def _():
            pltpu.sync_copy(acc.at[pl.ds(r0, RPT)], out1.at[pl.ds(r0, RPT)])

    return _gather, _agg


def _mm_body(h_ref, w_ref, o_ref):
    o_ref[...] = jnp.dot(h_ref[...], w_ref[...],
                         preferred_element_type=jnp.float32)


def _mm(h, w):
    return pl.pallas_call(
        _mm_body,
        out_shape=jax.ShapeDtypeStruct((N_PAD, D), jnp.float32),
        grid=(GRID,),
        in_specs=[
            pl.BlockSpec((BLK, D), lambda i: (i, 0)),
            pl.BlockSpec((D, D), lambda i: (0, 0)),
        ],
        out_specs=pl.BlockSpec((BLK, D), lambda i: (i, 0)),
    )(h, w)


def _hidden(p0, p1, ea0, ea1, wn, we, bias):
    agg = jnp.dot(p0[...] + p1[...], wn[...],
                  preferred_element_type=jnp.float32)
    e_blk = ea0[...] + ea1[...]
    esum = e_blk[:, :32]
    deg = e_blk[:, 32:33]
    aggf = agg + jnp.dot(esum, we[...], preferred_element_type=jnp.float32)
    return jnp.maximum(aggf / jnp.maximum(deg, 1.0) + bias[...], 0.0)


def _boundary_body(p0, p1, ea0, ea1, wn, we, bias, o_ref):
    o_ref[...] = _hidden(p0, p1, ea0, ea1, wn, we, bias)


def _boundary(p0, p1, ea0, ea1, wn, we, bias):
    return pl.pallas_call(
        _boundary_body,
        out_shape=jax.ShapeDtypeStruct((N_PAD, D), jnp.float32),
        grid=(GRID,),
        in_specs=[
            pl.BlockSpec((BLK, D), lambda i: (i, 0)),
            pl.BlockSpec((BLK, D), lambda i: (i, 0)),
            pl.BlockSpec((BLK, AUG), lambda i: (i, 0)),
            pl.BlockSpec((BLK, AUG), lambda i: (i, 0)),
            pl.BlockSpec((D, D), lambda i: (0, 0)),
            pl.BlockSpec((32, D), lambda i: (0, 0)),
            pl.BlockSpec((1, D), lambda i: (0, 0)),
        ],
        out_specs=pl.BlockSpec((BLK, D), lambda i: (i, 0)),
    )(p0, p1, ea0, ea1, wn, we, bias)


def _final_body(p0, p1, ea0, ea1, wn, we, bias, oh_ref, o_ref):
    h = _hidden(p0, p1, ea0, ea1, wn, we, bias)

    @pl.when(pl.program_id(0) == 0)
    def _():
        o_ref[...] = jnp.zeros_like(o_ref)

    oh = oh_ref[...]
    rows = [jnp.max(h * oh[:, g:g + 1], axis=0) for g in range(NG)]
    o_ref[...] = jnp.maximum(o_ref[...], jnp.stack(rows, axis=0))


def _final(p0, p1, ea0, ea1, wn, we, bias, oh):
    return pl.pallas_call(
        _final_body,
        out_shape=jax.ShapeDtypeStruct((NG, D), jnp.float32),
        grid=(GRID,),
        in_specs=[
            pl.BlockSpec((BLK, D), lambda i: (i, 0)),
            pl.BlockSpec((BLK, D), lambda i: (i, 0)),
            pl.BlockSpec((BLK, AUG), lambda i: (i, 0)),
            pl.BlockSpec((BLK, AUG), lambda i: (i, 0)),
            pl.BlockSpec((D, D), lambda i: (0, 0)),
            pl.BlockSpec((32, D), lambda i: (0, 0)),
            pl.BlockSpec((1, D), lambda i: (0, 0)),
            pl.BlockSpec((BLK, NG), lambda i: (i, 0)),
        ],
        out_specs=pl.BlockSpec((NG, D), lambda i: (0, 0)),
    )(p0, p1, ea0, ea1, wn, we, bias, oh)


def kernel(x, edge_attr, edge_index, batch, embed, edge_embed, W_node, W_edge, b):
    x = x.astype(jnp.int32)
    ea = edge_attr.astype(jnp.int32)
    src = edge_index[0].astype(jnp.int32)
    dst = edge_index[1].astype(jnp.int32)
    bt = batch.astype(jnp.int32)

    pad_e = E_PAD - E
    x_pad = jnp.concatenate([x, jnp.zeros((X_PAD - N_NODES,), jnp.int32)])
    src_pad = jnp.concatenate([src, jnp.zeros((pad_e,), jnp.int32)])
    trash = N_NODES + (jnp.arange(pad_e, dtype=jnp.int32) % (N_PAD - N_NODES))
    dst_pad = jnp.concatenate([dst, trash])
    ea_pad = jnp.concatenate([ea, jnp.full((pad_e,), 200, jnp.int32)])

    aug = jnp.zeros((208, AUG), jnp.float32)
    aug = aug.at[:200, :32].set(edge_embed).at[:200, 32].set(1.0)

    zeros128 = jnp.zeros((N_PAD, D), jnp.float32)
    oh = jnp.concatenate(
        [jax.nn.one_hot(bt, NG, dtype=jnp.float32),
         jnp.zeros((N_PAD - N_NODES, NG), jnp.float32)], axis=0)

    _gather, _agg = _sc_kernels()
    h0 = _gather(embed, x_pad)
    ea0, ea1 = _agg(aug, ea_pad, dst_pad, zeros128)
    h = h0
    for l in range(3):
        p0, p1 = _agg(h, src_pad, dst_pad, zeros128)
        if l < 2:
            h = _boundary(p0, p1, ea0, ea1, W_node[l], W_edge[l], b[l][None])
        else:
            out = _final(p0, p1, ea0, ea1, W_node[2], W_edge[2], b[2][None], oh)
    return out

# --- scband reference (transcript-rebuilt; emitter-appended) ---
"""Pipeline reference for scband-gcngnn-77403900609218 (READ-ONLY COPY).

The authoritative reference and input builder live on the scoring server;
editing this copy changes nothing except your own understanding.
"""

import jax, jax.numpy as jnp
import numpy as np

N_NODES = 10000
N_EDGES = 320000
VOCAB = 100000
EMBED_DIM = 128
EDGE_VOCAB = 200
EDGE_DIM = 32
NUM_LAYERS = 3
NUM_GRAPHS = 64


def setup_inputs(seed: int = 0) -> dict:
    key = jax.random.key(seed)
    ks = jax.random.split(key, 10)
    x = jax.random.randint(ks[0], (N_NODES,), 0, VOCAB, dtype=jnp.int64)
    edge_attr = jax.random.randint(ks[1], (N_EDGES,), 0, EDGE_VOCAB, dtype=jnp.int64)
    edge_index = jax.random.randint(ks[2], (2, N_EDGES), 0, N_NODES, dtype=jnp.int64)
    batch = jnp.sort(jax.random.randint(ks[3], (N_NODES,), 0, NUM_GRAPHS, dtype=jnp.int64))
    # learned parameters
    embed = jax.random.normal(ks[4], (VOCAB, EMBED_DIM), dtype=jnp.float32) * 0.02
    edge_embed = jax.random.normal(ks[5], (EDGE_VOCAB, EDGE_DIM), dtype=jnp.float32) * 0.02
    W_node = jax.random.normal(ks[6], (NUM_LAYERS, EMBED_DIM, EMBED_DIM), dtype=jnp.float32) * (1.0 / np.sqrt(EMBED_DIM))
    W_edge = jax.random.normal(ks[7], (NUM_LAYERS, EDGE_DIM, EMBED_DIM), dtype=jnp.float32) * (1.0 / np.sqrt(EDGE_DIM))
    b = jnp.zeros((NUM_LAYERS, EMBED_DIM), dtype=jnp.float32)
    return {"x": x, "edge_attr": edge_attr, "edge_index": edge_index, "batch": batch,
            "embed": embed, "edge_embed": edge_embed, "W_node": W_node, "W_edge": W_edge, "b": b}


def reference(x, edge_attr, edge_index, batch, embed, edge_embed, W_node, W_edge, b):
    # x = self.embed(x)
    h = jnp.take(embed, x, axis=0)                      # [N, D] gather
    # edge_attr = self.edge_embed(edge_attr)
    e = jnp.take(edge_embed, edge_attr, axis=0)         # [E, 32] gather
    src = edge_index[0]
    dst = edge_index[1]
    # StructureExtractor: num_layers of edge-conditioned GCN message passing
    for l in range(NUM_LAYERS):
        msg = jnp.take(h, src, axis=0) @ W_node[l] + e @ W_edge[l]   # [E, D]
        agg = jax.ops.segment_sum(msg, dst, num_segments=N_NODES)    # scatter-add
        deg = jax.ops.segment_sum(jnp.ones((msg.shape[0],), dtype=msg.dtype), dst, num_segments=N_NODES)
        h = jax.nn.relu(agg / jnp.clip(deg, 1.0)[:, None] + b[l])
    # gnn.global_max_pool(output, data.batch)
    out = jax.ops.segment_max(h, batch, num_segments=NUM_GRAPHS)
    out = jnp.where(jnp.isneginf(out), 0.0, out)
    return out

if __name__ == "__main__":
    import jax
    _d = setup_inputs()
    print(jax.jit(kernel)(*tuple(_d.values())))

</pallas_src>

<mosaic_0001>
#map = affine_map<(d0, d1) -> (0, 0)>
#map1 = affine_map<(d0, d1) -> (0)>
module attributes {stable_mosaic.version = 14 : i64} {
  func.func @_gather(%arg0: i32, %arg1: i32, %arg2: memref<100000x128xf32, #tpu.memory_space<hbm>>, %arg3: memref<12288xi32, #tpu.memory_space<hbm>>, %arg4: memref<12288x128xf32, #tpu.memory_space<hbm>>, %arg5: memref<128xi32, #tpu.memory_space<vmem>>, %arg6: memref<128x128xf32, #tpu.memory_space<vmem>>, %arg7: memref<!tpu.dma_semaphore, #tpu.memory_space<semaphore_mem>>) attributes {dimension_semantics = [#tpu.dimension_semantics<core_parallel>, #tpu.dimension_semantics<subcore_parallel>], iteration_bounds = array<i64: 2, 16>, scalar_prefetch = 0 : i64, scratch_operands = 3 : i64, tpu.core_type = #tpu.core_type<sc_vector_subcore>, window_params = [{transform_indices = #map}, {transform_indices = #map1}, {transform_indices = #map}]} {
    %mul3A = arith.constant 16 : i32
    %mul3A_0 = arith.muli %arg0, %mul3A : i32
    %add3A = arith.addi %mul3A_0, %arg1 : i32
    %mul3A_1 = arith.constant 384 : i32
    %mul3A_2 = arith.muli %add3A, %mul3A_1 : i32
    %scan3A = arith.constant 0 : i32
    %scan3A_3 = arith.constant 0 : i32
    %scan3A_4 = arith.constant 3 : i32
    %scan3A_5 = arith.addi %scan3A_3, %scan3A_4 : i32
    %scan3A_6 = arith.constant 1 : i32
    scf.for %scan3A_8 = %scan3A_3 to %scan3A_5 step %scan3A_6  : i32 {
      %mul3A_9 = arith.constant 128 : i32
      %mul3A_10 = arith.muli %scan3A_8, %mul3A_9 : i32
      %add3A_11 = arith.addi %mul3A_2, %mul3A_10 : i32
      %multiple_of3A = tpu.assume_multiple %add3A_11, 128 : i32
      "tpu.region"() ({
        %run_scoped3A = tpu.sem_alloc : memref<!tpu.dma_semaphore, #tpu.memory_space<semaphore_mem>>
        %dma_start3A_16 = tpu.memref_slice %arg3[%multiple_of3A] : memref<12288xi32, #tpu.memory_space<hbm>> -> memref<128xi32, #tpu.memory_space<hbm>>
        %dma_start3A_17 = tpu.memref_slice %arg3[%multiple_of3A] : memref<12288xi32, #tpu.memory_space<hbm>> -> memref<128xi32, #tpu.memory_space<hbm>>
        tpu.enqueue_dma source(%dma_start3A_17 : memref<128xi32, #tpu.memory_space<hbm>>) target(%arg5 : memref<128xi32, #tpu.memory_space<vmem>>) target_semaphore(%run_scoped3A : memref<!tpu.dma_semaphore, #tpu.memory_space<semaphore_mem>>)
        %dma_wait3A_18 = tpu.memref_slice %arg3[%multiple_of3A] : memref<12288xi32, #tpu.memory_space<hbm>> -> memref<128xi32, #tpu.memory_space<hbm>>
        %dma_wait3A_19 = tpu.memref_slice %arg3[%multiple_of3A] : memref<12288xi32, #tpu.memory_space<hbm>> -> memref<128xi32, #tpu.memory_space<hbm>>
        tpu.wait_dma2 semaphore(%run_scoped3A : memref<!tpu.dma_semaphore, #tpu.memory_space<semaphore_mem>>) src(%dma_wait3A_19 : memref<128xi32, #tpu.memory_space<hbm>>) dst(%arg5 : memref<128xi32, #tpu.memory_space<vmem>>)
        tpu.yield
      }) : () -> ()
      %dma_start3A = arith.constant 0 : i32
      %dma_start3A_12 = arith.constant 0 : i32
      %dma_start3A_13 = tpu.memref_slice %arg2[%dma_start3A, %dma_start3A_12] : memref<100000x128xf32, #tpu.memory_space<hbm>> -> memref<100000x128xf32, #tpu.memory_space<hbm>>
      tpu.enqueue_indirect_dma source(%dma_start3A_13 : memref<100000x128xf32, #tpu.memory_space<hbm>>) target(%arg6 : memref<128x128xf32, #tpu.memory_space<vmem>>) offsets(%arg5 : memref<128xi32, #tpu.memory_space<vmem>>) semaphore(%arg7 : memref<!tpu.dma_semaphore, #tpu.memory_space<semaphore_mem>>)
      %dma_wait3A = arith.constant 0 : i32
      %dma_wait3A_14 = arith.constant 0 : i32
      %dma_wait3A_15 = tpu.memref_slice %arg2[%dma_wait3A, %dma_wait3A_14] : memref<100000x128xf32, #tpu.memory_space<hbm>> -> memref<100000x128xf32, #tpu.memory_space<hbm>>
      tpu.wait_indirect_dma semaphore(%arg7 : memref<!tpu.dma_semaphore, #tpu.memory_space<semaphore_mem>>) src(%dma_wait3A_15 : memref<100000x128xf32, #tpu.memory_space<hbm>>) dst(%arg6 : memref<128x128xf32, #tpu.memory_space<vmem>>)
      "tpu.region"() ({
        %run_scoped3A = tpu.sem_alloc : memref<!tpu.dma_semaphore, #tpu.memory_space<semaphore_mem>>
        %dma_start3A_16 = arith.constant 0 : i32
        %dma_start3A_17 = tpu.memref_slice %arg4[%multiple_of3A, %dma_start3A_16] : memref<12288x128xf32, #tpu.memory_space<hbm>> -> memref<128x128xf32, #tpu.memory_space<hbm>>
        %dma_start3A_18 = arith.constant 0 : i32
        %dma_start3A_19 = tpu.memref_slice %arg4[%multiple_of3A, %dma_start3A_18] : memref<12288x128xf32, #tpu.memory_space<hbm>> -> memref<128x128xf32, #tpu.memory_space<hbm>>
        tpu.enqueue_dma source(%arg6 : memref<128x128xf32, #tpu.memory_space<vmem>>) target(%dma_start3A_19 : memref<128x128xf32, #tpu.memory_space<hbm>>) target_semaphore(%run_scoped3A : memref<!tpu.dma_semaphore, #tpu.memory_space<semaphore_mem>>)
        %dma_wait3A_20 = arith.constant 0 : i32
        %dma_wait3A_21 = tpu.memref_slice %arg4[%multiple_of3A, %dma_wait3A_20] : memref<12288x128xf32, #tpu.memory_space<hbm>> -> memref<128x128xf32, #tpu.memory_space<hbm>>
        %dma_wait3A_22 = arith.constant 0 : i32
        %dma_wait3A_23 = tpu.memref_slice %arg4[%multiple_of3A, %dma_wait3A_22] : memref<12288x128xf32, #tpu.memory_space<hbm>> -> memref<128x128xf32, #tpu.memory_space<hbm>>
        tpu.wait_dma2 semaphore(%run_scoped3A : memref<!tpu.dma_semaphore, #tpu.memory_space<semaphore_mem>>) src(%arg6 : memref<128x128xf32, #tpu.memory_space<vmem>>) dst(%dma_wait3A_23 : memref<128x128xf32, #tpu.memory_space<hbm>>)
        tpu.yield
      }) : () -> ()
    }
    %scan3A_7 = arith.constant 3 : i32
    return
  }
}

#map = affine_map<(d0, d1) -> (0, 0)>
#map1 = affine_map<(d0, d1) -> (0)>
module attributes {stable_mosaic.version = 14 : i64} {
  func.func @_agg(%arg0: i32, %arg1: i32, %arg2: memref<208x128xf32, #tpu.memory_space<hbm>>, %arg3: memref<323584xi32, #tpu.memory_space<hbm>>, %arg4: memref<323584xi32, #tpu.memory_space<hbm>>, %arg5: memref<10240x128xf32, #tpu.memory_space<hbm>>, %arg6: memref<10240x128xf32, #tpu.memory_space<hbm>>, %arg7: memref<10240x128xf32, #tpu.memory_space<hbm>>, %arg8: memref<128xi32, #tpu.memory_space<vmem>>, %arg9: memref<128xi32, #tpu.memory_space<vmem>>, %arg10: memref<128xi32, #tpu.memory_space<vmem>>, %arg11: memref<128xi32, #tpu.memory_space<vmem>>, %arg12: memref<128x128xf32, #tpu.memory_space<vmem>>, %arg13: memref<128x128xf32, #tpu.memory_space<vmem>>, %arg14: memref<10240x128xf32, #tpu.memory_space<vmem_shared>>, %arg15: memref<!tpu.dma_semaphore, #tpu.memory_space<semaphore_mem>>, %arg16: memref<!tpu.dma_semaphore, #tpu.memory_space<semaphore_mem>>) attributes {dimension_semantics = [#tpu.dimension_semantics<core_parallel>, #tpu.dimension_semantics<subcore_parallel>], iteration_bounds = array<i64: 2, 16>, scalar_prefetch = 0 : i64, scratch_operands = 9 : i64, tpu.core_type = #tpu.core_type<sc_vector_subcore>, window_params = [{transform_indices = #map}, {transform_indices = #map1}, {transform_indices = #map1}, {transform_indices = #map}, {transform_indices = #map}, {transform_indices = #map}]} {
    %mul3A = arith.constant 640 : i32
    %mul3A_0 = arith.muli %arg1, %mul3A : i32
    %multiple_of3A = tpu.assume_multiple %mul3A_0, 640 : i32
    "tpu.region"() ({
      %run_scoped3A = tpu.sem_alloc : memref<!tpu.dma_semaphore, #tpu.memory_space<semaphore_mem>>
      %dma_start3A = arith.constant 0 : i32
      %dma_start3A_49 = tpu.memref_slice %arg14[%multiple_of3A, %dma_start3A] : memref<10240x128xf32, #tpu.memory_space<vmem_shared>> -> memref<640x128xf32, #tpu.memory_space<vmem_shared>>
      %dma_start3A_50 = arith.constant 0 : i32
      %dma_start3A_51 = tpu.memref_slice %arg5[%multiple_of3A, %dma_start3A_50] : memref<10240x128xf32, #tpu.memory_space<hbm>> -> memref<640x128xf32, #tpu.memory_space<hbm>>
      tpu.enqueue_dma source(%dma_start3A_51 : memref<640x128xf32, #tpu.memory_space<hbm>>) target(%dma_start3A_49 : memref<640x128xf32, #tpu.memory_space<vmem_shared>>) target_semaphore(%run_scoped3A : memref<!tpu.dma_semaphore, #tpu.memory_space<semaphore_mem>>)
      %dma_wait3A = arith.constant 0 : i32
      %dma_wait3A_52 = tpu.memref_slice %arg14[%multiple_of3A, %dma_wait3A] : memref<10240x128xf32, #tpu.memory_space<vmem_shared>> -> memref<640x128xf32, #tpu.memory_space<vmem_shared>>
      %dma_wait3A_53 = arith.constant 0 : i32
      %dma_wait3A_54 = tpu.memref_slice %arg5[%multiple_of3A, %dma_wait3A_53] : memref<10240x128xf32, #tpu.memory_space<hbm>> -> memref<640x128xf32, #tpu.memory_space<hbm>>
      tpu.wait_dma2 semaphore(%run_scoped3A : memref<!tpu.dma_semaphore, #tpu.memory_space<semaphore_mem>>) src(%dma_wait3A_54 : memref<640x128xf32, #tpu.memory_space<hbm>>) dst(%dma_wait3A_52 : memref<640x128xf32, #tpu.memory_space<vmem_shared>>)
      tpu.yield
    }) : () -> ()
    %barrier3A = arith.constant 0 : index
    tpu.barrier barrier_id(%barrier3A)
    %eq3A = arith.constant 0 : i32
    %eq3A_1 = arith.cmpi eq, %arg0, %eq3A : i32
    %mul3A_2 = arith.constant 106 : i32
    %mul3A_3 = arith.muli %arg1, %mul3A_2 : i32
    %mul3A_4 = arith.constant 52 : i32
    %mul3A_5 = arith.muli %arg1, %mul3A_4 : i32
    %add3A = arith.constant 1696 : i32
    %add3A_6 = arith.addi %add3A, %mul3A_5 : i32
    %select_n3A = arith.select %eq3A_1, %mul3A_3, %add3A_6 : i32
    %mul3A_7 = arith.constant 128 : i32
    %mul3A_8 = arith.muli %select_n3A, %mul3A_7 : i32
    %eq3A_9 = arith.constant 0 : i32
    %eq3A_10 = arith.cmpi eq, %arg0, %eq3A_9 : i32
    %jit3A = arith.constant 106 : i32
    %jit3A_11 = arith.constant 52 : i32
    %select_n3A_12 = arith.select %eq3A_10, %jit3A, %jit3A_11 : i32
    %jit3A_13 = arith.constant 2 : i32
    %div3A = arith.divsi %select_n3A_12, %jit3A_13 : i32
    %sign3A = arith.constant 0 : i32
    %sign3A_14 = arith.cmpi sgt, %select_n3A_12, %sign3A : i32
    %sign3A_15 = arith.extui %sign3A_14 : i1 to i32
    %sign3A_16 = arith.constant 0 : i32
    %sign3A_17 = arith.cmpi slt, %select_n3A_12, %sign3A_16 : i32
    %sign3A_18 = arith.extui %sign3A_17 : i1 to i32
    %sign3A_19 = arith.subi %sign3A_15, %sign3A_18 : i32
    %sign3A_20 = arith.constant 0 : i32
    %sign3A_21 = arith.cmpi sgt, %jit3A_13, %sign3A_20 : i32
    %sign3A_22 = arith.extui %sign3A_21 : i1 to i32
    %sign3A_23 = arith.constant 0 : i32
    %sign3A_24 = arith.cmpi slt, %jit3A_13, %sign3A_23 : i32
    %sign3A_25 = arith.extui %sign3A_24 : i1 to i32
    %sign3A_26 = arith.subi %sign3A_22, %sign3A_25 : i32
    %ne3A = arith.cmpi ne, %sign3A_19, %sign3A_26 : i32
    %rem3A = arith.remsi %select_n3A_12, %jit3A_13 : i32
    %ne3A_27 = arith.constant 0 : i32
    %ne3A_28 = arith.cmpi ne, %rem3A, %ne3A_27 : i32
    %and3A = arith.andi %ne3A, %ne3A_28 : i1
    %sub3A = arith.constant 1 : i32
    %sub3A_29 = arith.subi %div3A, %sub3A : i32
    %select_n3A_30 = arith.select %and3A, %sub3A_29, %div3A : i32
    %while3A = arith.constant 0 : i32
    %while3A_31 = arith.constant 0 : i32
    %while3A_32 = arith.subi %select_n3A_30, %while3A_31 : i32
    %while3A_33 = arith.addi %while3A_31, %while3A_32 : i32
    %while3A_34 = arith.constant 1 : i32
    %while3A_35 = arith.divsi %while3A_32, %while3A_34 : i32
    %while3A_36 = arith.muli %while3A_35, %while3A_34 : i32
    %while3A_37 = arith.addi %while3A_31, %while3A_36 : i32
    %while3A_38 = arith.constant 1 : i32
    scf.for %while3A_49 = %while3A_31 to %while3A_37 step %while3A_38  : i32 {
      %mul3A_50 = arith.constant 2 : i32
      %mul3A_51 = arith.muli %while3A_49, %mul3A_50 : i32
      %mul3A_52 = arith.constant 128 : i32
      %mul3A_53 = arith.muli %mul3A_51, %mul3A_52 : i32
      %add3A_54 = arith.addi %mul3A_8, %mul3A_53 : i32
      %multiple_of3A_55 = tpu.assume_multiple %add3A_54, 128 : i32
      %add3A_56 = arith.constant 1 : i32
      %add3A_57 = arith.addi %mul3A_51, %add3A_56 : i32
      %mul3A_58 = arith.constant 128 : i32
      %mul3A_59 = arith.muli %add3A_57, %mul3A_58 : i32
      %add3A_60 = arith.addi %mul3A_8, %mul3A_59 : i32
      %multiple_of3A_61 = tpu.assume_multiple %add3A_60, 128 : i32
      "tpu.region"() ({
        %run_scoped3A = tpu.sem_alloc : memref<!tpu.dma_semaphore, #tpu.memory_space<semaphore_mem>>
        %dma_start3A_78 = tpu.memref_slice %arg3[%multiple_of3A_55] : memref<323584xi32, #tpu.memory_space<hbm>> -> memref<128xi32, #tpu.memory_space<hbm>>
        %dma_start3A_79 = tpu.memref_slice %arg3[%multiple_of3A_55] : memref<323584xi32, #tpu.memory_space<hbm>> -> memref<128xi32, #tpu.memory_space<hbm>>
        tpu.enqueue_dma source(%dma_start3A_79 : memref<128xi32, #tpu.memory_space<hbm>>) target(%arg8 : memref<128xi32, #tpu.memory_space<vmem>>) target_semaphore(%run_scoped3A : memref<!tpu.dma_semaphore, #tpu.memory_space<semaphore_mem>>)
        %dma_wait3A_80 = tpu.memref_slice %arg3[%multiple_of3A_55] : memref<323584xi32, #tpu.memory_space<hbm>> -> memref<128xi32, #tpu.memory_space<hbm>>
        %dma_wait3A_81 = tpu.memref_slice %arg3[%multiple_of3A_55] : memref<323584xi32, #tpu.memory_space<hbm>> -> memref<128xi32, #tpu.memory_space<hbm>>
        tpu.wait_dma2 semaphore(%run_scoped3A : memref<!tpu.dma_semaphore, #tpu.memory_space<semaphore_mem>>) src(%dma_wait3A_81 : memref<128xi32, #tpu.memory_space<hbm>>) dst(%arg8 : memref<128xi32, #tpu.memory_space<vmem>>)
        tpu.yield
      }) : () -> ()
      "tpu.region"() ({
        %run_scoped3A = tpu.sem_alloc : memref<!tpu.dma_semaphore, #tpu.memory_space<semaphore_mem>>
        %dma_start3A_78 = tpu.memref_slice %arg4[%multiple_of3A_55] : memref<323584xi32, #tpu.memory_space<hbm>> -> memref<128xi32, #tpu.memory_space<hbm>>
        %dma_start3A_79 = tpu.memref_slice %arg4[%multiple_of3A_55] : memref<323584xi32, #tpu.memory_space<hbm>> -> memref<128xi32, #tpu.memory_space<hbm>>
        tpu.enqueue_dma source(%dma_start3A_79 : memref<128xi32, #tpu.memory_space<hbm>>) target(%arg10 : memref<128xi32, #tpu.memory_space<vmem>>) target_semaphore(%run_scoped3A : memref<!tpu.dma_semaphore, #tpu.memory_space<semaphore_mem>>)
        %dma_wait3A_80 = tpu.memref_slice %arg4[%multiple_of3A_55] : memref<323584xi32, #tpu.memory_space<hbm>> -> memref<128xi32, #tpu.memory_space<hbm>>
        %dma_wait3A_81 = tpu.memref_slice %arg4[%multiple_of3A_55] : memref<323584xi32, #tpu.memory_space<hbm>> -> memref<128xi32, #tpu.memory_space<hbm>>
        tpu.wait_dma2 semaphore(%run_scoped3A : memref<!tpu.dma_semaphore, #tpu.memory_space<semaphore_mem>>) src(%dma_wait3A_81 : memref<128xi32, #tpu.memory_space<hbm>>) dst(%arg10 : memref<128xi32, #tpu.memory_space<vmem>>)
        tpu.yield
      }) : () -> ()
      %dma_start3A = arith.constant 0 : i32
      %dma_start3A_62 = arith.constant 0 : i32
      %dma_start3A_63 = tpu.memref_slice %arg2[%dma_start3A, %dma_start3A_62] : memref<208x128xf32, #tpu.memory_space<hbm>> -> memref<208x128xf32, #tpu.memory_space<hbm>>
      tpu.enqueue_indirect_dma source(%dma_start3A_63 : memref<208x128xf32, #tpu.memory_space<hbm>>) target(%arg12 : memref<128x128xf32, #tpu.memory_space<vmem>>) offsets(%arg8 : memref<128xi32, #tpu.memory_space<vmem>>) semaphore(%arg15 : memref<!tpu.dma_semaphore, #tpu.memory_space<semaphore_mem>>)
      "tpu.region"() ({
        %run_scoped3A = tpu.sem_alloc : memref<!tpu.dma_semaphore, #tpu.memory_space<semaphore_mem>>
        %dma_start3A_78 = tpu.memref_slice %arg3[%multiple_of3A_61] : memref<323584xi32, #tpu.memory_space<hbm>> -> memref<128xi32, #tpu.memory_space<hbm>>
        %dma_start3A_79 = tpu.memref_slice %arg3[%multiple_of3A_61] : memref<323584xi32, #tpu.memory_space<hbm>> -> memref<128xi32, #tpu.memory_space<hbm>>
        tpu.enqueue_dma source(%dma_start3A_79 : memref<128xi32, #tpu.memory_space<hbm>>) target(%arg9 : memref<128xi32, #tpu.memory_space<vmem>>) target_semaphore(%run_scoped3A : memref<!tpu.dma_semaphore, #tpu.memory_space<semaphore_mem>>)
        %dma_wait3A_80 = tpu.memref_slice %arg3[%multiple_of3A_61] : memref<323584xi32, #tpu.memory_space<hbm>> -> memref<128xi32, #tpu.memory_space<hbm>>
        %dma_wait3A_81 = tpu.memref_slice %arg3[%multiple_of3A_61] : memref<323584xi32, #tpu.memory_space<hbm>> -> memref<128xi32, #tpu.memory_space<hbm>>
        tpu.wait_dma2 semaphore(%run_scoped3A : memref<!tpu.dma_semaphore, #tpu.memory_space<semaphore_mem>>) src(%dma_wait3A_81 : memref<128xi32, #tpu.memory_space<hbm>>) dst(%arg9 : memref<128xi32, #tpu.memory_space<vmem>>)
        tpu.yield
      }) : () -> ()
      "tpu.region"() ({
        %run_scoped3A = tpu.sem_alloc : memref<!tpu.dma_semaphore, #tpu.memory_space<semaphore_mem>>
        %dma_start3A_78 = tpu.memref_slice %arg4[%multiple_of3A_61] : memref<323584xi32, #tpu.memory_space<hbm>> -> memref<128xi32, #tpu.memory_space<hbm>>
        %dma_start3A_79 = tpu.memref_slice %arg4[%multiple_of3A_61] : memref<323584xi32, #tpu.memory_space<hbm>> -> memref<128xi32, #tpu.memory_space<hbm>>
        tpu.enqueue_dma source(%dma_start3A_79 : memref<128xi32, #tpu.memory_space<hbm>>) target(%arg11 : memref<128xi32, #tpu.memory_space<vmem>>) target_semaphore(%run_scoped3A : memref<!tpu.dma_semaphore, #tpu.memory_space<semaphore_mem>>)
        %dma_wait3A_80 = tpu.memref_slice %arg4[%multiple_of3A_61] : memref<323584xi32, #tpu.memory_space<hbm>> -> memref<128xi32, #tpu.memory_space<hbm>>
        %dma_wait3A_81 = tpu.memref_slice %arg4[%multiple_of3A_61] : memref<323584xi32, #tpu.memory_space<hbm>> -> memref<128xi32, #tpu.memory_space<hbm>>
        tpu.wait_dma2 semaphore(%run_scoped3A : memref<!tpu.dma_semaphore, #tpu.memory_space<semaphore_mem>>) src(%dma_wait3A_81 : memref<128xi32, #tpu.memory_space<hbm>>) dst(%arg11 : memref<128xi32, #tpu.memory_space<vmem>>)
        tpu.yield
      }) : () -> ()
      %dma_wait3A = arith.constant 0 : i32
      %dma_wait3A_64 = arith.constant 0 : i32
      %dma_wait3A_65 = tpu.memref_slice %arg2[%dma_wait3A, %dma_wait3A_64] : memref<208x128xf32, #tpu.memory_space<hbm>> -> memref<208x128xf32, #tpu.memory_space<hbm>>
      tpu.wait_indirect_dma semaphore(%arg15 : memref<!tpu.dma_semaphore, #tpu.memory_space<semaphore_mem>>) src(%dma_wait3A_65 : memref<208x128xf32, #tpu.memory_space<hbm>>) dst(%arg12 : memref<128x128xf32, #tpu.memory_space<vmem>>)
      %dma_start3A_66 = arith.constant 0 : i32
      %dma_start3A_67 = arith.constant 0 : i32
      %dma_start3A_68 = tpu.memref_slice %arg14[%dma_start3A_66, %dma_start3A_67] : memref<10240x128xf32, #tpu.memory_space<vmem_shared>> -> memref<10240x128xf32, #tpu.memory_space<vmem_shared>>
      tpu.enqueue_indirect_dma source(%arg12 : memref<128x128xf32, #tpu.memory_space<vmem>>) target(%dma_start3A_68 : memref<10240x128xf32, #tpu.memory_space<vmem_shared>>) offsets(%arg10 : memref<128xi32, #tpu.memory_space<vmem>>) semaphore(%arg16 : memref<!tpu.dma_semaphore, #tpu.memory_space<semaphore_mem>>) {add = true}
      %dma_start3A_69 = arith.constant 0 : i32
      %dma_start3A_70 = arith.constant 0 : i32
      %dma_start3A_71 = tpu.memref_slice %arg2[%dma_start3A_69, %dma_start3A_70] : memref<208x128xf32, #tpu.memory_space<hbm>> -> memref<208x128xf32, #tpu.memory_space<hbm>>
      tpu.enqueue_indirect_dma source(%dma_start3A_71 : memref<208x128xf32, #tpu.memory_space<hbm>>) target(%arg13 : memref<128x128xf32, #tpu.memory_space<vmem>>) offsets(%arg9 : memref<128xi32, #tpu.memory_space<vmem>>) semaphore(%arg15 : memref<!tpu.dma_semaphore, #tpu.memory_space<semaphore_mem>>)
      %dma_wait3A_72 = arith.constant 0 : i32
      %dma_wait3A_73 = arith.constant 0 : i32
      %dma_wait3A_74 = tpu.memref_slice %arg2[%dma_wait3A_72, %dma_wait3A_73] : memref<208x128xf32, #tpu.memory_space<hbm>> -> memref<208x128xf32, #tpu.memory_space<hbm>>
      tpu.wait_indirect_dma semaphore(%arg15 : memref<!tpu.dma_semaphore, #tpu.memory_space<semaphore_mem>>) src(%dma_wait3A_74 : memref<208x128xf32, #tpu.memory_space<hbm>>) dst(%arg13 : memref<128x128xf32, #tpu.memory_space<vmem>>)
      %dma_wait3A_75 = arith.constant 0 : i32
      %dma_wait3A_76 = arith.constant 0 : i32
      %dma_wait3A_77 = tpu.memref_slice %arg14[%dma_wait3A_75, %dma_wait3A_76] : memref<10240x128xf32, #tpu.memory_space<vmem_shared>> -> memref<10240x128xf32, #tpu.memory_space<vmem_shared>>
      tpu.wait_indirect_dma semaphore(%arg16 : memref<!tpu.dma_semaphore, #tpu.memory_space<semaphore_mem>>) src(%arg12 : memref<128x128xf32, #tpu.memory_space<vmem>>) dst(%dma_wait3A_77 : memref<10240x128xf32, #tpu.memory_space<vmem_shared>>)
      "tpu.region"() ({
        %run_scoped3A = tpu.sem_alloc : memref<!tpu.dma_semaphore, #tpu.memory_space<semaphore_mem>>
        %dma_start3A_78 = arith.constant 0 : i32
        %dma_start3A_79 = arith.constant 0 : i32
        %dma_start3A_80 = tpu.memref_slice %arg14[%dma_start3A_78, %dma_start3A_79] : memref<10240x128xf32, #tpu.memory_space<vmem_shared>> -> memref<10240x128xf32, #tpu.memory_space<vmem_shared>>
        tpu.enqueue_indirect_dma source(%arg13 : memref<128x128xf32, #tpu.memory_space<vmem>>) target(%dma_start3A_80 : memref<10240x128xf32, #tpu.memory_space<vmem_shared>>) offsets(%arg11 : memref<128xi32, #tpu.memory_space<vmem>>) semaphore(%run_scoped3A : memref<!tpu.dma_semaphore, #tpu.memory_space<semaphore_mem>>) {add = true}
        %dma_wait3A_81 = arith.constant 0 : i32
        %dma_wait3A_82 = arith.constant 0 : i32
        %dma_wait3A_83 = tpu.memref_slice %arg14[%dma_wait3A_81, %dma_wait3A_82] : memref<10240x128xf32, #tpu.memory_space<vmem_shared>> -> memref<10240x128xf32, #tpu.memory_space<vmem_shared>>
        tpu.wait_indirect_dma semaphore(%run_scoped3A : memref<!tpu.dma_semaphore, #tpu.memory_space<semaphore_mem>>) src(%arg13 : memref<128x128xf32, #tpu.memory_space<vmem>>) dst(%dma_wait3A_83 : memref<10240x128xf32, #tpu.memory_space<vmem_shared>>)
        tpu.yield
      }) : () -> ()
    }
    %while3A_39 = arith.constant 1 : i32
    scf.for %while3A_49 = %while3A_37 to %while3A_33 step %while3A_39  : i32 {
      %mul3A_50 = arith.constant 2 : i32
      %mul3A_51 = arith.muli %while3A_49, %mul3A_50 : i32
      %mul3A_52 = arith.constant 128 : i32
      %mul3A_53 = arith.muli %mul3A_51, %mul3A_52 : i32
      %add3A_54 = arith.addi %mul3A_8, %mul3A_53 : i32
      %multiple_of3A_55 = tpu.assume_multiple %add3A_54, 128 : i32
      %add3A_56 = arith.constant 1 : i32
      %add3A_57 = arith.addi %mul3A_51, %add3A_56 : i32
      %mul3A_58 = arith.constant 128 : i32
      %mul3A_59 = arith.muli %add3A_57, %mul3A_58 : i32
      %add3A_60 = arith.addi %mul3A_8, %mul3A_59 : i32
      %multiple_of3A_61 = tpu.assume_multiple %add3A_60, 128 : i32
      "tpu.region"() ({
        %run_scoped3A = tpu.sem_alloc : memref<!tpu.dma_semaphore, #tpu.memory_space<semaphore_mem>>
        %dma_start3A_78 = tpu.memref_slice %arg3[%multiple_of3A_55] : memref<323584xi32, #tpu.memory_space<hbm>> -> memref<128xi32, #tpu.memory_space<hbm>>
        %dma_start3A_79 = tpu.memref_slice %arg3[%multiple_of3A_55] : memref<323584xi32, #tpu.memory_space<hbm>> -> memref<128xi32, #tpu.memory_space<hbm>>
        tpu.enqueue_dma source(%dma_start3A_79 : memref<128xi32, #tpu.memory_space<hbm>>) target(%arg8 : memref<128xi32, #tpu.memory_space<vmem>>) target_semaphore(%run_scoped3A : memref<!tpu.dma_semaphore, #tpu.memory_space<semaphore_mem>>)
        %dma_wait3A_80 = tpu.memref_slice %arg3[%multiple_of3A_55] : memref<323584xi32, #tpu.memory_space<hbm>> -> memref<128xi32, #tpu.memory_space<hbm>>
        %dma_wait3A_81 = tpu.memref_slice %arg3[%multiple_of3A_55] : memref<323584xi32, #tpu.memory_space<hbm>> -> memref<128xi32, #tpu.memory_space<hbm>>
        tpu.wait_dma2 semaphore(%run_scoped3A : memref<!tpu.dma_semaphore, #tpu.memory_space<semaphore_mem>>) src(%dma_wait3A_81 : memref<128xi32, #tpu.memory_space<hbm>>) dst(%arg8 : memref<128xi32, #tpu.memory_space<vmem>>)
        tpu.yield
      }) : () -> ()
      "tpu.region"() ({
        %run_scoped3A = tpu.sem_alloc : memref<!tpu.dma_semaphore, #tpu.memory_space<semaphore_mem>>
        %dma_start3A_78 = tpu.memref_slice %arg4[%multiple_of3A_55] : memref<323584xi32, #tpu.memory_space<hbm>> -> memref<128xi32, #tpu.memory_space<hbm>>
        %dma_start3A_79 = tpu.memref_slice %arg4[%multiple_of3A_55] : memref<323584xi32, #tpu.memory_space<hbm>> -> memref<128xi32, #tpu.memory_space<hbm>>
        tpu.enqueue_dma source(%dma_start3A_79 : memref<128xi32, #tpu.memory_space<hbm>>) target(%arg10 : memref<128xi32, #tpu.memory_space<vmem>>) target_semaphore(%run_scoped3A : memref<!tpu.dma_semaphore, #tpu.memory_space<semaphore_mem>>)
        %dma_wait3A_80 = tpu.memref_slice %arg4[%multiple_of3A_55] : memref<323584xi32, #tpu.memory_space<hbm>> -> memref<128xi32, #tpu.memory_space<hbm>>
        %dma_wait3A_81 = tpu.memref_slice %arg4[%multiple_of3A_55] : memref<323584xi32, #tpu.memory_space<hbm>> -> memref<128xi32, #tpu.memory_space<hbm>>
        tpu.wait_dma2 semaphore(%run_scoped3A : memref<!tpu.dma_semaphore, #tpu.memory_space<semaphore_mem>>) src(%dma_wait3A_81 : memref<128xi32, #tpu.memory_space<hbm>>) dst(%arg10 : memref<128xi32, #tpu.memory_space<vmem>>)
        tpu.yield
      }) : () -> ()
      %dma_start3A = arith.constant 0 : i32
      %dma_start3A_62 = arith.constant 0 : i32
      %dma_start3A_63 = tpu.memref_slice %arg2[%dma_start3A, %dma_start3A_62] : memref<208x128xf32, #tpu.memory_space<hbm>> -> memref<208x128xf32, #tpu.memory_space<hbm>>
      tpu.enqueue_indirect_dma source(%dma_start3A_63 : memref<208x128xf32, #tpu.memory_space<hbm>>) target(%arg12 : memref<128x128xf32, #tpu.memory_space<vmem>>) offsets(%arg8 : memref<128xi32, #tpu.memory_space<vmem>>) semaphore(%arg15 : memref<!tpu.dma_semaphore, #tpu.memory_space<semaphore_mem>>)
      "tpu.region"() ({
        %run_scoped3A = tpu.sem_alloc : memref<!tpu.dma_semaphore, #tpu.memory_space<semaphore_mem>>
        %dma_start3A_78 = tpu.memref_slice %arg3[%multiple_of3A_61] : memref<323584xi32, #tpu.memory_space<hbm>> -> memref<128xi32, #tpu.memory_space<hbm>>
        %dma_start3A_79 = tpu.memref_slice %arg3[%multiple_of3A_61] : memref<323584xi32, #tpu.memory_space<hbm>> -> memref<128xi32, #tpu.memory_space<hbm>>
        tpu.enqueue_dma source(%dma_start3A_79 : memref<128xi32, #tpu.memory_space<hbm>>) target(%arg9 : memref<128xi32, #tpu.memory_space<vmem>>) target_semaphore(%run_scoped3A : memref<!tpu.dma_semaphore, #tpu.memory_space<semaphore_mem>>)
        %dma_wait3A_80 = tpu.memref_slice %arg3[%multiple_of3A_61] : memref<323584xi32, #tpu.memory_space<hbm>> -> memref<128xi32, #tpu.memory_space<hbm>>
        %dma_wait3A_81 = tpu.memref_slice %arg3[%multiple_of3A_61] : memref<323584xi32, #tpu.memory_space<hbm>> -> memref<128xi32, #tpu.memory_space<hbm>>
        tpu.wait_dma2 semaphore(%run_scoped3A : memref<!tpu.dma_semaphore, #tpu.memory_space<semaphore_mem>>) src(%dma_wait3A_81 : memref<128xi32, #tpu.memory_space<hbm>>) dst(%arg9 : memref<128xi32, #tpu.memory_space<vmem>>)
        tpu.yield
      }) : () -> ()
      "tpu.region"() ({
        %run_scoped3A = tpu.sem_alloc : memref<!tpu.dma_semaphore, #tpu.memory_space<semaphore_mem>>
        %dma_start3A_78 = tpu.memref_slice %arg4[%multiple_of3A_61] : memref<323584xi32, #tpu.memory_space<hbm>> -> memref<128xi32, #tpu.memory_space<hbm>>
        %dma_start3A_79 = tpu.memref_slice %arg4[%multiple_of3A_61] : memref<323584xi32, #tpu.memory_space<hbm>> -> memref<128xi32, #tpu.memory_space<hbm>>
        tpu.enqueue_dma source(%dma_start3A_79 : memref<128xi32, #tpu.memory_space<hbm>>) target(%arg11 : memref<128xi32, #tpu.memory_space<vmem>>) target_semaphore(%run_scoped3A : memref<!tpu.dma_semaphore, #tpu.memory_space<semaphore_mem>>)
        %dma_wait3A_80 = tpu.memref_slice %arg4[%multiple_of3A_61] : memref<323584xi32, #tpu.memory_space<hbm>> -> memref<128xi32, #tpu.memory_space<hbm>>
        %dma_wait3A_81 = tpu.memref_slice %arg4[%multiple_of3A_61] : memref<323584xi32, #tpu.memory_space<hbm>> -> memref<128xi32, #tpu.memory_space<hbm>>
        tpu.wait_dma2 semaphore(%run_scoped3A : memref<!tpu.dma_semaphore, #tpu.memory_space<semaphore_mem>>) src(%dma_wait3A_81 : memref<128xi32, #tpu.memory_space<hbm>>) dst(%arg11 : memref<128xi32, #tpu.memory_space<vmem>>)
        tpu.yield
      }) : () -> ()
      %dma_wait3A = arith.constant 0 : i32
      %dma_wait3A_64 = arith.constant 0 : i32
      %dma_wait3A_65 = tpu.memref_slice %arg2[%dma_wait3A, %dma_wait3A_64] : memref<208x128xf32, #tpu.memory_space<hbm>> -> memref<208x128xf32, #tpu.memory_space<hbm>>
      tpu.wait_indirect_dma semaphore(%arg15 : memref<!tpu.dma_semaphore, #tpu.memory_space<semaphore_mem>>) src(%dma_wait3A_65 : memref<208x128xf32, #tpu.memory_space<hbm>>) dst(%arg12 : memref<128x128xf32, #tpu.memory_space<vmem>>)
      %dma_start3A_66 = arith.constant 0 : i32
      %dma_start3A_67 = arith.constant 0 : i32
      %dma_start3A_68 = tpu.memref_slice %arg14[%dma_start3A_66, %dma_start3A_67] : memref<10240x128xf32, #tpu.memory_space<vmem_shared>> -> memref<10240x128xf32, #tpu.memory_space<vmem_shared>>
      tpu.enqueue_indirect_dma source(%arg12 : memref<128x128xf32, #tpu.memory_space<vmem>>) target(%dma_start3A_68 : memref<10240x128xf32, #tpu.memory_space<vmem_shared>>) offsets(%arg10 : memref<128xi32, #tpu.memory_space<vmem>>) semaphore(%arg16 : memref<!tpu.dma_semaphore, #tpu.memory_space<semaphore_mem>>) {add = true}
      %dma_start3A_69 = arith.constant 0 : i32
      %dma_start3A_70 = arith.constant 0 : i32
      %dma_start3A_71 = tpu.memref_slice %arg2[%dma_start3A_69, %dma_start3A_70] : memref<208x128xf32, #tpu.memory_space<hbm>> -> memref<208x128xf32, #tpu.memory_space<hbm>>
      tpu.enqueue_indirect_dma source(%dma_start3A_71 : memref<208x128xf32, #tpu.memory_space<hbm>>) target(%arg13 : memref<128x128xf32, #tpu.memory_space<vmem>>) offsets(%arg9 : memref<128xi32, #tpu.memory_space<vmem>>) semaphore(%arg15 : memref<!tpu.dma_semaphore, #tpu.memory_space<semaphore_mem>>)
      %dma_wait3A_72 = arith.constant 0 : i32
      %dma_wait3A_73 = arith.constant 0 : i32
      %dma_wait3A_74 = tpu.memref_slice %arg2[%dma_wait3A_72, %dma_wait3A_73] : memref<208x128xf32, #tpu.memory_space<hbm>> -> memref<208x128xf32, #tpu.memory_space<hbm>>
      tpu.wait_indirect_dma semaphore(%arg15 : memref<!tpu.dma_semaphore, #tpu.memory_space<semaphore_mem>>) src(%dma_wait3A_74 : memref<208x128xf32, #tpu.memory_space<hbm>>) dst(%arg13 : memref<128x128xf32, #tpu.memory_space<vmem>>)
      %dma_wait3A_75 = arith.constant 0 : i32
      %dma_wait3A_76 = arith.constant 0 : i32
      %dma_wait3A_77 = tpu.memref_slice %arg14[%dma_wait3A_75, %dma_wait3A_76] : memref<10240x128xf32, #tpu.memory_space<vmem_shared>> -> memref<10240x128xf32, #tpu.memory_space<vmem_shared>>
      tpu.wait_indirect_dma semaphore(%arg16 : memref<!tpu.dma_semaphore, #tpu.memory_space<semaphore_mem>>) src(%arg12 : memref<128x128xf32, #tpu.memory_space<vmem>>) dst(%dma_wait3A_77 : memref<10240x128xf32, #tpu.memory_space<vmem_shared>>)
      "tpu.region"() ({
        %run_scoped3A = tpu.sem_alloc : memref<!tpu.dma_semaphore, #tpu.memory_space<semaphore_mem>>
        %dma_start3A_78 = arith.constant 0 : i32
        %dma_start3A_79 = arith.constant 0 : i32
        %dma_start3A_80 = tpu.memref_slice %arg14[%dma_start3A_78, %dma_start3A_79] : memref<10240x128xf32, #tpu.memory_space<vmem_shared>> -> memref<10240x128xf32, #tpu.memory_space<vmem_shared>>
        tpu.enqueue_indirect_dma source(%arg13 : memref<128x128xf32, #tpu.memory_space<vmem>>) target(%dma_start3A_80 : memref<10240x128xf32, #tpu.memory_space<vmem_shared>>) offsets(%arg11 : memref<128xi32, #tpu.memory_space<vmem>>) semaphore(%run_scoped3A : memref<!tpu.dma_semaphore, #tpu.memory_space<semaphore_mem>>) {add = true}
        %dma_wait3A_81 = arith.constant 0 : i32
        %dma_wait3A_82 = arith.constant 0 : i32
        %dma_wait3A_83 = tpu.memref_slice %arg14[%dma_wait3A_81, %dma_wait3A_82] : memref<10240x128xf32, #tpu.memory_space<vmem_shared>> -> memref<10240x128xf32, #tpu.memory_space<vmem_shared>>
        tpu.wait_indirect_dma semaphore(%run_scoped3A : memref<!tpu.dma_semaphore, #tpu.memory_space<semaphore_mem>>) src(%arg13 : memref<128x128xf32, #tpu.memory_space<vmem>>) dst(%dma_wait3A_83 : memref<10240x128xf32, #tpu.memory_space<vmem_shared>>)
        tpu.yield
      }) : () -> ()
    }
    %barrier3A_40 = arith.constant 0 : index
    tpu.barrier barrier_id(%barrier3A_40)
    %eq3A_41 = arith.constant 0 : i32
    %eq3A_42 = arith.cmpi eq, %arg0, %eq3A_41 : i32
    %convert_element_type3A = arith.extui %eq3A_42 : i1 to i32
    %cond3A = arith.constant 0 : i32
    %cond3A_43 = arith.cmpi ne, %convert_element_type3A, %cond3A : i32
    scf.if %cond3A_43 {
      "tpu.region"() ({
        %run_scoped3A = tpu.sem_alloc : memref<!tpu.dma_semaphore, #tpu.memory_space<semaphore_mem>>
        %dma_start3A = arith.constant 0 : i32
        %dma_start3A_49 = tpu.memref_slice %arg6[%multiple_of3A, %dma_start3A] : memref<10240x128xf32, #tpu.memory_space<hbm>> -> memref<640x128xf32, #tpu.memory_space<hbm>>
        %dma_start3A_50 = arith.constant 0 : i32
        %dma_start3A_51 = tpu.memref_slice %arg14[%multiple_of3A, %dma_start3A_50] : memref<10240x128xf32, #tpu.memory_space<vmem_shared>> -> memref<640x128xf32, #tpu.memory_space<vmem_shared>>
        tpu.enqueue_dma source(%dma_start3A_51 : memref<640x128xf32, #tpu.memory_space<vmem_shared>>) target(%dma_start3A_49 : memref<640x128xf32, #tpu.memory_space<hbm>>) target_semaphore(%run_scoped3A : memref<!tpu.dma_semaphore, #tpu.memory_space<semaphore_mem>>)
        %dma_wait3A = arith.constant 0 : i32
        %dma_wait3A_52 = tpu.memref_slice %arg6[%multiple_of3A, %dma_wait3A] : memref<10240x128xf32, #tpu.memory_space<hbm>> -> memref<640x128xf32, #tpu.memory_space<hbm>>
        %dma_wait3A_53 = arith.constant 0 : i32
        %dma_wait3A_54 = tpu.memref_slice %arg14[%multiple_of3A, %dma_wait3A_53] : memref<10240x128xf32, #tpu.memory_space<vmem_shared>> -> memref<640x128xf32, #tpu.memory_space<vmem_shared>>
        tpu.wait_dma2 semaphore(%run_scoped3A : memref<!tpu.dma_semaphore, #tpu.memory_space<semaphore_mem>>) src(%dma_wait3A_54 : memref<640x128xf32, #tpu.memory_space<vmem_shared>>) dst(%dma_wait3A_52 : memref<640x128xf32, #tpu.memory_space<hbm>>)
        tpu.yield
      }) : () -> ()
    } else {
    }
    %eq3A_44 = arith.constant 1 : i32
    %eq3A_45 = arith.cmpi eq, %arg0, %eq3A_44 : i32
    %convert_element_type3A_46 = arith.extui %eq3A_45 : i1 to i32
    %cond3A_47 = arith.constant 0 : i32
    %cond3A_48 = arith.cmpi ne, %convert_element_type3A_46, %cond3A_47 : i32
    scf.if %cond3A_48 {
      "tpu.region"() ({
        %run_scoped3A = tpu.sem_alloc : memref<!tpu.dma_semaphore, #tpu.memory_space<semaphore_mem>>
        %dma_start3A = arith.constant 0 : i32
        %dma_start3A_49 = tpu.memref_slice %arg7[%multiple_of3A, %dma_start3A] : memref<10240x128xf32, #tpu.memory_space<hbm>> -> memref<640x128xf32, #tpu.memory_space<hbm>>
        %dma_start3A_50 = arith.constant 0 : i32
        %dma_start3A_51 = tpu.memref_slice %arg14[%multiple_of3A, %dma_start3A_50] : memref<10240x128xf32, #tpu.memory_space<vmem_shared>> -> memref<640x128xf32, #tpu.memory_space<vmem_shared>>
        tpu.enqueue_dma source(%dma_start3A_51 : memref<640x128xf32, #tpu.memory_space<vmem_shared>>) target(%dma_start3A_49 : memref<640x128xf32, #tpu.memory_space<hbm>>) target_semaphore(%run_scoped3A : memref<!tpu.dma_semaphore, #tpu.memory_space<semaphore_mem>>)
        %dma_wait3A = arith.constant 0 : i32
        %dma_wait3A_52 = tpu.memref_slice %arg7[%multiple_of3A, %dma_wait3A] : memref<10240x128xf32, #tpu.memory_space<hbm>> -> memref<640x128xf32, #tpu.memory_space<hbm>>
        %dma_wait3A_53 = arith.constant 0 : i32
        %dma_wait3A_54 = tpu.memref_slice %arg14[%multiple_of3A, %dma_wait3A_53] : memref<10240x128xf32, #tpu.memory_space<vmem_shared>> -> memref<640x128xf32, #tpu.memory_space<vmem_shared>>
        tpu.wait_dma2 semaphore(%run_scoped3A : memref<!tpu.dma_semaphore, #tpu.memory_space<semaphore_mem>>) src(%dma_wait3A_54 : memref<640x128xf32, #tpu.memory_space<vmem_shared>>) dst(%dma_wait3A_52 : memref<640x128xf32, #tpu.memory_space<hbm>>)
        tpu.yield
      }) : () -> ()
    } else {
    }
    return
  }
}

#map = affine_map<(d0, d1) -> (0, 0)>
#map1 = affine_map<(d0, d1) -> (0)>
module attributes {stable_mosaic.version = 14 : i64} {
  func.func @_agg(%arg0: i32, %arg1: i32, %arg2: memref<12288x128xf32, #tpu.memory_space<hbm>>, %arg3: memref<323584xi32, #tpu.memory_space<hbm>>, %arg4: memref<323584xi32, #tpu.memory_space<hbm>>, %arg5: memref<10240x128xf32, #tpu.memory_space<hbm>>, %arg6: memref<10240x128xf32, #tpu.memory_space<hbm>>, %arg7: memref<10240x128xf32, #tpu.memory_space<hbm>>, %arg8: memref<128xi32, #tpu.memory_space<vmem>>, %arg9: memref<128xi32, #tpu.memory_space<vmem>>, %arg10: memref<128xi32, #tpu.memory_space<vmem>>, %arg11: memref<128xi32, #tpu.memory_space<vmem>>, %arg12: memref<128x128xf32, #tpu.memory_space<vmem>>, %arg13: memref<128x128xf32, #tpu.memory_space<vmem>>, %arg14: memref<10240x128xf32, #tpu.memory_space<vmem_shared>>, %arg15: memref<!tpu.dma_semaphore, #tpu.memory_space<semaphore_mem>>, %arg16: memref<!tpu.dma_semaphore, #tpu.memory_space<semaphore_mem>>) attributes {dimension_semantics = [#tpu.dimension_semantics<core_parallel>, #tpu.dimension_semantics<subcore_parallel>], iteration_bounds = array<i64: 2, 16>, scalar_prefetch = 0 : i64, scratch_operands = 9 : i64, tpu.core_type = #tpu.core_type<sc_vector_subcore>, window_params = [{transform_indices = #map}, {transform_indices = #map1}, {transform_indices = #map1}, {transform_indices = #map}, {transform_indices = #map}, {transform_indices = #map}]} {
    %mul3A = arith.constant 640 : i32
    %mul3A_0 = arith.muli %arg1, %mul3A : i32
    %multiple_of3A = tpu.assume_multiple %mul3A_0, 640 : i32
    "tpu.region"() ({
      %run_scoped3A = tpu.sem_alloc : memref<!tpu.dma_semaphore, #tpu.memory_space<semaphore_mem>>
      %dma_start3A = arith.constant 0 : i32
      %dma_start3A_49 = tpu.memref_slice %arg14[%multiple_of3A, %dma_start3A] : memref<10240x128xf32, #tpu.memory_space<vmem_shared>> -> memref<640x128xf32, #tpu.memory_space<vmem_shared>>
      %dma_start3A_50 = arith.constant 0 : i32
      %dma_start3A_51 = tpu.memref_slice %arg5[%multiple_of3A, %dma_start3A_50] : memref<10240x128xf32, #tpu.memory_space<hbm>> -> memref<640x128xf32, #tpu.memory_space<hbm>>
      tpu.enqueue_dma source(%dma_start3A_51 : memref<640x128xf32, #tpu.memory_space<hbm>>) target(%dma_start3A_49 : memref<640x128xf32, #tpu.memory_space<vmem_shared>>) target_semaphore(%run_scoped3A : memref<!tpu.dma_semaphore, #tpu.memory_space<semaphore_mem>>)
      %dma_wait3A = arith.constant 0 : i32
      %dma_wait3A_52 = tpu.memref_slice %arg14[%multiple_of3A, %dma_wait3A] : memref<10240x128xf32, #tpu.memory_space<vmem_shared>> -> memref<640x128xf32, #tpu.memory_space<vmem_shared>>
      %dma_wait3A_53 = arith.constant 0 : i32
      %dma_wait3A_54 = tpu.memref_slice %arg5[%multiple_of3A, %dma_wait3A_53] : memref<10240x128xf32, #tpu.memory_space<hbm>> -> memref<640x128xf32, #tpu.memory_space<hbm>>
      tpu.wait_dma2 semaphore(%run_scoped3A : memref<!tpu.dma_semaphore, #tpu.memory_space<semaphore_mem>>) src(%dma_wait3A_54 : memref<640x128xf32, #tpu.memory_space<hbm>>) dst(%dma_wait3A_52 : memref<640x128xf32, #tpu.memory_space<vmem_shared>>)
      tpu.yield
    }) : () -> ()
    %barrier3A = arith.constant 0 : index
    tpu.barrier barrier_id(%barrier3A)
    %eq3A = arith.constant 0 : i32
    %eq3A_1 = arith.cmpi eq, %arg0, %eq3A : i32
    %mul3A_2 = arith.constant 106 : i32
    %mul3A_3 = arith.muli %arg1, %mul3A_2 : i32
    %mul3A_4 = arith.constant 52 : i32
    %mul3A_5 = arith.muli %arg1, %mul3A_4 : i32
    %add3A = arith.constant 1696 : i32
    %add3A_6 = arith.addi %add3A, %mul3A_5 : i32
    %select_n3A = arith.select %eq3A_1, %mul3A_3, %add3A_6 : i32
    %mul3A_7 = arith.constant 128 : i32
    %mul3A_8 = arith.muli %select_n3A, %mul3A_7 : i32
    %eq3A_9 = arith.constant 0 : i32
    %eq3A_10 = arith.cmpi eq, %arg0, %eq3A_9 : i32
    %jit3A = arith.constant 106 : i32
    %jit3A_11 = arith.constant 52 : i32
    %select_n3A_12 = arith.select %eq3A_10, %jit3A, %jit3A_11 : i32
    %jit3A_13 = arith.constant 2 : i32
    %div3A = arith.divsi %select_n3A_12, %jit3A_13 : i32
    %sign3A = arith.constant 0 : i32
    %sign3A_14 = arith.cmpi sgt, %select_n3A_12, %sign3A : i32
    %sign3A_15 = arith.extui %sign3A_14 : i1 to i32
    %sign3A_16 = arith.constant 0 : i32
    %sign3A_17 = arith.cmpi slt, %select_n3A_12, %sign3A_16 : i32
    %sign3A_18 = arith.extui %sign3A_17 : i1 to i32
    %sign3A_19 = arith.subi %sign3A_15, %sign3A_18 : i32
    %sign3A_20 = arith.constant 0 : i32
    %sign3A_21 = arith.cmpi sgt, %jit3A_13, %sign3A_20 : i32
    %sign3A_22 = arith.extui %sign3A_21 : i1 to i32
    %sign3A_23 = arith.constant 0 : i32
    %sign3A_24 = arith.cmpi slt, %jit3A_13, %sign3A_23 : i32
    %sign3A_25 = arith.extui %sign3A_24 : i1 to i32
    %sign3A_26 = arith.subi %sign3A_22, %sign3A_25 : i32
    %ne3A = arith.cmpi ne, %sign3A_19, %sign3A_26 : i32
    %rem3A = arith.remsi %select_n3A_12, %jit3A_13 : i32
    %ne3A_27 = arith.constant 0 : i32
    %ne3A_28 = arith.cmpi ne, %rem3A, %ne3A_27 : i32
    %and3A = arith.andi %ne3A, %ne3A_28 : i1
    %sub3A = arith.constant 1 : i32
    %sub3A_29 = arith.subi %div3A, %sub3A : i32
    %select_n3A_30 = arith.select %and3A, %sub3A_29, %div3A : i32
    %while3A = arith.constant 0 : i32
    %while3A_31 = arith.constant 0 : i32
    %while3A_32 = arith.subi %select_n3A_30, %while3A_31 : i32
    %while3A_33 = arith.addi %while3A_31, %while3A_32 : i32
    %while3A_34 = arith.constant 1 : i32
    %while3A_35 = arith.divsi %while3A_32, %while3A_34 : i32
    %while3A_36 = arith.muli %while3A_35, %while3A_34 : i32
    %while3A_37 = arith.addi %while3A_31, %while3A_36 : i32
    %while3A_38 = arith.constant 1 : i32
    scf.for %while3A_49 = %while3A_31 to %while3A_37 step %while3A_38  : i32 {
      %mul3A_50 = arith.constant 2 : i32
      %mul3A_51 = arith.muli %while3A_49, %mul3A_50 : i32
      %mul3A_52 = arith.constant 128 : i32
      %mul3A_53 = arith.muli %mul3A_51, %mul3A_52 : i32
      %add3A_54 = arith.addi %mul3A_8, %mul3A_53 : i32
      %multiple_of3A_55 = tpu.assume_multiple %add3A_54, 128 : i32
      %add3A_56 = arith.constant 1 : i32
      %add3A_57 = arith.addi %mul3A_51, %add3A_56 : i32
      %mul3A_58 = arith.constant 128 : i32
      %mul3A_59 = arith.muli %add3A_57, %mul3A_58 : i32
      %add3A_60 = arith.addi %mul3A_8, %mul3A_59 : i32
      %multiple_of3A_61 = tpu.assume_multiple %add3A_60, 128 : i32
      "tpu.region"() ({
        %run_scoped3A = tpu.sem_alloc : memref<!tpu.dma_semaphore, #tpu.memory_space<semaphore_mem>>
        %dma_start3A_78 = tpu.memref_slice %arg3[%multiple_of3A_55] : memref<323584xi32, #tpu.memory_space<hbm>> -> memref<128xi32, #tpu.memory_space<hbm>>
        %dma_start3A_79 = tpu.memref_slice %arg3[%multiple_of3A_55] : memref<323584xi32, #tpu.memory_space<hbm>> -> memref<128xi32, #tpu.memory_space<hbm>>
        tpu.enqueue_dma source(%dma_start3A_79 : memref<128xi32, #tpu.memory_space<hbm>>) target(%arg8 : memref<128xi32, #tpu.memory_space<vmem>>) target_semaphore(%run_scoped3A : memref<!tpu.dma_semaphore, #tpu.memory_space<semaphore_mem>>)
        %dma_wait3A_80 = tpu.memref_slice %arg3[%multiple_of3A_55] : memref<323584xi32, #tpu.memory_space<hbm>> -> memref<128xi32, #tpu.memory_space<hbm>>
        %dma_wait3A_81 = tpu.memref_slice %arg3[%multiple_of3A_55] : memref<323584xi32, #tpu.memory_space<hbm>> -> memref<128xi32, #tpu.memory_space<hbm>>
        tpu.wait_dma2 semaphore(%run_scoped3A : memref<!tpu.dma_semaphore, #tpu.memory_space<semaphore_mem>>) src(%dma_wait3A_81 : memref<128xi32, #tpu.memory_space<hbm>>) dst(%arg8 : memref<128xi32, #tpu.memory_space<vmem>>)
        tpu.yield
      }) : () -> ()
      "tpu.region"() ({
        %run_scoped3A = tpu.sem_alloc : memref<!tpu.dma_semaphore, #tpu.memory_space<semaphore_mem>>
        %dma_start3A_78 = tpu.memref_slice %arg4[%multiple_of3A_55] : memref<323584xi32, #tpu.memory_space<hbm>> -> memref<128xi32, #tpu.memory_space<hbm>>
        %dma_start3A_79 = tpu.memref_slice %arg4[%multiple_of3A_55] : memref<323584xi32, #tpu.memory_space<hbm>> -> memref<128xi32, #tpu.memory_space<hbm>>
        tpu.enqueue_dma source(%dma_start3A_79 : memref<128xi32, #tpu.memory_space<hbm>>) target(%arg10 : memref<128xi32, #tpu.memory_space<vmem>>) target_semaphore(%run_scoped3A : memref<!tpu.dma_semaphore, #tpu.memory_space<semaphore_mem>>)
        %dma_wait3A_80 = tpu.memref_slice %arg4[%multiple_of3A_55] : memref<323584xi32, #tpu.memory_space<hbm>> -> memref<128xi32, #tpu.memory_space<hbm>>
        %dma_wait3A_81 = tpu.memref_slice %arg4[%multiple_of3A_55] : memref<323584xi32, #tpu.memory_space<hbm>> -> memref<128xi32, #tpu.memory_space<hbm>>
        tpu.wait_dma2 semaphore(%run_scoped3A : memref<!tpu.dma_semaphore, #tpu.memory_space<semaphore_mem>>) src(%dma_wait3A_81 : memref<128xi32, #tpu.memory_space<hbm>>) dst(%arg10 : memref<128xi32, #tpu.memory_space<vmem>>)
        tpu.yield
      }) : () -> ()
      %dma_start3A = arith.constant 0 : i32
      %dma_start3A_62 = arith.constant 0 : i32
      %dma_start3A_63 = tpu.memref_slice %arg2[%dma_start3A, %dma_start3A_62] : memref<12288x128xf32, #tpu.memory_space<hbm>> -> memref<12288x128xf32, #tpu.memory_space<hbm>>
      tpu.enqueue_indirect_dma source(%dma_start3A_63 : memref<12288x128xf32, #tpu.memory_space<hbm>>) target(%arg12 : memref<128x128xf32, #tpu.memory_space<vmem>>) offsets(%arg8 : memref<128xi32, #tpu.memory_space<vmem>>) semaphore(%arg15 : memref<!tpu.dma_semaphore, #tpu.memory_space<semaphore_mem>>)
      "tpu.region"() ({
        %run_scoped3A = tpu.sem_alloc : memref<!tpu.dma_semaphore, #tpu.memory_space<semaphore_mem>>
        %dma_start3A_78 = tpu.memref_slice %arg3[%multiple_of3A_61] : memref<323584xi32, #tpu.memory_space<hbm>> -> memref<128xi32, #tpu.memory_space<hbm>>
        %dma_start3A_79 = tpu.memref_slice %arg3[%multiple_of3A_61] : memref<323584xi32, #tpu.memory_space<hbm>> -> memref<128xi32, #tpu.memory_space<hbm>>
        tpu.enqueue_dma source(%dma_start3A_79 : memref<128xi32, #tpu.memory_space<hbm>>) target(%arg9 : memref<128xi32, #tpu.memory_space<vmem>>) target_semaphore(%run_scoped3A : memref<!tpu.dma_semaphore, #tpu.memory_space<semaphore_mem>>)
        %dma_wait3A_80 = tpu.memref_slice %arg3[%multiple_of3A_61] : memref<323584xi32, #tpu.memory_space<hbm>> -> memref<128xi32, #tpu.memory_space<hbm>>
        %dma_wait3A_81 = tpu.memref_slice %arg3[%multiple_of3A_61] : memref<323584xi32, #tpu.memory_space<hbm>> -> memref<128xi32, #tpu.memory_space<hbm>>
        tpu.wait_dma2 semaphore(%run_scoped3A : memref<!tpu.dma_semaphore, #tpu.memory_space<semaphore_mem>>) src(%dma_wait3A_81 : memref<128xi32, #tpu.memory_space<hbm>>) dst(%arg9 : memref<128xi32, #tpu.memory_space<vmem>>)
        tpu.yield
      }) : () -> ()
      "tpu.region"() ({
        %run_scoped3A = tpu.sem_alloc : memref<!tpu.dma_semaphore, #tpu.memory_space<semaphore_mem>>
        %dma_start3A_78 = tpu.memref_slice %arg4[%multiple_of3A_61] : memref<323584xi32, #tpu.memory_space<hbm>> -> memref<128xi32, #tpu.memory_space<hbm>>
        %dma_start3A_79 = tpu.memref_slice %arg4[%multiple_of3A_61] : memref<323584xi32, #tpu.memory_space<hbm>> -> memref<128xi32, #tpu.memory_space<hbm>>
        tpu.enqueue_dma source(%dma_start3A_79 : memref<128xi32, #tpu.memory_space<hbm>>) target(%arg11 : memref<128xi32, #tpu.memory_space<vmem>>) target_semaphore(%run_scoped3A : memref<!tpu.dma_semaphore, #tpu.memory_space<semaphore_mem>>)
        %dma_wait3A_80 = tpu.memref_slice %arg4[%multiple_of3A_61] : memref<323584xi32, #tpu.memory_space<hbm>> -> memref<128xi32, #tpu.memory_space<hbm>>
        %dma_wait3A_81 = tpu.memref_slice %arg4[%multiple_of3A_61] : memref<323584xi32, #tpu.memory_space<hbm>> -> memref<128xi32, #tpu.memory_space<hbm>>
        tpu.wait_dma2 semaphore(%run_scoped3A : memref<!tpu.dma_semaphore, #tpu.memory_space<semaphore_mem>>) src(%dma_wait3A_81 : memref<128xi32, #tpu.memory_space<hbm>>) dst(%arg11 : memref<128xi32, #tpu.memory_space<vmem>>)
        tpu.yield
      }) : () -> ()
      %dma_wait3A = arith.constant 0 : i32
      %dma_wait3A_64 = arith.constant 0 : i32
      %dma_wait3A_65 = tpu.memref_slice %arg2[%dma_wait3A, %dma_wait3A_64] : memref<12288x128xf32, #tpu.memory_space<hbm>> -> memref<12288x128xf32, #tpu.memory_space<hbm>>
      tpu.wait_indirect_dma semaphore(%arg15 : memref<!tpu.dma_semaphore, #tpu.memory_space<semaphore_mem>>) src(%dma_wait3A_65 : memref<12288x128xf32, #tpu.memory_space<hbm>>) dst(%arg12 : memref<128x128xf32, #tpu.memory_space<vmem>>)
      %dma_start3A_66 = arith.constant 0 : i32
      %dma_start3A_67 = arith.constant 0 : i32
      %dma_start3A_68 = tpu.memref_slice %arg14[%dma_start3A_66, %dma_start3A_67] : memref<10240x128xf32, #tpu.memory_space<vmem_shared>> -> memref<10240x128xf32, #tpu.memory_space<vmem_shared>>
      tpu.enqueue_indirect_dma source(%arg12 : memref<128x128xf32, #tpu.memory_space<vmem>>) target(%dma_start3A_68 : memref<10240x128xf32, #tpu.memory_space<vmem_shared>>) offsets(%arg10 : memref<128xi32, #tpu.memory_space<vmem>>) semaphore(%arg16 : memref<!tpu.dma_semaphore, #tpu.memory_space<semaphore_mem>>) {add = true}
      %dma_start3A_69 = arith.constant 0 : i32
      %dma_start3A_70 = arith.constant 0 : i32
      %dma_start3A_71 = tpu.memref_slice %arg2[%dma_start3A_69, %dma_start3A_70] : memref<12288x128xf32, #tpu.memory_space<hbm>> -> memref<12288x128xf32, #tpu.memory_space<hbm>>
      tpu.enqueue_indirect_dma source(%dma_start3A_71 : memref<12288x128xf32, #tpu.memory_space<hbm>>) target(%arg13 : memref<128x128xf32, #tpu.memory_space<vmem>>) offsets(%arg9 : memref<128xi32, #tpu.memory_space<vmem>>) semaphore(%arg15 : memref<!tpu.dma_semaphore, #tpu.memory_space<semaphore_mem>>)
      %dma_wait3A_72 = arith.constant 0 : i32
      %dma_wait3A_73 = arith.constant 0 : i32
      %dma_wait3A_74 = tpu.memref_slice %arg2[%dma_wait3A_72, %dma_wait3A_73] : memref<12288x128xf32, #tpu.memory_space<hbm>> -> memref<12288x128xf32, #tpu.memory_space<hbm>>
      tpu.wait_indirect_dma semaphore(%arg15 : memref<!tpu.dma_semaphore, #tpu.memory_space<semaphore_mem>>) src(%dma_wait3A_74 : memref<12288x128xf32, #tpu.memory_space<hbm>>) dst(%arg13 : memref<128x128xf32, #tpu.memory_space<vmem>>)
      %dma_wait3A_75 = arith.constant 0 : i32
      %dma_wait3A_76 = arith.constant 0 : i32
      %dma_wait3A_77 = tpu.memref_slice %arg14[%dma_wait3A_75, %dma_wait3A_76] : memref<10240x128xf32, #tpu.memory_space<vmem_shared>> -> memref<10240x128xf32, #tpu.memory_space<vmem_shared>>
      tpu.wait_indirect_dma semaphore(%arg16 : memref<!tpu.dma_semaphore, #tpu.memory_space<semaphore_mem>>) src(%arg12 : memref<128x128xf32, #tpu.memory_space<vmem>>) dst(%dma_wait3A_77 : memref<10240x128xf32, #tpu.memory_space<vmem_shared>>)
      "tpu.region"() ({
        %run_scoped3A = tpu.sem_alloc : memref<!tpu.dma_semaphore, #tpu.memory_space<semaphore_mem>>
        %dma_start3A_78 = arith.constant 0 : i32
        %dma_start3A_79 = arith.constant 0 : i32
        %dma_start3A_80 = tpu.memref_slice %arg14[%dma_start3A_78, %dma_start3A_79] : memref<10240x128xf32, #tpu.memory_space<vmem_shared>> -> memref<10240x128xf32, #tpu.memory_space<vmem_shared>>
        tpu.enqueue_indirect_dma source(%arg13 : memref<128x128xf32, #tpu.memory_space<vmem>>) target(%dma_start3A_80 : memref<10240x128xf32, #tpu.memory_space<vmem_shared>>) offsets(%arg11 : memref<128xi32, #tpu.memory_space<vmem>>) semaphore(%run_scoped3A : memref<!tpu.dma_semaphore, #tpu.memory_space<semaphore_mem>>) {add = true}
        %dma_wait3A_81 = arith.constant 0 : i32
        %dma_wait3A_82 = arith.constant 0 : i32
        %dma_wait3A_83 = tpu.memref_slice %arg14[%dma_wait3A_81, %dma_wait3A_82] : memref<10240x128xf32, #tpu.memory_space<vmem_shared>> -> memref<10240x128xf32, #tpu.memory_space<vmem_shared>>
        tpu.wait_indirect_dma semaphore(%run_scoped3A : memref<!tpu.dma_semaphore, #tpu.memory_space<semaphore_mem>>) src(%arg13 : memref<128x128xf32, #tpu.memory_space<vmem>>) dst(%dma_wait3A_83 : memref<10240x128xf32, #tpu.memory_space<vmem_shared>>)
        tpu.yield
      }) : () -> ()
    }
    %while3A_39 = arith.constant 1 : i32
    scf.for %while3A_49 = %while3A_37 to %while3A_33 step %while3A_39  : i32 {
      %mul3A_50 = arith.constant 2 : i32
      %mul3A_51 = arith.muli %while3A_49, %mul3A_50 : i32
      %mul3A_52 = arith.constant 128 : i32
      %mul3A_53 = arith.muli %mul3A_51, %mul3A_52 : i32
      %add3A_54 = arith.addi %mul3A_8, %mul3A_53 : i32
      %multiple_of3A_55 = tpu.assume_multiple %add3A_54, 128 : i32
      %add3A_56 = arith.constant 1 : i32
      %add3A_57 = arith.addi %mul3A_51, %add3A_56 : i32
      %mul3A_58 = arith.constant 128 : i32
      %mul3A_59 = arith.muli %add3A_57, %mul3A_58 : i32
      %add3A_60 = arith.addi %mul3A_8, %mul3A_59 : i32
      %multiple_of3A_61 = tpu.assume_multiple %add3A_60, 128 : i32
      "tpu.region"() ({
        %run_scoped3A = tpu.sem_alloc : memref<!tpu.dma_semaphore, #tpu.memory_space<semaphore_mem>>
        %dma_start3A_78 = tpu.memref_slice %arg3[%multiple_of3A_55] : memref<323584xi32, #tpu.memory_space<hbm>> -> memref<128xi32, #tpu.memory_space<hbm>>
        %dma_start3A_79 = tpu.memref_slice %arg3[%multiple_of3A_55] : memref<323584xi32, #tpu.memory_space<hbm>> -> memref<128xi32, #tpu.memory_space<hbm>>
        tpu.enqueue_dma source(%dma_start3A_79 : memref<128xi32, #tpu.memory_space<hbm>>) target(%arg8 : memref<128xi32, #tpu.memory_space<vmem>>) target_semaphore(%run_scoped3A : memref<!tpu.dma_semaphore, #tpu.memory_space<semaphore_mem>>)
        %dma_wait3A_80 = tpu.memref_slice %arg3[%multiple_of3A_55] : memref<323584xi32, #tpu.memory_space<hbm>> -> memref<128xi32, #tpu.memory_space<hbm>>
        %dma_wait3A_81 = tpu.memref_slice %arg3[%multiple_of3A_55] : memref<323584xi32, #tpu.memory_space<hbm>> -> memref<128xi32, #tpu.memory_space<hbm>>
        tpu.wait_dma2 semaphore(%run_scoped3A : memref<!tpu.dma_semaphore, #tpu.memory_space<semaphore_mem>>) src(%dma_wait3A_81 : memref<128xi32, #tpu.memory_space<hbm>>) dst(%arg8 : memref<128xi32, #tpu.memory_space<vmem>>)
        tpu.yield
      }) : () -> ()
      "tpu.region"() ({
        %run_scoped3A = tpu.sem_alloc : memref<!tpu.dma_semaphore, #tpu.memory_space<semaphore_mem>>
        %dma_start3A_78 = tpu.memref_slice %arg4[%multiple_of3A_55] : memref<323584xi32, #tpu.memory_space<hbm>> -> memref<128xi32, #tpu.memory_space<hbm>>
        %dma_start3A_79 = tpu.memref_slice %arg4[%multiple_of3A_55] : memref<323584xi32, #tpu.memory_space<hbm>> -> memref<128xi32, #tpu.memory_space<hbm>>
        tpu.enqueue_dma source(%dma_start3A_79 : memref<128xi32, #tpu.memory_space<hbm>>) target(%arg10 : memref<128xi32, #tpu.memory_space<vmem>>) target_semaphore(%run_scoped3A : memref<!tpu.dma_semaphore, #tpu.memory_space<semaphore_mem>>)
        %dma_wait3A_80 = tpu.memref_slice %arg4[%multiple_of3A_55] : memref<323584xi32, #tpu.memory_space<hbm>> -> memref<128xi32, #tpu.memory_space<hbm>>
        %dma_wait3A_81 = tpu.memref_slice %arg4[%multiple_of3A_55] : memref<323584xi32, #tpu.memory_space<hbm>> -> memref<128xi32, #tpu.memory_space<hbm>>
        tpu.wait_dma2 semaphore(%run_scoped3A : memref<!tpu.dma_semaphore, #tpu.memory_space<semaphore_mem>>) src(%dma_wait3A_81 : memref<128xi32, #tpu.memory_space<hbm>>) dst(%arg10 : memref<128xi32, #tpu.memory_space<vmem>>)
        tpu.yield
      }) : () -> ()
      %dma_start3A = arith.constant 0 : i32
      %dma_start3A_62 = arith.constant 0 : i32
      %dma_start3A_63 = tpu.memref_slice %arg2[%dma_start3A, %dma_start3A_62] : memref<12288x128xf32, #tpu.memory_space<hbm>> -> memref<12288x128xf32, #tpu.memory_space<hbm>>
      tpu.enqueue_indirect_dma source(%dma_start3A_63 : memref<12288x128xf32, #tpu.memory_space<hbm>>) target(%arg12 : memref<128x128xf32, #tpu.memory_space<vmem>>) offsets(%arg8 : memref<128xi32, #tpu.memory_space<vmem>>) semaphore(%arg15 : memref<!tpu.dma_semaphore, #tpu.memory_space<semaphore_mem>>)
      "tpu.region"() ({
        %run_scoped3A = tpu.sem_alloc : memref<!tpu.dma_semaphore, #tpu.memory_space<semaphore_mem>>
        %dma_start3A_78 = tpu.memref_slice %arg3[%multiple_of3A_61] : memref<323584xi32, #tpu.memory_space<hbm>> -> memref<128xi32, #tpu.memory_space<hbm>>
        %dma_start3A_79 = tpu.memref_slice %arg3[%multiple_of3A_61] : memref<323584xi32, #tpu.memory_space<hbm>> -> memref<128xi32, #tpu.memory_space<hbm>>
        tpu.enqueue_dma source(%dma_start3A_79 : memref<128xi32, #tpu.memory_space<hbm>>) target(%arg9 : memref<128xi32, #tpu.memory_space<vmem>>) target_semaphore(%run_scoped3A : memref<!tpu.dma_semaphore, #tpu.memory_space<semaphore_mem>>)
        %dma_wait3A_80 = tpu.memref_slice %arg3[%multiple_of3A_61] : memref<323584xi32, #tpu.memory_space<hbm>> -> memref<128xi32, #tpu.memory_space<hbm>>
        %dma_wait3A_81 = tpu.memref_slice %arg3[%multiple_of3A_61] : memref<323584xi32, #tpu.memory_space<hbm>> -> memref<128xi32, #tpu.memory_space<hbm>>
        tpu.wait_dma2 semaphore(%run_scoped3A : memref<!tpu.dma_semaphore, #tpu.memory_space<semaphore_mem>>) src(%dma_wait3A_81 : memref<128xi32, #tpu.memory_space<hbm>>) dst(%arg9 : memref<128xi32, #tpu.memory_space<vmem>>)
        tpu.yield
      }) : () -> ()
      "tpu.region"() ({
        %run_scoped3A = tpu.sem_alloc : memref<!tpu.dma_semaphore, #tpu.memory_space<semaphore_mem>>
        %dma_start3A_78 = tpu.memref_slice %arg4[%multiple_of3A_61] : memref<323584xi32, #tpu.memory_space<hbm>> -> memref<128xi32, #tpu.memory_space<hbm>>
        %dma_start3A_79 = tpu.memref_slice %arg4[%multiple_of3A_61] : memref<323584xi32, #tpu.memory_space<hbm>> -> memref<128xi32, #tpu.memory_space<hbm>>
        tpu.enqueue_dma source(%dma_start3A_79 : memref<128xi32, #tpu.memory_space<hbm>>) target(%arg11 : memref<128xi32, #tpu.memory_space<vmem>>) target_semaphore(%run_scoped3A : memref<!tpu.dma_semaphore, #tpu.memory_space<semaphore_mem>>)
        %dma_wait3A_80 = tpu.memref_slice %arg4[%multiple_of3A_61] : memref<323584xi32, #tpu.memory_space<hbm>> -> memref<128xi32, #tpu.memory_space<hbm>>
        %dma_wait3A_81 = tpu.memref_slice %arg4[%multiple_of3A_61] : memref<323584xi32, #tpu.memory_space<hbm>> -> memref<128xi32, #tpu.memory_space<hbm>>
        tpu.wait_dma2 semaphore(%run_scoped3A : memref<!tpu.dma_semaphore, #tpu.memory_space<semaphore_mem>>) src(%dma_wait3A_81 : memref<128xi32, #tpu.memory_space<hbm>>) dst(%arg11 : memref<128xi32, #tpu.memory_space<vmem>>)
        tpu.yield
      }) : () -> ()
      %dma_wait3A = arith.constant 0 : i32
      %dma_wait3A_64 = arith.constant 0 : i32
      %dma_wait3A_65 = tpu.memref_slice %arg2[%dma_wait3A, %dma_wait3A_64] : memref<12288x128xf32, #tpu.memory_space<hbm>> -> memref<12288x128xf32, #tpu.memory_space<hbm>>
      tpu.wait_indirect_dma semaphore(%arg15 : memref<!tpu.dma_semaphore, #tpu.memory_space<semaphore_mem>>) src(%dma_wait3A_65 : memref<12288x128xf32, #tpu.memory_space<hbm>>) dst(%arg12 : memref<128x128xf32, #tpu.memory_space<vmem>>)
      %dma_start3A_66 = arith.constant 0 : i32
      %dma_start3A_67 = arith.constant 0 : i32
      %dma_start3A_68 = tpu.memref_slice %arg14[%dma_start3A_66, %dma_start3A_67] : memref<10240x128xf32, #tpu.memory_space<vmem_shared>> -> memref<10240x128xf32, #tpu.memory_space<vmem_shared>>
      tpu.enqueue_indirect_dma source(%arg12 : memref<128x128xf32, #tpu.memory_space<vmem>>) target(%dma_start3A_68 : memref<10240x128xf32, #tpu.memory_space<vmem_shared>>) offsets(%arg10 : memref<128xi32, #tpu.memory_space<vmem>>) semaphore(%arg16 : memref<!tpu.dma_semaphore, #tpu.memory_space<semaphore_mem>>) {add = true}
      %dma_start3A_69 = arith.constant 0 : i32
      %dma_start3A_70 = arith.constant 0 : i32
      %dma_start3A_71 = tpu.memref_slice %arg2[%dma_start3A_69, %dma_start3A_70] : memref<12288x128xf32, #tpu.memory_space<hbm>> -> memref<12288x128xf32, #tpu.memory_space<hbm>>
      tpu.enqueue_indirect_dma source(%dma_start3A_71 : memref<12288x128xf32, #tpu.memory_space<hbm>>) target(%arg13 : memref<128x128xf32, #tpu.memory_space<vmem>>) offsets(%arg9 : memref<128xi32, #tpu.memory_space<vmem>>) semaphore(%arg15 : memref<!tpu.dma_semaphore, #tpu.memory_space<semaphore_mem>>)
      %dma_wait3A_72 = arith.constant 0 : i32
      %dma_wait3A_73 = arith.constant 0 : i32
      %dma_wait3A_74 = tpu.memref_slice %arg2[%dma_wait3A_72, %dma_wait3A_73] : memref<12288x128xf32, #tpu.memory_space<hbm>> -> memref<12288x128xf32, #tpu.memory_space<hbm>>
      tpu.wait_indirect_dma semaphore(%arg15 : memref<!tpu.dma_semaphore, #tpu.memory_space<semaphore_mem>>) src(%dma_wait3A_74 : memref<12288x128xf32, #tpu.memory_space<hbm>>) dst(%arg13 : memref<128x128xf32, #tpu.memory_space<vmem>>)
      %dma_wait3A_75 = arith.constant 0 : i32
      %dma_wait3A_76 = arith.constant 0 : i32
      %dma_wait3A_77 = tpu.memref_slice %arg14[%dma_wait3A_75, %dma_wait3A_76] : memref<10240x128xf32, #tpu.memory_space<vmem_shared>> -> memref<10240x128xf32, #tpu.memory_space<vmem_shared>>
      tpu.wait_indirect_dma semaphore(%arg16 : memref<!tpu.dma_semaphore, #tpu.memory_space<semaphore_mem>>) src(%arg12 : memref<128x128xf32, #tpu.memory_space<vmem>>) dst(%dma_wait3A_77 : memref<10240x128xf32, #tpu.memory_space<vmem_shared>>)
      "tpu.region"() ({
        %run_scoped3A = tpu.sem_alloc : memref<!tpu.dma_semaphore, #tpu.memory_space<semaphore_mem>>
        %dma_start3A_78 = arith.constant 0 : i32
        %dma_start3A_79 = arith.constant 0 : i32
        %dma_start3A_80 = tpu.memref_slice %arg14[%dma_start3A_78, %dma_start3A_79] : memref<10240x128xf32, #tpu.memory_space<vmem_shared>> -> memref<10240x128xf32, #tpu.memory_space<vmem_shared>>
        tpu.enqueue_indirect_dma source(%arg13 : memref<128x128xf32, #tpu.memory_space<vmem>>) target(%dma_start3A_80 : memref<10240x128xf32, #tpu.memory_space<vmem_shared>>) offsets(%arg11 : memref<128xi32, #tpu.memory_space<vmem>>) semaphore(%run_scoped3A : memref<!tpu.dma_semaphore, #tpu.memory_space<semaphore_mem>>) {add = true}
        %dma_wait3A_81 = arith.constant 0 : i32
        %dma_wait3A_82 = arith.constant 0 : i32
        %dma_wait3A_83 = tpu.memref_slice %arg14[%dma_wait3A_81, %dma_wait3A_82] : memref<10240x128xf32, #tpu.memory_space<vmem_shared>> -> memref<10240x128xf32, #tpu.memory_space<vmem_shared>>
        tpu.wait_indirect_dma semaphore(%run_scoped3A : memref<!tpu.dma_semaphore, #tpu.memory_space<semaphore_mem>>) src(%arg13 : memref<128x128xf32, #tpu.memory_space<vmem>>) dst(%dma_wait3A_83 : memref<10240x128xf32, #tpu.memory_space<vmem_shared>>)
        tpu.yield
      }) : () -> ()
    }
    %barrier3A_40 = arith.constant 0 : index
    tpu.barrier barrier_id(%barrier3A_40)
    %eq3A_41 = arith.constant 0 : i32
    %eq3A_42 = arith.cmpi eq, %arg0, %eq3A_41 : i32
    %convert_element_type3A = arith.extui %eq3A_42 : i1 to i32
    %cond3A = arith.constant 0 : i32
    %cond3A_43 = arith.cmpi ne, %convert_element_type3A, %cond3A : i32
    scf.if %cond3A_43 {
      "tpu.region"() ({
        %run_scoped3A = tpu.sem_alloc : memref<!tpu.dma_semaphore, #tpu.memory_space<semaphore_mem>>
        %dma_start3A = arith.constant 0 : i32
        %dma_start3A_49 = tpu.memref_slice %arg6[%multiple_of3A, %dma_start3A] : memref<10240x128xf32, #tpu.memory_space<hbm>> -> memref<640x128xf32, #tpu.memory_space<hbm>>
        %dma_start3A_50 = arith.constant 0 : i32
        %dma_start3A_51 = tpu.memref_slice %arg14[%multiple_of3A, %dma_start3A_50] : memref<10240x128xf32, #tpu.memory_space<vmem_shared>> -> memref<640x128xf32, #tpu.memory_space<vmem_shared>>
        tpu.enqueue_dma source(%dma_start3A_51 : memref<640x128xf32, #tpu.memory_space<vmem_shared>>) target(%dma_start3A_49 : memref<640x128xf32, #tpu.memory_space<hbm>>) target_semaphore(%run_scoped3A : memref<!tpu.dma_semaphore, #tpu.memory_space<semaphore_mem>>)
        %dma_wait3A = arith.constant 0 : i32
        %dma_wait3A_52 = tpu.memref_slice %arg6[%multiple_of3A, %dma_wait3A] : memref<10240x128xf32, #tpu.memory_space<hbm>> -> memref<640x128xf32, #tpu.memory_space<hbm>>
        %dma_wait3A_53 = arith.constant 0 : i32
        %dma_wait3A_54 = tpu.memref_slice %arg14[%multiple_of3A, %dma_wait3A_53] : memref<10240x128xf32, #tpu.memory_space<vmem_shared>> -> memref<640x128xf32, #tpu.memory_space<vmem_shared>>
        tpu.wait_dma2 semaphore(%run_scoped3A : memref<!tpu.dma_semaphore, #tpu.memory_space<semaphore_mem>>) src(%dma_wait3A_54 : memref<640x128xf32, #tpu.memory_space<vmem_shared>>) dst(%dma_wait3A_52 : memref<640x128xf32, #tpu.memory_space<hbm>>)
        tpu.yield
      }) : () -> ()
    } else {
    }
    %eq3A_44 = arith.constant 1 : i32
    %eq3A_45 = arith.cmpi eq, %arg0, %eq3A_44 : i32
    %convert_element_type3A_46 = arith.extui %eq3A_45 : i1 to i32
    %cond3A_47 = arith.constant 0 : i32
    %cond3A_48 = arith.cmpi ne, %convert_element_type3A_46, %cond3A_47 : i32
    scf.if %cond3A_48 {
      "tpu.region"() ({
        %run_scoped3A = tpu.sem_alloc : memref<!tpu.dma_semaphore, #tpu.memory_space<semaphore_mem>>
        %dma_start3A = arith.constant 0 : i32
        %dma_start3A_49 = tpu.memref_slice %arg7[%multiple_of3A, %dma_start3A] : memref<10240x128xf32, #tpu.memory_space<hbm>> -> memref<640x128xf32, #tpu.memory_space<hbm>>
        %dma_start3A_50 = arith.constant 0 : i32
        %dma_start3A_51 = tpu.memref_slice %arg14[%multiple_of3A, %dma_start3A_50] : memref<10240x128xf32, #tpu.memory_space<vmem_shared>> -> memref<640x128xf32, #tpu.memory_space<vmem_shared>>
        tpu.enqueue_dma source(%dma_start3A_51 : memref<640x128xf32, #tpu.memory_space<vmem_shared>>) target(%dma_start3A_49 : memref<640x128xf32, #tpu.memory_space<hbm>>) target_semaphore(%run_scoped3A : memref<!tpu.dma_semaphore, #tpu.memory_space<semaphore_mem>>)
        %dma_wait3A = arith.constant 0 : i32
        %dma_wait3A_52 = tpu.memref_slice %arg7[%multiple_of3A, %dma_wait3A] : memref<10240x128xf32, #tpu.memory_space<hbm>> -> memref<640x128xf32, #tpu.memory_space<hbm>>
        %dma_wait3A_53 = arith.constant 0 : i32
        %dma_wait3A_54 = tpu.memref_slice %arg14[%multiple_of3A, %dma_wait3A_53] : memref<10240x128xf32, #tpu.memory_space<vmem_shared>> -> memref<640x128xf32, #tpu.memory_space<vmem_shared>>
        tpu.wait_dma2 semaphore(%run_scoped3A : memref<!tpu.dma_semaphore, #tpu.memory_space<semaphore_mem>>) src(%dma_wait3A_54 : memref<640x128xf32, #tpu.memory_space<vmem_shared>>) dst(%dma_wait3A_52 : memref<640x128xf32, #tpu.memory_space<hbm>>)
        tpu.yield
      }) : () -> ()
    } else {
    }
    return
  }
}

#map = affine_map<(d0, d1) -> (0, 0)>
#map1 = affine_map<(d0, d1) -> (0)>
module attributes {stable_mosaic.version = 14 : i64} {
  func.func @_agg(%arg0: i32, %arg1: i32, %arg2: memref<10240x128xf32, #tpu.memory_space<hbm>>, %arg3: memref<323584xi32, #tpu.memory_space<hbm>>, %arg4: memref<323584xi32, #tpu.memory_space<hbm>>, %arg5: memref<10240x128xf32, #tpu.memory_space<hbm>>, %arg6: memref<10240x128xf32, #tpu.memory_space<hbm>>, %arg7: memref<10240x128xf32, #tpu.memory_space<hbm>>, %arg8: memref<128xi32, #tpu.memory_space<vmem>>, %arg9: memref<128xi32, #tpu.memory_space<vmem>>, %arg10: memref<128xi32, #tpu.memory_space<vmem>>, %arg11: memref<128xi32, #tpu.memory_space<vmem>>, %arg12: memref<128x128xf32, #tpu.memory_space<vmem>>, %arg13: memref<128x128xf32, #tpu.memory_space<vmem>>, %arg14: memref<10240x128xf32, #tpu.memory_space<vmem_shared>>, %arg15: memref<!tpu.dma_semaphore, #tpu.memory_space<semaphore_mem>>, %arg16: memref<!tpu.dma_semaphore, #tpu.memory_space<semaphore_mem>>) attributes {dimension_semantics = [#tpu.dimension_semantics<core_parallel>, #tpu.dimension_semantics<subcore_parallel>], iteration_bounds = array<i64: 2, 16>, scalar_prefetch = 0 : i64, scratch_operands = 9 : i64, tpu.core_type = #tpu.core_type<sc_vector_subcore>, window_params = [{transform_indices = #map}, {transform_indices = #map1}, {transform_indices = #map1}, {transform_indices = #map}, {transform_indices = #map}, {transform_indices = #map}]} {
    %mul3A = arith.constant 640 : i32
    %mul3A_0 = arith.muli %arg1, %mul3A : i32
    %multiple_of3A = tpu.assume_multiple %mul3A_0, 640 : i32
    "tpu.region"() ({
      %run_scoped3A = tpu.sem_alloc : memref<!tpu.dma_semaphore, #tpu.memory_space<semaphore_mem>>
      %dma_start3A = arith.constant 0 : i32
      %dma_start3A_49 = tpu.memref_slice %arg14[%multiple_of3A, %dma_start3A] : memref<10240x128xf32, #tpu.memory_space<vmem_shared>> -> memref<640x128xf32, #tpu.memory_space<vmem_shared>>
      %dma_start3A_50 = arith.constant 0 : i32
      %dma_start3A_51 = tpu.memref_slice %arg5[%multiple_of3A, %dma_start3A_50] : memref<10240x128xf32, #tpu.memory_space<hbm>> -> memref<640x128xf32, #tpu.memory_space<hbm>>
      tpu.enqueue_dma source(%dma_start3A_51 : memref<640x128xf32, #tpu.memory_space<hbm>>) target(%dma_start3A_49 : memref<640x128xf32, #tpu.memory_space<vmem_shared>>) target_semaphore(%run_scoped3A : memref<!tpu.dma_semaphore, #tpu.memory_space<semaphore_mem>>)
      %dma_wait3A = arith.constant 0 : i32
      %dma_wait3A_52 = tpu.memref_slice %arg14[%multiple_of3A, %dma_wait3A] : memref<10240x128xf32, #tpu.memory_space<vmem_shared>> -> memref<640x128xf32, #tpu.memory_space<vmem_shared>>
      %dma_wait3A_53 = arith.constant 0 : i32
      %dma_wait3A_54 = tpu.memref_slice %arg5[%multiple_of3A, %dma_wait3A_53] : memref<10240x128xf32, #tpu.memory_space<hbm>> -> memref<640x128xf32, #tpu.memory_space<hbm>>
      tpu.wait_dma2 semaphore(%run_scoped3A : memref<!tpu.dma_semaphore, #tpu.memory_space<semaphore_mem>>) src(%dma_wait3A_54 : memref<640x128xf32, #tpu.memory_space<hbm>>) dst(%dma_wait3A_52 : memref<640x128xf32, #tpu.memory_space<vmem_shared>>)
      tpu.yield
    }) : () -> ()
    %barrier3A = arith.constant 0 : index
    tpu.barrier barrier_id(%barrier3A)
    %eq3A = arith.constant 0 : i32
    %eq3A_1 = arith.cmpi eq, %arg0, %eq3A : i32
    %mul3A_2 = arith.constant 106 : i32
    %mul3A_3 = arith.muli %arg1, %mul3A_2 : i32
    %mul3A_4 = arith.constant 52 : i32
    %mul3A_5 = arith.muli %arg1, %mul3A_4 : i32
    %add3A = arith.constant 1696 : i32
    %add3A_6 = arith.addi %add3A, %mul3A_5 : i32
    %select_n3A = arith.select %eq3A_1, %mul3A_3, %add3A_6 : i32
    %mul3A_7 = arith.constant 128 : i32
    %mul3A_8 = arith.muli %select_n3A, %mul3A_7 : i32
    %eq3A_9 = arith.constant 0 : i32
    %eq3A_10 = arith.cmpi eq, %arg0, %eq3A_9 : i32
    %jit3A = arith.constant 106 : i32
    %jit3A_11 = arith.constant 52 : i32
    %select_n3A_12 = arith.select %eq3A_10, %jit3A, %jit3A_11 : i32
    %jit3A_13 = arith.constant 2 : i32
    %div3A = arith.divsi %select_n3A_12, %jit3A_13 : i32
    %sign3A = arith.constant 0 : i32
    %sign3A_14 = arith.cmpi sgt, %select_n3A_12, %sign3A : i32
    %sign3A_15 = arith.extui %sign3A_14 : i1 to i32
    %sign3A_16 = arith.constant 0 : i32
    %sign3A_17 = arith.cmpi slt, %select_n3A_12, %sign3A_16 : i32
    %sign3A_18 = arith.extui %sign3A_17 : i1 to i32
    %sign3A_19 = arith.subi %sign3A_15, %sign3A_18 : i32
    %sign3A_20 = arith.constant 0 : i32
    %sign3A_21 = arith.cmpi sgt, %jit3A_13, %sign3A_20 : i32
    %sign3A_22 = arith.extui %sign3A_21 : i1 to i32
    %sign3A_23 = arith.constant 0 : i32
    %sign3A_24 = arith.cmpi slt, %jit3A_13, %sign3A_23 : i32
    %sign3A_25 = arith.extui %sign3A_24 : i1 to i32
    %sign3A_26 = arith.subi %sign3A_22, %sign3A_25 : i32
    %ne3A = arith.cmpi ne, %sign3A_19, %sign3A_26 : i32
    %rem3A = arith.remsi %select_n3A_12, %jit3A_13 : i32
    %ne3A_27 = arith.constant 0 : i32
    %ne3A_28 = arith.cmpi ne, %rem3A, %ne3A_27 : i32
    %and3A = arith.andi %ne3A, %ne3A_28 : i1
    %sub3A = arith.constant 1 : i32
    %sub3A_29 = arith.subi %div3A, %sub3A : i32
    %select_n3A_30 = arith.select %and3A, %sub3A_29, %div3A : i32
    %while3A = arith.constant 0 : i32
    %while3A_31 = arith.constant 0 : i32
    %while3A_32 = arith.subi %select_n3A_30, %while3A_31 : i32
    %while3A_33 = arith.addi %while3A_31, %while3A_32 : i32
    %while3A_34 = arith.constant 1 : i32
    %while3A_35 = arith.divsi %while3A_32, %while3A_34 : i32
    %while3A_36 = arith.muli %while3A_35, %while3A_34 : i32
    %while3A_37 = arith.addi %while3A_31, %while3A_36 : i32
    %while3A_38 = arith.constant 1 : i32
    scf.for %while3A_49 = %while3A_31 to %while3A_37 step %while3A_38  : i32 {
      %mul3A_50 = arith.constant 2 : i32
      %mul3A_51 = arith.muli %while3A_49, %mul3A_50 : i32
      %mul3A_52 = arith.constant 128 : i32
      %mul3A_53 = arith.muli %mul3A_51, %mul3A_52 : i32
      %add3A_54 = arith.addi %mul3A_8, %mul3A_53 : i32
      %multiple_of3A_55 = tpu.assume_multiple %add3A_54, 128 : i32
      %add3A_56 = arith.constant 1 : i32
      %add3A_57 = arith.addi %mul3A_51, %add3A_56 : i32
      %mul3A_58 = arith.constant 128 : i32
      %mul3A_59 = arith.muli %add3A_57, %mul3A_58 : i32
      %add3A_60 = arith.addi %mul3A_8, %mul3A_59 : i32
      %multiple_of3A_61 = tpu.assume_multiple %add3A_60, 128 : i32
      "tpu.region"() ({
        %run_scoped3A = tpu.sem_alloc : memref<!tpu.dma_semaphore, #tpu.memory_space<semaphore_mem>>
        %dma_start3A_78 = tpu.memref_slice %arg3[%multiple_of3A_55] : memref<323584xi32, #tpu.memory_space<hbm>> -> memref<128xi32, #tpu.memory_space<hbm>>
        %dma_start3A_79 = tpu.memref_slice %arg3[%multiple_of3A_55] : memref<323584xi32, #tpu.memory_space<hbm>> -> memref<128xi32, #tpu.memory_space<hbm>>
        tpu.enqueue_dma source(%dma_start3A_79 : memref<128xi32, #tpu.memory_space<hbm>>) target(%arg8 : memref<128xi32, #tpu.memory_space<vmem>>) target_semaphore(%run_scoped3A : memref<!tpu.dma_semaphore, #tpu.memory_space<semaphore_mem>>)
        %dma_wait3A_80 = tpu.memref_slice %arg3[%multiple_of3A_55] : memref<323584xi32, #tpu.memory_space<hbm>> -> memref<128xi32, #tpu.memory_space<hbm>>
        %dma_wait3A_81 = tpu.memref_slice %arg3[%multiple_of3A_55] : memref<323584xi32, #tpu.memory_space<hbm>> -> memref<128xi32, #tpu.memory_space<hbm>>
        tpu.wait_dma2 semaphore(%run_scoped3A : memref<!tpu.dma_semaphore, #tpu.memory_space<semaphore_mem>>) src(%dma_wait3A_81 : memref<128xi32, #tpu.memory_space<hbm>>) dst(%arg8 : memref<128xi32, #tpu.memory_space<vmem>>)
        tpu.yield
      }) : () -> ()
      "tpu.region"() ({
        %run_scoped3A = tpu.sem_alloc : memref<!tpu.dma_semaphore, #tpu.memory_space<semaphore_mem>>
        %dma_start3A_78 = tpu.memref_slice %arg4[%multiple_of3A_55] : memref<323584xi32, #tpu.memory_space<hbm>> -> memref<128xi32, #tpu.memory_space<hbm>>
        %dma_start3A_79 = tpu.memref_slice %arg4[%multiple_of3A_55] : memref<323584xi32, #tpu.memory_space<hbm>> -> memref<128xi32, #tpu.memory_space<hbm>>
        tpu.enqueue_dma source(%dma_start3A_79 : memref<128xi32, #tpu.memory_space<hbm>>) target(%arg10 : memref<128xi32, #tpu.memory_space<vmem>>) target_semaphore(%run_scoped3A : memref<!tpu.dma_semaphore, #tpu.memory_space<semaphore_mem>>)
        %dma_wait3A_80 = tpu.memref_slice %arg4[%multiple_of3A_55] : memref<323584xi32, #tpu.memory_space<hbm>> -> memref<128xi32, #tpu.memory_space<hbm>>
        %dma_wait3A_81 = tpu.memref_slice %arg4[%multiple_of3A_55] : memref<323584xi32, #tpu.memory_space<hbm>> -> memref<128xi32, #tpu.memory_space<hbm>>
        tpu.wait_dma2 semaphore(%run_scoped3A : memref<!tpu.dma_semaphore, #tpu.memory_space<semaphore_mem>>) src(%dma_wait3A_81 : memref<128xi32, #tpu.memory_space<hbm>>) dst(%arg10 : memref<128xi32, #tpu.memory_space<vmem>>)
        tpu.yield
      }) : () -> ()
      %dma_start3A = arith.constant 0 : i32
      %dma_start3A_62 = arith.constant 0 : i32
      %dma_start3A_63 = tpu.memref_slice %arg2[%dma_start3A, %dma_start3A_62] : memref<10240x128xf32, #tpu.memory_space<hbm>> -> memref<10240x128xf32, #tpu.memory_space<hbm>>
      tpu.enqueue_indirect_dma source(%dma_start3A_63 : memref<10240x128xf32, #tpu.memory_space<hbm>>) target(%arg12 : memref<128x128xf32, #tpu.memory_space<vmem>>) offsets(%arg8 : memref<128xi32, #tpu.memory_space<vmem>>) semaphore(%arg15 : memref<!tpu.dma_semaphore, #tpu.memory_space<semaphore_mem>>)
      "tpu.region"() ({
        %run_scoped3A = tpu.sem_alloc : memref<!tpu.dma_semaphore, #tpu.memory_space<semaphore_mem>>
        %dma_start3A_78 = tpu.memref_slice %arg3[%multiple_of3A_61] : memref<323584xi32, #tpu.memory_space<hbm>> -> memref<128xi32, #tpu.memory_space<hbm>>
        %dma_start3A_79 = tpu.memref_slice %arg3[%multiple_of3A_61] : memref<323584xi32, #tpu.memory_space<hbm>> -> memref<128xi32, #tpu.memory_space<hbm>>
        tpu.enqueue_dma source(%dma_start3A_79 : memref<128xi32, #tpu.memory_space<hbm>>) target(%arg9 : memref<128xi32, #tpu.memory_space<vmem>>) target_semaphore(%run_scoped3A : memref<!tpu.dma_semaphore, #tpu.memory_space<semaphore_mem>>)
        %dma_wait3A_80 = tpu.memref_slice %arg3[%multiple_of3A_61] : memref<323584xi32, #tpu.memory_space<hbm>> -> memref<128xi32, #tpu.memory_space<hbm>>
        %dma_wait3A_81 = tpu.memref_slice %arg3[%multiple_of3A_61] : memref<323584xi32, #tpu.memory_space<hbm>> -> memref<128xi32, #tpu.memory_space<hbm>>
        tpu.wait_dma2 semaphore(%run_scoped3A : memref<!tpu.dma_semaphore, #tpu.memory_space<semaphore_mem>>) src(%dma_wait3A_81 : memref<128xi32, #tpu.memory_space<hbm>>) dst(%arg9 : memref<128xi32, #tpu.memory_space<vmem>>)
        tpu.yield
      }) : () -> ()
      "tpu.region"() ({
        %run_scoped3A = tpu.sem_alloc : memref<!tpu.dma_semaphore, #tpu.memory_space<semaphore_mem>>
        %dma_start3A_78 = tpu.memref_slice %arg4[%multiple_of3A_61] : memref<323584xi32, #tpu.memory_space<hbm>> -> memref<128xi32, #tpu.memory_space<hbm>>
        %dma_start3A_79 = tpu.memref_slice %arg4[%multiple_of3A_61] : memref<323584xi32, #tpu.memory_space<hbm>> -> memref<128xi32, #tpu.memory_space<hbm>>
        tpu.enqueue_dma source(%dma_start3A_79 : memref<128xi32, #tpu.memory_space<hbm>>) target(%arg11 : memref<128xi32, #tpu.memory_space<vmem>>) target_semaphore(%run_scoped3A : memref<!tpu.dma_semaphore, #tpu.memory_space<semaphore_mem>>)
        %dma_wait3A_80 = tpu.memref_slice %arg4[%multiple_of3A_61] : memref<323584xi32, #tpu.memory_space<hbm>> -> memref<128xi32, #tpu.memory_space<hbm>>
        %dma_wait3A_81 = tpu.memref_slice %arg4[%multiple_of3A_61] : memref<323584xi32, #tpu.memory_space<hbm>> -> memref<128xi32, #tpu.memory_space<hbm>>
        tpu.wait_dma2 semaphore(%run_scoped3A : memref<!tpu.dma_semaphore, #tpu.memory_space<semaphore_mem>>) src(%dma_wait3A_81 : memref<128xi32, #tpu.memory_space<hbm>>) dst(%arg11 : memref<128xi32, #tpu.memory_space<vmem>>)
        tpu.yield
      }) : () -> ()
      %dma_wait3A = arith.constant 0 : i32
      %dma_wait3A_64 = arith.constant 0 : i32
      %dma_wait3A_65 = tpu.memref_slice %arg2[%dma_wait3A, %dma_wait3A_64] : memref<10240x128xf32, #tpu.memory_space<hbm>> -> memref<10240x128xf32, #tpu.memory_space<hbm>>
      tpu.wait_indirect_dma semaphore(%arg15 : memref<!tpu.dma_semaphore, #tpu.memory_space<semaphore_mem>>) src(%dma_wait3A_65 : memref<10240x128xf32, #tpu.memory_space<hbm>>) dst(%arg12 : memref<128x128xf32, #tpu.memory_space<vmem>>)
      %dma_start3A_66 = arith.constant 0 : i32
      %dma_start3A_67 = arith.constant 0 : i32
      %dma_start3A_68 = tpu.memref_slice %arg14[%dma_start3A_66, %dma_start3A_67] : memref<10240x128xf32, #tpu.memory_space<vmem_shared>> -> memref<10240x128xf32, #tpu.memory_space<vmem_shared>>
      tpu.enqueue_indirect_dma source(%arg12 : memref<128x128xf32, #tpu.memory_space<vmem>>) target(%dma_start3A_68 : memref<10240x128xf32, #tpu.memory_space<vmem_shared>>) offsets(%arg10 : memref<128xi32, #tpu.memory_space<vmem>>) semaphore(%arg16 : memref<!tpu.dma_semaphore, #tpu.memory_space<semaphore_mem>>) {add = true}
      %dma_start3A_69 = arith.constant 0 : i32
      %dma_start3A_70 = arith.constant 0 : i32
      %dma_start3A_71 = tpu.memref_slice %arg2[%dma_start3A_69, %dma_start3A_70] : memref<10240x128xf32, #tpu.memory_space<hbm>> -> memref<10240x128xf32, #tpu.memory_space<hbm>>
      tpu.enqueue_indirect_dma source(%dma_start3A_71 : memref<10240x128xf32, #tpu.memory_space<hbm>>) target(%arg13 : memref<128x128xf32, #tpu.memory_space<vmem>>) offsets(%arg9 : memref<128xi32, #tpu.memory_space<vmem>>) semaphore(%arg15 : memref<!tpu.dma_semaphore, #tpu.memory_space<semaphore_mem>>)
      %dma_wait3A_72 = arith.constant 0 : i32
      %dma_wait3A_73 = arith.constant 0 : i32
      %dma_wait3A_74 = tpu.memref_slice %arg2[%dma_wait3A_72, %dma_wait3A_73] : memref<10240x128xf32, #tpu.memory_space<hbm>> -> memref<10240x128xf32, #tpu.memory_space<hbm>>
      tpu.wait_indirect_dma semaphore(%arg15 : memref<!tpu.dma_semaphore, #tpu.memory_space<semaphore_mem>>) src(%dma_wait3A_74 : memref<10240x128xf32, #tpu.memory_space<hbm>>) dst(%arg13 : memref<128x128xf32, #tpu.memory_space<vmem>>)
      %dma_wait3A_75 = arith.constant 0 : i32
      %dma_wait3A_76 = arith.constant 0 : i32
      %dma_wait3A_77 = tpu.memref_slice %arg14[%dma_wait3A_75, %dma_wait3A_76] : memref<10240x128xf32, #tpu.memory_space<vmem_shared>> -> memref<10240x128xf32, #tpu.memory_space<vmem_shared>>
      tpu.wait_indirect_dma semaphore(%arg16 : memref<!tpu.dma_semaphore, #tpu.memory_space<semaphore_mem>>) src(%arg12 : memref<128x128xf32, #tpu.memory_space<vmem>>) dst(%dma_wait3A_77 : memref<10240x128xf32, #tpu.memory_space<vmem_shared>>)
      "tpu.region"() ({
        %run_scoped3A = tpu.sem_alloc : memref<!tpu.dma_semaphore, #tpu.memory_space<semaphore_mem>>
        %dma_start3A_78 = arith.constant 0 : i32
        %dma_start3A_79 = arith.constant 0 : i32
        %dma_start3A_80 = tpu.memref_slice %arg14[%dma_start3A_78, %dma_start3A_79] : memref<10240x128xf32, #tpu.memory_space<vmem_shared>> -> memref<10240x128xf32, #tpu.memory_space<vmem_shared>>
        tpu.enqueue_indirect_dma source(%arg13 : memref<128x128xf32, #tpu.memory_space<vmem>>) target(%dma_start3A_80 : memref<10240x128xf32, #tpu.memory_space<vmem_shared>>) offsets(%arg11 : memref<128xi32, #tpu.memory_space<vmem>>) semaphore(%run_scoped3A : memref<!tpu.dma_semaphore, #tpu.memory_space<semaphore_mem>>) {add = true}
        %dma_wait3A_81 = arith.constant 0 : i32
        %dma_wait3A_82 = arith.constant 0 : i32
        %dma_wait3A_83 = tpu.memref_slice %arg14[%dma_wait3A_81, %dma_wait3A_82] : memref<10240x128xf32, #tpu.memory_space<vmem_shared>> -> memref<10240x128xf32, #tpu.memory_space<vmem_shared>>
        tpu.wait_indirect_dma semaphore(%run_scoped3A : memref<!tpu.dma_semaphore, #tpu.memory_space<semaphore_mem>>) src(%arg13 : memref<128x128xf32, #tpu.memory_space<vmem>>) dst(%dma_wait3A_83 : memref<10240x128xf32, #tpu.memory_space<vmem_shared>>)
        tpu.yield
      }) : () -> ()
    }
    %while3A_39 = arith.constant 1 : i32
    scf.for %while3A_49 = %while3A_37 to %while3A_33 step %while3A_39  : i32 {
      %mul3A_50 = arith.constant 2 : i32
      %mul3A_51 = arith.muli %while3A_49, %mul3A_50 : i32
      %mul3A_52 = arith.constant 128 : i32
      %mul3A_53 = arith.muli %mul3A_51, %mul3A_52 : i32
      %add3A_54 = arith.addi %mul3A_8, %mul3A_53 : i32
      %multiple_of3A_55 = tpu.assume_multiple %add3A_54, 128 : i32
      %add3A_56 = arith.constant 1 : i32
      %add3A_57 = arith.addi %mul3A_51, %add3A_56 : i32
      %mul3A_58 = arith.constant 128 : i32
      %mul3A_59 = arith.muli %add3A_57, %mul3A_58 : i32
      %add3A_60 = arith.addi %mul3A_8, %mul3A_59 : i32
      %multiple_of3A_61 = tpu.assume_multiple %add3A_60, 128 : i32
      "tpu.region"() ({
        %run_scoped3A = tpu.sem_alloc : memref<!tpu.dma_semaphore, #tpu.memory_space<semaphore_mem>>
        %dma_start3A_78 = tpu.memref_slice %arg3[%multiple_of3A_55] : memref<323584xi32, #tpu.memory_space<hbm>> -> memref<128xi32, #tpu.memory_space<hbm>>
        %dma_start3A_79 = tpu.memref_slice %arg3[%multiple_of3A_55] : memref<323584xi32, #tpu.memory_space<hbm>> -> memref<128xi32, #tpu.memory_space<hbm>>
        tpu.enqueue_dma source(%dma_start3A_79 : memref<128xi32, #tpu.memory_space<hbm>>) target(%arg8 : memref<128xi32, #tpu.memory_space<vmem>>) target_semaphore(%run_scoped3A : memref<!tpu.dma_semaphore, #tpu.memory_space<semaphore_mem>>)
        %dma_wait3A_80 = tpu.memref_slice %arg3[%multiple_of3A_55] : memref<323584xi32, #tpu.memory_space<hbm>> -> memref<128xi32, #tpu.memory_space<hbm>>
        %dma_wait3A_81 = tpu.memref_slice %arg3[%multiple_of3A_55] : memref<323584xi32, #tpu.memory_space<hbm>> -> memref<128xi32, #tpu.memory_space<hbm>>
        tpu.wait_dma2 semaphore(%run_scoped3A : memref<!tpu.dma_semaphore, #tpu.memory_space<semaphore_mem>>) src(%dma_wait3A_81 : memref<128xi32, #tpu.memory_space<hbm>>) dst(%arg8 : memref<128xi32, #tpu.memory_space<vmem>>)
        tpu.yield
      }) : () -> ()
      "tpu.region"() ({
        %run_scoped3A = tpu.sem_alloc : memref<!tpu.dma_semaphore, #tpu.memory_space<semaphore_mem>>
        %dma_start3A_78 = tpu.memref_slice %arg4[%multiple_of3A_55] : memref<323584xi32, #tpu.memory_space<hbm>> -> memref<128xi32, #tpu.memory_space<hbm>>
        %dma_start3A_79 = tpu.memref_slice %arg4[%multiple_of3A_55] : memref<323584xi32, #tpu.memory_space<hbm>> -> memref<128xi32, #tpu.memory_space<hbm>>
        tpu.enqueue_dma source(%dma_start3A_79 : memref<128xi32, #tpu.memory_space<hbm>>) target(%arg10 : memref<128xi32, #tpu.memory_space<vmem>>) target_semaphore(%run_scoped3A : memref<!tpu.dma_semaphore, #tpu.memory_space<semaphore_mem>>)
        %dma_wait3A_80 = tpu.memref_slice %arg4[%multiple_of3A_55] : memref<323584xi32, #tpu.memory_space<hbm>> -> memref<128xi32, #tpu.memory_space<hbm>>
        %dma_wait3A_81 = tpu.memref_slice %arg4[%multiple_of3A_55] : memref<323584xi32, #tpu.memory_space<hbm>> -> memref<128xi32, #tpu.memory_space<hbm>>
        tpu.wait_dma2 semaphore(%run_scoped3A : memref<!tpu.dma_semaphore, #tpu.memory_space<semaphore_mem>>) src(%dma_wait3A_81 : memref<128xi32, #tpu.memory_space<hbm>>) dst(%arg10 : memref<128xi32, #tpu.memory_space<vmem>>)
        tpu.yield
      }) : () -> ()
      %dma_start3A = arith.constant 0 : i32
      %dma_start3A_62 = arith.constant 0 : i32
      %dma_start3A_63 = tpu.memref_slice %arg2[%dma_start3A, %dma_start3A_62] : memref<10240x128xf32, #tpu.memory_space<hbm>> -> memref<10240x128xf32, #tpu.memory_space<hbm>>
      tpu.enqueue_indirect_dma source(%dma_start3A_63 : memref<10240x128xf32, #tpu.memory_space<hbm>>) target(%arg12 : memref<128x128xf32, #tpu.memory_space<vmem>>) offsets(%arg8 : memref<128xi32, #tpu.memory_space<vmem>>) semaphore(%arg15 : memref<!tpu.dma_semaphore, #tpu.memory_space<semaphore_mem>>)
      "tpu.region"() ({
        %run_scoped3A = tpu.sem_alloc : memref<!tpu.dma_semaphore, #tpu.memory_space<semaphore_mem>>
        %dma_start3A_78 = tpu.memref_slice %arg3[%multiple_of3A_61] : memref<323584xi32, #tpu.memory_space<hbm>> -> memref<128xi32, #tpu.memory_space<hbm>>
        %dma_start3A_79 = tpu.memref_slice %arg3[%multiple_of3A_61] : memref<323584xi32, #tpu.memory_space<hbm>> -> memref<128xi32, #tpu.memory_space<hbm>>
        tpu.enqueue_dma source(%dma_start3A_79 : memref<128xi32, #tpu.memory_space<hbm>>) target(%arg9 : memref<128xi32, #tpu.memory_space<vmem>>) target_semaphore(%run_scoped3A : memref<!tpu.dma_semaphore, #tpu.memory_space<semaphore_mem>>)
        %dma_wait3A_80 = tpu.memref_slice %arg3[%multiple_of3A_61] : memref<323584xi32, #tpu.memory_space<hbm>> -> memref<128xi32, #tpu.memory_space<hbm>>
        %dma_wait3A_81 = tpu.memref_slice %arg3[%multiple_of3A_61] : memref<323584xi32, #tpu.memory_space<hbm>> -> memref<128xi32, #tpu.memory_space<hbm>>
        tpu.wait_dma2 semaphore(%run_scoped3A : memref<!tpu.dma_semaphore, #tpu.memory_space<semaphore_mem>>) src(%dma_wait3A_81 : memref<128xi32, #tpu.memory_space<hbm>>) dst(%arg9 : memref<128xi32, #tpu.memory_space<vmem>>)
        tpu.yield
      }) : () -> ()
      "tpu.region"() ({
        %run_scoped3A = tpu.sem_alloc : memref<!tpu.dma_semaphore, #tpu.memory_space<semaphore_mem>>
        %dma_start3A_78 = tpu.memref_slice %arg4[%multiple_of3A_61] : memref<323584xi32, #tpu.memory_space<hbm>> -> memref<128xi32, #tpu.memory_space<hbm>>
        %dma_start3A_79 = tpu.memref_slice %arg4[%multiple_of3A_61] : memref<323584xi32, #tpu.memory_space<hbm>> -> memref<128xi32, #tpu.memory_space<hbm>>
        tpu.enqueue_dma source(%dma_start3A_79 : memref<128xi32, #tpu.memory_space<hbm>>) target(%arg11 : memref<128xi32, #tpu.memory_space<vmem>>) target_semaphore(%run_scoped3A : memref<!tpu.dma_semaphore, #tpu.memory_space<semaphore_mem>>)
        %dma_wait3A_80 = tpu.memref_slice %arg4[%multiple_of3A_61] : memref<323584xi32, #tpu.memory_space<hbm>> -> memref<128xi32, #tpu.memory_space<hbm>>
        %dma_wait3A_81 = tpu.memref_slice %arg4[%multiple_of3A_61] : memref<323584xi32, #tpu.memory_space<hbm>> -> memref<128xi32, #tpu.memory_space<hbm>>
        tpu.wait_dma2 semaphore(%run_scoped3A : memref<!tpu.dma_semaphore, #tpu.memory_space<semaphore_mem>>) src(%dma_wait3A_81 : memref<128xi32, #tpu.memory_space<hbm>>) dst(%arg11 : memref<128xi32, #tpu.memory_space<vmem>>)
        tpu.yield
      }) : () -> ()
      %dma_wait3A = arith.constant 0 : i32
      %dma_wait3A_64 = arith.constant 0 : i32
      %dma_wait3A_65 = tpu.memref_slice %arg2[%dma_wait3A, %dma_wait3A_64] : memref<10240x128xf32, #tpu.memory_space<hbm>> -> memref<10240x128xf32, #tpu.memory_space<hbm>>
      tpu.wait_indirect_dma semaphore(%arg15 : memref<!tpu.dma_semaphore, #tpu.memory_space<semaphore_mem>>) src(%dma_wait3A_65 : memref<10240x128xf32, #tpu.memory_space<hbm>>) dst(%arg12 : memref<128x128xf32, #tpu.memory_space<vmem>>)
      %dma_start3A_66 = arith.constant 0 : i32
      %dma_start3A_67 = arith.constant 0 : i32
      %dma_start3A_68 = tpu.memref_slice %arg14[%dma_start3A_66, %dma_start3A_67] : memref<10240x128xf32, #tpu.memory_space<vmem_shared>> -> memref<10240x128xf32, #tpu.memory_space<vmem_shared>>
      tpu.enqueue_indirect_dma source(%arg12 : memref<128x128xf32, #tpu.memory_space<vmem>>) target(%dma_start3A_68 : memref<10240x128xf32, #tpu.memory_space<vmem_shared>>) offsets(%arg10 : memref<128xi32, #tpu.memory_space<vmem>>) semaphore(%arg16 : memref<!tpu.dma_semaphore, #tpu.memory_space<semaphore_mem>>) {add = true}
      %dma_start3A_69 = arith.constant 0 : i32
      %dma_start3A_70 = arith.constant 0 : i32
      %dma_start3A_71 = tpu.memref_slice %arg2[%dma_start3A_69, %dma_start3A_70] : memref<10240x128xf32, #tpu.memory_space<hbm>> -> memref<10240x128xf32, #tpu.memory_space<hbm>>
      tpu.enqueue_indirect_dma source(%dma_start3A_71 : memref<10240x128xf32, #tpu.memory_space<hbm>>) target(%arg13 : memref<128x128xf32, #tpu.memory_space<vmem>>) offsets(%arg9 : memref<128xi32, #tpu.memory_space<vmem>>) semaphore(%arg15 : memref<!tpu.dma_semaphore, #tpu.memory_space<semaphore_mem>>)
      %dma_wait3A_72 = arith.constant 0 : i32
      %dma_wait3A_73 = arith.constant 0 : i32
      %dma_wait3A_74 = tpu.memref_slice %arg2[%dma_wait3A_72, %dma_wait3A_73] : memref<10240x128xf32, #tpu.memory_space<hbm>> -> memref<10240x128xf32, #tpu.memory_space<hbm>>
      tpu.wait_indirect_dma semaphore(%arg15 : memref<!tpu.dma_semaphore, #tpu.memory_space<semaphore_mem>>) src(%dma_wait3A_74 : memref<10240x128xf32, #tpu.memory_space<hbm>>) dst(%arg13 : memref<128x128xf32, #tpu.memory_space<vmem>>)
      %dma_wait3A_75 = arith.constant 0 : i32
      %dma_wait3A_76 = arith.constant 0 : i32
      %dma_wait3A_77 = tpu.memref_slice %arg14[%dma_wait3A_75, %dma_wait3A_76] : memref<10240x128xf32, #tpu.memory_space<vmem_shared>> -> memref<10240x128xf32, #tpu.memory_space<vmem_shared>>
      tpu.wait_indirect_dma semaphore(%arg16 : memref<!tpu.dma_semaphore, #tpu.memory_space<semaphore_mem>>) src(%arg12 : memref<128x128xf32, #tpu.memory_space<vmem>>) dst(%dma_wait3A_77 : memref<10240x128xf32, #tpu.memory_space<vmem_shared>>)
      "tpu.region"() ({
        %run_scoped3A = tpu.sem_alloc : memref<!tpu.dma_semaphore, #tpu.memory_space<semaphore_mem>>
        %dma_start3A_78 = arith.constant 0 : i32
        %dma_start3A_79 = arith.constant 0 : i32
        %dma_start3A_80 = tpu.memref_slice %arg14[%dma_start3A_78, %dma_start3A_79] : memref<10240x128xf32, #tpu.memory_space<vmem_shared>> -> memref<10240x128xf32, #tpu.memory_space<vmem_shared>>
        tpu.enqueue_indirect_dma source(%arg13 : memref<128x128xf32, #tpu.memory_space<vmem>>) target(%dma_start3A_80 : memref<10240x128xf32, #tpu.memory_space<vmem_shared>>) offsets(%arg11 : memref<128xi32, #tpu.memory_space<vmem>>) semaphore(%run_scoped3A : memref<!tpu.dma_semaphore, #tpu.memory_space<semaphore_mem>>) {add = true}
        %dma_wait3A_81 = arith.constant 0 : i32
        %dma_wait3A_82 = arith.constant 0 : i32
        %dma_wait3A_83 = tpu.memref_slice %arg14[%dma_wait3A_81, %dma_wait3A_82] : memref<10240x128xf32, #tpu.memory_space<vmem_shared>> -> memref<10240x128xf32, #tpu.memory_space<vmem_shared>>
        tpu.wait_indirect_dma semaphore(%run_scoped3A : memref<!tpu.dma_semaphore, #tpu.memory_space<semaphore_mem>>) src(%arg13 : memref<128x128xf32, #tpu.memory_space<vmem>>) dst(%dma_wait3A_83 : memref<10240x128xf32, #tpu.memory_space<vmem_shared>>)
        tpu.yield
      }) : () -> ()
    }
    %barrier3A_40 = arith.constant 0 : index
    tpu.barrier barrier_id(%barrier3A_40)
    %eq3A_41 = arith.constant 0 : i32
    %eq3A_42 = arith.cmpi eq, %arg0, %eq3A_41 : i32
    %convert_element_type3A = arith.extui %eq3A_42 : i1 to i32
    %cond3A = arith.constant 0 : i32
    %cond3A_43 = arith.cmpi ne, %convert_element_type3A, %cond3A : i32
    scf.if %cond3A_43 {
      "tpu.region"() ({
        %run_scoped3A = tpu.sem_alloc : memref<!tpu.dma_semaphore, #tpu.memory_space<semaphore_mem>>
        %dma_start3A = arith.constant 0 : i32
        %dma_start3A_49 = tpu.memref_slice %arg6[%multiple_of3A, %dma_start3A] : memref<10240x128xf32, #tpu.memory_space<hbm>> -> memref<640x128xf32, #tpu.memory_space<hbm>>
        %dma_start3A_50 = arith.constant 0 : i32
        %dma_start3A_51 = tpu.memref_slice %arg14[%multiple_of3A, %dma_start3A_50] : memref<10240x128xf32, #tpu.memory_space<vmem_shared>> -> memref<640x128xf32, #tpu.memory_space<vmem_shared>>
        tpu.enqueue_dma source(%dma_start3A_51 : memref<640x128xf32, #tpu.memory_space<vmem_shared>>) target(%dma_start3A_49 : memref<640x128xf32, #tpu.memory_space<hbm>>) target_semaphore(%run_scoped3A : memref<!tpu.dma_semaphore, #tpu.memory_space<semaphore_mem>>)
        %dma_wait3A = arith.constant 0 : i32
        %dma_wait3A_52 = tpu.memref_slice %arg6[%multiple_of3A, %dma_wait3A] : memref<10240x128xf32, #tpu.memory_space<hbm>> -> memref<640x128xf32, #tpu.memory_space<hbm>>
        %dma_wait3A_53 = arith.constant 0 : i32
        %dma_wait3A_54 = tpu.memref_slice %arg14[%multiple_of3A, %dma_wait3A_53] : memref<10240x128xf32, #tpu.memory_space<vmem_shared>> -> memref<640x128xf32, #tpu.memory_space<vmem_shared>>
        tpu.wait_dma2 semaphore(%run_scoped3A : memref<!tpu.dma_semaphore, #tpu.memory_space<semaphore_mem>>) src(%dma_wait3A_54 : memref<640x128xf32, #tpu.memory_space<vmem_shared>>) dst(%dma_wait3A_52 : memref<640x128xf32, #tpu.memory_space<hbm>>)
        tpu.yield
      }) : () -> ()
    } else {
    }
    %eq3A_44 = arith.constant 1 : i32
    %eq3A_45 = arith.cmpi eq, %arg0, %eq3A_44 : i32
    %convert_element_type3A_46 = arith.extui %eq3A_45 : i1 to i32
    %cond3A_47 = arith.constant 0 : i32
    %cond3A_48 = arith.cmpi ne, %convert_element_type3A_46, %cond3A_47 : i32
    scf.if %cond3A_48 {
      "tpu.region"() ({
        %run_scoped3A = tpu.sem_alloc : memref<!tpu.dma_semaphore, #tpu.memory_space<semaphore_mem>>
        %dma_start3A = arith.constant 0 : i32
        %dma_start3A_49 = tpu.memref_slice %arg7[%multiple_of3A, %dma_start3A] : memref<10240x128xf32, #tpu.memory_space<hbm>> -> memref<640x128xf32, #tpu.memory_space<hbm>>
        %dma_start3A_50 = arith.constant 0 : i32
        %dma_start3A_51 = tpu.memref_slice %arg14[%multiple_of3A, %dma_start3A_50] : memref<10240x128xf32, #tpu.memory_space<vmem_shared>> -> memref<640x128xf32, #tpu.memory_space<vmem_shared>>
        tpu.enqueue_dma source(%dma_start3A_51 : memref<640x128xf32, #tpu.memory_space<vmem_shared>>) target(%dma_start3A_49 : memref<640x128xf32, #tpu.memory_space<hbm>>) target_semaphore(%run_scoped3A : memref<!tpu.dma_semaphore, #tpu.memory_space<semaphore_mem>>)
        %dma_wait3A = arith.constant 0 : i32
        %dma_wait3A_52 = tpu.memref_slice %arg7[%multiple_of3A, %dma_wait3A] : memref<10240x128xf32, #tpu.memory_space<hbm>> -> memref<640x128xf32, #tpu.memory_space<hbm>>
        %dma_wait3A_53 = arith.constant 0 : i32
        %dma_wait3A_54 = tpu.memref_slice %arg14[%multiple_of3A, %dma_wait3A_53] : memref<10240x128xf32, #tpu.memory_space<vmem_shared>> -> memref<640x128xf32, #tpu.memory_space<vmem_shared>>
        tpu.wait_dma2 semaphore(%run_scoped3A : memref<!tpu.dma_semaphore, #tpu.memory_space<semaphore_mem>>) src(%dma_wait3A_54 : memref<640x128xf32, #tpu.memory_space<vmem_shared>>) dst(%dma_wait3A_52 : memref<640x128xf32, #tpu.memory_space<hbm>>)
        tpu.yield
      }) : () -> ()
    } else {
    }
    return
  }
}

#map = affine_map<(d0, d1) -> (0, 0)>
#map1 = affine_map<(d0, d1) -> (0)>
module attributes {stable_mosaic.version = 14 : i64} {
  func.func @_agg(%arg0: i32, %arg1: i32, %arg2: memref<10240x128xf32, #tpu.memory_space<hbm>>, %arg3: memref<323584xi32, #tpu.memory_space<hbm>>, %arg4: memref<323584xi32, #tpu.memory_space<hbm>>, %arg5: memref<10240x128xf32, #tpu.memory_space<hbm>>, %arg6: memref<10240x128xf32, #tpu.memory_space<hbm>>, %arg7: memref<10240x128xf32, #tpu.memory_space<hbm>>, %arg8: memref<128xi32, #tpu.memory_space<vmem>>, %arg9: memref<128xi32, #tpu.memory_space<vmem>>, %arg10: memref<128xi32, #tpu.memory_space<vmem>>, %arg11: memref<128xi32, #tpu.memory_space<vmem>>, %arg12: memref<128x128xf32, #tpu.memory_space<vmem>>, %arg13: memref<128x128xf32, #tpu.memory_space<vmem>>, %arg14: memref<10240x128xf32, #tpu.memory_space<vmem_shared>>, %arg15: memref<!tpu.dma_semaphore, #tpu.memory_space<semaphore_mem>>, %arg16: memref<!tpu.dma_semaphore, #tpu.memory_space<semaphore_mem>>) attributes {dimension_semantics = [#tpu.dimension_semantics<core_parallel>, #tpu.dimension_semantics<subcore_parallel>], iteration_bounds = array<i64: 2, 16>, scalar_prefetch = 0 : i64, scratch_operands = 9 : i64, tpu.core_type = #tpu.core_type<sc_vector_subcore>, window_params = [{transform_indices = #map}, {transform_indices = #map1}, {transform_indices = #map1}, {transform_indices = #map}, {transform_indices = #map}, {transform_indices = #map}]} {
    %mul3A = arith.constant 640 : i32
    %mul3A_0 = arith.muli %arg1, %mul3A : i32
    %multiple_of3A = tpu.assume_multiple %mul3A_0, 640 : i32
    "tpu.region"() ({
      %run_scoped3A = tpu.sem_alloc : memref<!tpu.dma_semaphore, #tpu.memory_space<semaphore_mem>>
      %dma_start3A = arith.constant 0 : i32
      %dma_start3A_49 = tpu.memref_slice %arg14[%multiple_of3A, %dma_start3A] : memref<10240x128xf32, #tpu.memory_space<vmem_shared>> -> memref<640x128xf32, #tpu.memory_space<vmem_shared>>
      %dma_start3A_50 = arith.constant 0 : i32
      %dma_start3A_51 = tpu.memref_slice %arg5[%multiple_of3A, %dma_start3A_50] : memref<10240x128xf32, #tpu.memory_space<hbm>> -> memref<640x128xf32, #tpu.memory_space<hbm>>
      tpu.enqueue_dma source(%dma_start3A_51 : memref<640x128xf32, #tpu.memory_space<hbm>>) target(%dma_start3A_49 : memref<640x128xf32, #tpu.memory_space<vmem_shared>>) target_semaphore(%run_scoped3A : memref<!tpu.dma_semaphore, #tpu.memory_space<semaphore_mem>>)
      %dma_wait3A = arith.constant 0 : i32
      %dma_wait3A_52 = tpu.memref_slice %arg14[%multiple_of3A, %dma_wait3A] : memref<10240x128xf32, #tpu.memory_space<vmem_shared>> -> memref<640x128xf32, #tpu.memory_space<vmem_shared>>
      %dma_wait3A_53 = arith.constant 0 : i32
      %dma_wait3A_54 = tpu.memref_slice %arg5[%multiple_of3A, %dma_wait3A_53] : memref<10240x128xf32, #tpu.memory_space<hbm>> -> memref<640x128xf32, #tpu.memory_space<hbm>>
      tpu.wait_dma2 semaphore(%run_scoped3A : memref<!tpu.dma_semaphore, #tpu.memory_space<semaphore_mem>>) src(%dma_wait3A_54 : memref<640x128xf32, #tpu.memory_space<hbm>>) dst(%dma_wait3A_52 : memref<640x128xf32, #tpu.memory_space<vmem_shared>>)
      tpu.yield
    }) : () -> ()
    %barrier3A = arith.constant 0 : index
    tpu.barrier barrier_id(%barrier3A)
    %eq3A = arith.constant 0 : i32
    %eq3A_1 = arith.cmpi eq, %arg0, %eq3A : i32
    %mul3A_2 = arith.constant 106 : i32
    %mul3A_3 = arith.muli %arg1, %mul3A_2 : i32
    %mul3A_4 = arith.constant 52 : i32
    %mul3A_5 = arith.muli %arg1, %mul3A_4 : i32
    %add3A = arith.constant 1696 : i32
    %add3A_6 = arith.addi %add3A, %mul3A_5 : i32
    %select_n3A = arith.select %eq3A_1, %mul3A_3, %add3A_6 : i32
    %mul3A_7 = arith.constant 128 : i32
    %mul3A_8 = arith.muli %select_n3A, %mul3A_7 : i32
    %eq3A_9 = arith.constant 0 : i32
    %eq3A_10 = arith.cmpi eq, %arg0, %eq3A_9 : i32
    %jit3A = arith.constant 106 : i32
    %jit3A_11 = arith.constant 52 : i32
    %select_n3A_12 = arith.select %eq3A_10, %jit3A, %jit3A_11 : i32
    %jit3A_13 = arith.constant 2 : i32
    %div3A = arith.divsi %select_n3A_12, %jit3A_13 : i32
    %sign3A = arith.constant 0 : i32
    %sign3A_14 = arith.cmpi sgt, %select_n3A_12, %sign3A : i32
    %sign3A_15 = arith.extui %sign3A_14 : i1 to i32
    %sign3A_16 = arith.constant 0 : i32
    %sign3A_17 = arith.cmpi slt, %select_n3A_12, %sign3A_16 : i32
    %sign3A_18 = arith.extui %sign3A_17 : i1 to i32
    %sign3A_19 = arith.subi %sign3A_15, %sign3A_18 : i32
    %sign3A_20 = arith.constant 0 : i32
    %sign3A_21 = arith.cmpi sgt, %jit3A_13, %sign3A_20 : i32
    %sign3A_22 = arith.extui %sign3A_21 : i1 to i32
    %sign3A_23 = arith.constant 0 : i32
    %sign3A_24 = arith.cmpi slt, %jit3A_13, %sign3A_23 : i32
    %sign3A_25 = arith.extui %sign3A_24 : i1 to i32
    %sign3A_26 = arith.subi %sign3A_22, %sign3A_25 : i32
    %ne3A = arith.cmpi ne, %sign3A_19, %sign3A_26 : i32
    %rem3A = arith.remsi %select_n3A_12, %jit3A_13 : i32
    %ne3A_27 = arith.constant 0 : i32
    %ne3A_28 = arith.cmpi ne, %rem3A, %ne3A_27 : i32
    %and3A = arith.andi %ne3A, %ne3A_28 : i1
    %sub3A = arith.constant 1 : i32
    %sub3A_29 = arith.subi %div3A, %sub3A : i32
    %select_n3A_30 = arith.select %and3A, %sub3A_29, %div3A : i32
    %while3A = arith.constant 0 : i32
    %while3A_31 = arith.constant 0 : i32
    %while3A_32 = arith.subi %select_n3A_30, %while3A_31 : i32
    %while3A_33 = arith.addi %while3A_31, %while3A_32 : i32
    %while3A_34 = arith.constant 1 : i32
    %while3A_35 = arith.divsi %while3A_32, %while3A_34 : i32
    %while3A_36 = arith.muli %while3A_35, %while3A_34 : i32
    %while3A_37 = arith.addi %while3A_31, %while3A_36 : i32
    %while3A_38 = arith.constant 1 : i32
    scf.for %while3A_49 = %while3A_31 to %while3A_37 step %while3A_38  : i32 {
      %mul3A_50 = arith.constant 2 : i32
      %mul3A_51 = arith.muli %while3A_49, %mul3A_50 : i32
      %mul3A_52 = arith.constant 128 : i32
      %mul3A_53 = arith.muli %mul3A_51, %mul3A_52 : i32
      %add3A_54 = arith.addi %mul3A_8, %mul3A_53 : i32
      %multiple_of3A_55 = tpu.assume_multiple %add3A_54, 128 : i32
      %add3A_56 = arith.constant 1 : i32
      %add3A_57 = arith.addi %mul3A_51, %add3A_56 : i32
      %mul3A_58 = arith.constant 128 : i32
      %mul3A_59 = arith.muli %add3A_57, %mul3A_58 : i32
      %add3A_60 = arith.addi %mul3A_8, %mul3A_59 : i32
      %multiple_of3A_61 = tpu.assume_multiple %add3A_60, 128 : i32
      "tpu.region"() ({
        %run_scoped3A = tpu.sem_alloc : memref<!tpu.dma_semaphore, #tpu.memory_space<semaphore_mem>>
        %dma_start3A_78 = tpu.memref_slice %arg3[%multiple_of3A_55] : memref<323584xi32, #tpu.memory_space<hbm>> -> memref<128xi32, #tpu.memory_space<hbm>>
        %dma_start3A_79 = tpu.memref_slice %arg3[%multiple_of3A_55] : memref<323584xi32, #tpu.memory_space<hbm>> -> memref<128xi32, #tpu.memory_space<hbm>>
        tpu.enqueue_dma source(%dma_start3A_79 : memref<128xi32, #tpu.memory_space<hbm>>) target(%arg8 : memref<128xi32, #tpu.memory_space<vmem>>) target_semaphore(%run_scoped3A : memref<!tpu.dma_semaphore, #tpu.memory_space<semaphore_mem>>)
        %dma_wait3A_80 = tpu.memref_slice %arg3[%multiple_of3A_55] : memref<323584xi32, #tpu.memory_space<hbm>> -> memref<128xi32, #tpu.memory_space<hbm>>
        %dma_wait3A_81 = tpu.memref_slice %arg3[%multiple_of3A_55] : memref<323584xi32, #tpu.memory_space<hbm>> -> memref<128xi32, #tpu.memory_space<hbm>>
        tpu.wait_dma2 semaphore(%run_scoped3A : memref<!tpu.dma_semaphore, #tpu.memory_space<semaphore_mem>>) src(%dma_wait3A_81 : memref<128xi32, #tpu.memory_space<hbm>>) dst(%arg8 : memref<128xi32, #tpu.memory_space<vmem>>)
        tpu.yield
      }) : () -> ()
      "tpu.region"() ({
        %run_scoped3A = tpu.sem_alloc : memref<!tpu.dma_semaphore, #tpu.memory_space<semaphore_mem>>
        %dma_start3A_78 = tpu.memref_slice %arg4[%multiple_of3A_55] : memref<323584xi32, #tpu.memory_space<hbm>> -> memref<128xi32, #tpu.memory_space<hbm>>
        %dma_start3A_79 = tpu.memref_slice %arg4[%multiple_of3A_55] : memref<323584xi32, #tpu.memory_space<hbm>> -> memref<128xi32, #tpu.memory_space<hbm>>
        tpu.enqueue_dma source(%dma_start3A_79 : memref<128xi32, #tpu.memory_space<hbm>>) target(%arg10 : memref<128xi32, #tpu.memory_space<vmem>>) target_semaphore(%run_scoped3A : memref<!tpu.dma_semaphore, #tpu.memory_space<semaphore_mem>>)
        %dma_wait3A_80 = tpu.memref_slice %arg4[%multiple_of3A_55] : memref<323584xi32, #tpu.memory_space<hbm>> -> memref<128xi32, #tpu.memory_space<hbm>>
        %dma_wait3A_81 = tpu.memref_slice %arg4[%multiple_of3A_55] : memref<323584xi32, #tpu.memory_space<hbm>> -> memref<128xi32, #tpu.memory_space<hbm>>
        tpu.wait_dma2 semaphore(%run_scoped3A : memref<!tpu.dma_semaphore, #tpu.memory_space<semaphore_mem>>) src(%dma_wait3A_81 : memref<128xi32, #tpu.memory_space<hbm>>) dst(%arg10 : memref<128xi32, #tpu.memory_space<vmem>>)
        tpu.yield
      }) : () -> ()
      %dma_start3A = arith.constant 0 : i32
      %dma_start3A_62 = arith.constant 0 : i32
      %dma_start3A_63 = tpu.memref_slice %arg2[%dma_start3A, %dma_start3A_62] : memref<10240x128xf32, #tpu.memory_space<hbm>> -> memref<10240x128xf32, #tpu.memory_space<hbm>>
      tpu.enqueue_indirect_dma source(%dma_start3A_63 : memref<10240x128xf32, #tpu.memory_space<hbm>>) target(%arg12 : memref<128x128xf32, #tpu.memory_space<vmem>>) offsets(%arg8 : memref<128xi32, #tpu.memory_space<vmem>>) semaphore(%arg15 : memref<!tpu.dma_semaphore, #tpu.memory_space<semaphore_mem>>)
      "tpu.region"() ({
        %run_scoped3A = tpu.sem_alloc : memref<!tpu.dma_semaphore, #tpu.memory_space<semaphore_mem>>
        %dma_start3A_78 = tpu.memref_slice %arg3[%multiple_of3A_61] : memref<323584xi32, #tpu.memory_space<hbm>> -> memref<128xi32, #tpu.memory_space<hbm>>
        %dma_start3A_79 = tpu.memref_slice %arg3[%multiple_of3A_61] : memref<323584xi32, #tpu.memory_space<hbm>> -> memref<128xi32, #tpu.memory_space<hbm>>
        tpu.enqueue_dma source(%dma_start3A_79 : memref<128xi32, #tpu.memory_space<hbm>>) target(%arg9 : memref<128xi32, #tpu.memory_space<vmem>>) target_semaphore(%run_scoped3A : memref<!tpu.dma_semaphore, #tpu.memory_space<semaphore_mem>>)
        %dma_wait3A_80 = tpu.memref_slice %arg3[%multiple_of3A_61] : memref<323584xi32, #tpu.memory_space<hbm>> -> memref<128xi32, #tpu.memory_space<hbm>>
        %dma_wait3A_81 = tpu.memref_slice %arg3[%multiple_of3A_61] : memref<323584xi32, #tpu.memory_space<hbm>> -> memref<128xi32, #tpu.memory_space<hbm>>
        tpu.wait_dma2 semaphore(%run_scoped3A : memref<!tpu.dma_semaphore, #tpu.memory_space<semaphore_mem>>) src(%dma_wait3A_81 : memref<128xi32, #tpu.memory_space<hbm>>) dst(%arg9 : memref<128xi32, #tpu.memory_space<vmem>>)
        tpu.yield
      }) : () -> ()
      "tpu.region"() ({
        %run_scoped3A = tpu.sem_alloc : memref<!tpu.dma_semaphore, #tpu.memory_space<semaphore_mem>>
        %dma_start3A_78 = tpu.memref_slice %arg4[%multiple_of3A_61] : memref<323584xi32, #tpu.memory_space<hbm>> -> memref<128xi32, #tpu.memory_space<hbm>>
        %dma_start3A_79 = tpu.memref_slice %arg4[%multiple_of3A_61] : memref<323584xi32, #tpu.memory_space<hbm>> -> memref<128xi32, #tpu.memory_space<hbm>>
        tpu.enqueue_dma source(%dma_start3A_79 : memref<128xi32, #tpu.memory_space<hbm>>) target(%arg11 : memref<128xi32, #tpu.memory_space<vmem>>) target_semaphore(%run_scoped3A : memref<!tpu.dma_semaphore, #tpu.memory_space<semaphore_mem>>)
        %dma_wait3A_80 = tpu.memref_slice %arg4[%multiple_of3A_61] : memref<323584xi32, #tpu.memory_space<hbm>> -> memref<128xi32, #tpu.memory_space<hbm>>
        %dma_wait3A_81 = tpu.memref_slice %arg4[%multiple_of3A_61] : memref<323584xi32, #tpu.memory_space<hbm>> -> memref<128xi32, #tpu.memory_space<hbm>>
        tpu.wait_dma2 semaphore(%run_scoped3A : memref<!tpu.dma_semaphore, #tpu.memory_space<semaphore_mem>>) src(%dma_wait3A_81 : memref<128xi32, #tpu.memory_space<hbm>>) dst(%arg11 : memref<128xi32, #tpu.memory_space<vmem>>)
        tpu.yield
      }) : () -> ()
      %dma_wait3A = arith.constant 0 : i32
      %dma_wait3A_64 = arith.constant 0 : i32
      %dma_wait3A_65 = tpu.memref_slice %arg2[%dma_wait3A, %dma_wait3A_64] : memref<10240x128xf32, #tpu.memory_space<hbm>> -> memref<10240x128xf32, #tpu.memory_space<hbm>>
      tpu.wait_indirect_dma semaphore(%arg15 : memref<!tpu.dma_semaphore, #tpu.memory_space<semaphore_mem>>) src(%dma_wait3A_65 : memref<10240x128xf32, #tpu.memory_space<hbm>>) dst(%arg12 : memref<128x128xf32, #tpu.memory_space<vmem>>)
      %dma_start3A_66 = arith.constant 0 : i32
      %dma_start3A_67 = arith.constant 0 : i32
      %dma_start3A_68 = tpu.memref_slice %arg14[%dma_start3A_66, %dma_start3A_67] : memref<10240x128xf32, #tpu.memory_space<vmem_shared>> -> memref<10240x128xf32, #tpu.memory_space<vmem_shared>>
      tpu.enqueue_indirect_dma source(%arg12 : memref<128x128xf32, #tpu.memory_space<vmem>>) target(%dma_start3A_68 : memref<10240x128xf32, #tpu.memory_space<vmem_shared>>) offsets(%arg10 : memref<128xi32, #tpu.memory_space<vmem>>) semaphore(%arg16 : memref<!tpu.dma_semaphore, #tpu.memory_space<semaphore_mem>>) {add = true}
      %dma_start3A_69 = arith.constant 0 : i32
      %dma_start3A_70 = arith.constant 0 : i32
      %dma_start3A_71 = tpu.memref_slice %arg2[%dma_start3A_69, %dma_start3A_70] : memref<10240x128xf32, #tpu.memory_space<hbm>> -> memref<10240x128xf32, #tpu.memory_space<hbm>>
      tpu.enqueue_indirect_dma source(%dma_start3A_71 : memref<10240x128xf32, #tpu.memory_space<hbm>>) target(%arg13 : memref<128x128xf32, #tpu.memory_space<vmem>>) offsets(%arg9 : memref<128xi32, #tpu.memory_space<vmem>>) semaphore(%arg15 : memref<!tpu.dma_semaphore, #tpu.memory_space<semaphore_mem>>)
      %dma_wait3A_72 = arith.constant 0 : i32
      %dma_wait3A_73 = arith.constant 0 : i32
      %dma_wait3A_74 = tpu.memref_slice %arg2[%dma_wait3A_72, %dma_wait3A_73] : memref<10240x128xf32, #tpu.memory_space<hbm>> -> memref<10240x128xf32, #tpu.memory_space<hbm>>
      tpu.wait_indirect_dma semaphore(%arg15 : memref<!tpu.dma_semaphore, #tpu.memory_space<semaphore_mem>>) src(%dma_wait3A_74 : memref<10240x128xf32, #tpu.memory_space<hbm>>) dst(%arg13 : memref<128x128xf32, #tpu.memory_space<vmem>>)
      %dma_wait3A_75 = arith.constant 0 : i32
      %dma_wait3A_76 = arith.constant 0 : i32
      %dma_wait3A_77 = tpu.memref_slice %arg14[%dma_wait3A_75, %dma_wait3A_76] : memref<10240x128xf32, #tpu.memory_space<vmem_shared>> -> memref<10240x128xf32, #tpu.memory_space<vmem_shared>>
      tpu.wait_indirect_dma semaphore(%arg16 : memref<!tpu.dma_semaphore, #tpu.memory_space<semaphore_mem>>) src(%arg12 : memref<128x128xf32, #tpu.memory_space<vmem>>) dst(%dma_wait3A_77 : memref<10240x128xf32, #tpu.memory_space<vmem_shared>>)
      "tpu.region"() ({
        %run_scoped3A = tpu.sem_alloc : memref<!tpu.dma_semaphore, #tpu.memory_space<semaphore_mem>>
        %dma_start3A_78 = arith.constant 0 : i32
        %dma_start3A_79 = arith.constant 0 : i32
        %dma_start3A_80 = tpu.memref_slice %arg14[%dma_start3A_78, %dma_start3A_79] : memref<10240x128xf32, #tpu.memory_space<vmem_shared>> -> memref<10240x128xf32, #tpu.memory_space<vmem_shared>>
        tpu.enqueue_indirect_dma source(%arg13 : memref<128x128xf32, #tpu.memory_space<vmem>>) target(%dma_start3A_80 : memref<10240x128xf32, #tpu.memory_space<vmem_shared>>) offsets(%arg11 : memref<128xi32, #tpu.memory_space<vmem>>) semaphore(%run_scoped3A : memref<!tpu.dma_semaphore, #tpu.memory_space<semaphore_mem>>) {add = true}
        %dma_wait3A_81 = arith.constant 0 : i32
        %dma_wait3A_82 = arith.constant 0 : i32
        %dma_wait3A_83 = tpu.memref_slice %arg14[%dma_wait3A_81, %dma_wait3A_82] : memref<10240x128xf32, #tpu.memory_space<vmem_shared>> -> memref<10240x128xf32, #tpu.memory_space<vmem_shared>>
        tpu.wait_indirect_dma semaphore(%run_scoped3A : memref<!tpu.dma_semaphore, #tpu.memory_space<semaphore_mem>>) src(%arg13 : memref<128x128xf32, #tpu.memory_space<vmem>>) dst(%dma_wait3A_83 : memref<10240x128xf32, #tpu.memory_space<vmem_shared>>)
        tpu.yield
      }) : () -> ()
    }
    %while3A_39 = arith.constant 1 : i32
    scf.for %while3A_49 = %while3A_37 to %while3A_33 step %while3A_39  : i32 {
      %mul3A_50 = arith.constant 2 : i32
      %mul3A_51 = arith.muli %while3A_49, %mul3A_50 : i32
      %mul3A_52 = arith.constant 128 : i32
      %mul3A_53 = arith.muli %mul3A_51, %mul3A_52 : i32
      %add3A_54 = arith.addi %mul3A_8, %mul3A_53 : i32
      %multiple_of3A_55 = tpu.assume_multiple %add3A_54, 128 : i32
      %add3A_56 = arith.constant 1 : i32
      %add3A_57 = arith.addi %mul3A_51, %add3A_56 : i32
      %mul3A_58 = arith.constant 128 : i32
      %mul3A_59 = arith.muli %add3A_57, %mul3A_58 : i32
      %add3A_60 = arith.addi %mul3A_8, %mul3A_59 : i32
      %multiple_of3A_61 = tpu.assume_multiple %add3A_60, 128 : i32
      "tpu.region"() ({
        %run_scoped3A = tpu.sem_alloc : memref<!tpu.dma_semaphore, #tpu.memory_space<semaphore_mem>>
        %dma_start3A_78 = tpu.memref_slice %arg3[%multiple_of3A_55] : memref<323584xi32, #tpu.memory_space<hbm>> -> memref<128xi32, #tpu.memory_space<hbm>>
        %dma_start3A_79 = tpu.memref_slice %arg3[%multiple_of3A_55] : memref<323584xi32, #tpu.memory_space<hbm>> -> memref<128xi32, #tpu.memory_space<hbm>>
        tpu.enqueue_dma source(%dma_start3A_79 : memref<128xi32, #tpu.memory_space<hbm>>) target(%arg8 : memref<128xi32, #tpu.memory_space<vmem>>) target_semaphore(%run_scoped3A : memref<!tpu.dma_semaphore, #tpu.memory_space<semaphore_mem>>)
        %dma_wait3A_80 = tpu.memref_slice %arg3[%multiple_of3A_55] : memref<323584xi32, #tpu.memory_space<hbm>> -> memref<128xi32, #tpu.memory_space<hbm>>
        %dma_wait3A_81 = tpu.memref_slice %arg3[%multiple_of3A_55] : memref<323584xi32, #tpu.memory_space<hbm>> -> memref<128xi32, #tpu.memory_space<hbm>>
        tpu.wait_dma2 semaphore(%run_scoped3A : memref<!tpu.dma_semaphore, #tpu.memory_space<semaphore_mem>>) src(%dma_wait3A_81 : memref<128xi32, #tpu.memory_space<hbm>>) dst(%arg8 : memref<128xi32, #tpu.memory_space<vmem>>)
        tpu.yield
      }) : () -> ()
      "tpu.region"() ({
        %run_scoped3A = tpu.sem_alloc : memref<!tpu.dma_semaphore, #tpu.memory_space<semaphore_mem>>
        %dma_start3A_78 = tpu.memref_slice %arg4[%multiple_of3A_55] : memref<323584xi32, #tpu.memory_space<hbm>> -> memref<128xi32, #tpu.memory_space<hbm>>
        %dma_start3A_79 = tpu.memref_slice %arg4[%multiple_of3A_55] : memref<323584xi32, #tpu.memory_space<hbm>> -> memref<128xi32, #tpu.memory_space<hbm>>
        tpu.enqueue_dma source(%dma_start3A_79 : memref<128xi32, #tpu.memory_space<hbm>>) target(%arg10 : memref<128xi32, #tpu.memory_space<vmem>>) target_semaphore(%run_scoped3A : memref<!tpu.dma_semaphore, #tpu.memory_space<semaphore_mem>>)
        %dma_wait3A_80 = tpu.memref_slice %arg4[%multiple_of3A_55] : memref<323584xi32, #tpu.memory_space<hbm>> -> memref<128xi32, #tpu.memory_space<hbm>>
        %dma_wait3A_81 = tpu.memref_slice %arg4[%multiple_of3A_55] : memref<323584xi32, #tpu.memory_space<hbm>> -> memref<128xi32, #tpu.memory_space<hbm>>
        tpu.wait_dma2 semaphore(%run_scoped3A : memref<!tpu.dma_semaphore, #tpu.memory_space<semaphore_mem>>) src(%dma_wait3A_81 : memref<128xi32, #tpu.memory_space<hbm>>) dst(%arg10 : memref<128xi32, #tpu.memory_space<vmem>>)
        tpu.yield
      }) : () -> ()
      %dma_start3A = arith.constant 0 : i32
      %dma_start3A_62 = arith.constant 0 : i32
      %dma_start3A_63 = tpu.memref_slice %arg2[%dma_start3A, %dma_start3A_62] : memref<10240x128xf32, #tpu.memory_space<hbm>> -> memref<10240x128xf32, #tpu.memory_space<hbm>>
      tpu.enqueue_indirect_dma source(%dma_start3A_63 : memref<10240x128xf32, #tpu.memory_space<hbm>>) target(%arg12 : memref<128x128xf32, #tpu.memory_space<vmem>>) offsets(%arg8 : memref<128xi32, #tpu.memory_space<vmem>>) semaphore(%arg15 : memref<!tpu.dma_semaphore, #tpu.memory_space<semaphore_mem>>)
      "tpu.region"() ({
        %run_scoped3A = tpu.sem_alloc : memref<!tpu.dma_semaphore, #tpu.memory_space<semaphore_mem>>
        %dma_start3A_78 = tpu.memref_slice %arg3[%multiple_of3A_61] : memref<323584xi32, #tpu.memory_space<hbm>> -> memref<128xi32, #tpu.memory_space<hbm>>
        %dma_start3A_79 = tpu.memref_slice %arg3[%multiple_of3A_61] : memref<323584xi32, #tpu.memory_space<hbm>> -> memref<128xi32, #tpu.memory_space<hbm>>
        tpu.enqueue_dma source(%dma_start3A_79 : memref<128xi32, #tpu.memory_space<hbm>>) target(%arg9 : memref<128xi32, #tpu.memory_space<vmem>>) target_semaphore(%run_scoped3A : memref<!tpu.dma_semaphore, #tpu.memory_space<semaphore_mem>>)
        %dma_wait3A_80 = tpu.memref_slice %arg3[%multiple_of3A_61] : memref<323584xi32, #tpu.memory_space<hbm>> -> memref<128xi32, #tpu.memory_space<hbm>>
        %dma_wait3A_81 = tpu.memref_slice %arg3[%multiple_of3A_61] : memref<323584xi32, #tpu.memory_space<hbm>> -> memref<128xi32, #tpu.memory_space<hbm>>
        tpu.wait_dma2 semaphore(%run_scoped3A : memref<!tpu.dma_semaphore, #tpu.memory_space<semaphore_mem>>) src(%dma_wait3A_81 : memref<128xi32, #tpu.memory_space<hbm>>) dst(%arg9 : memref<128xi32, #tpu.memory_space<vmem>>)
        tpu.yield
      }) : () -> ()
      "tpu.region"() ({
        %run_scoped3A = tpu.sem_alloc : memref<!tpu.dma_semaphore, #tpu.memory_space<semaphore_mem>>
        %dma_start3A_78 = tpu.memref_slice %arg4[%multiple_of3A_61] : memref<323584xi32, #tpu.memory_space<hbm>> -> memref<128xi32, #tpu.memory_space<hbm>>
        %dma_start3A_79 = tpu.memref_slice %arg4[%multiple_of3A_61] : memref<323584xi32, #tpu.memory_space<hbm>> -> memref<128xi32, #tpu.memory_space<hbm>>
        tpu.enqueue_dma source(%dma_start3A_79 : memref<128xi32, #tpu.memory_space<hbm>>) target(%arg11 : memref<128xi32, #tpu.memory_space<vmem>>) target_semaphore(%run_scoped3A : memref<!tpu.dma_semaphore, #tpu.memory_space<semaphore_mem>>)
        %dma_wait3A_80 = tpu.memref_slice %arg4[%multiple_of3A_61] : memref<323584xi32, #tpu.memory_space<hbm>> -> memref<128xi32, #tpu.memory_space<hbm>>
        %dma_wait3A_81 = tpu.memref_slice %arg4[%multiple_of3A_61] : memref<323584xi32, #tpu.memory_space<hbm>> -> memref<128xi32, #tpu.memory_space<hbm>>
        tpu.wait_dma2 semaphore(%run_scoped3A : memref<!tpu.dma_semaphore, #tpu.memory_space<semaphore_mem>>) src(%dma_wait3A_81 : memref<128xi32, #tpu.memory_space<hbm>>) dst(%arg11 : memref<128xi32, #tpu.memory_space<vmem>>)
        tpu.yield
      }) : () -> ()
      %dma_wait3A = arith.constant 0 : i32
      %dma_wait3A_64 = arith.constant 0 : i32
      %dma_wait3A_65 = tpu.memref_slice %arg2[%dma_wait3A, %dma_wait3A_64] : memref<10240x128xf32, #tpu.memory_space<hbm>> -> memref<10240x128xf32, #tpu.memory_space<hbm>>
      tpu.wait_indirect_dma semaphore(%arg15 : memref<!tpu.dma_semaphore, #tpu.memory_space<semaphore_mem>>) src(%dma_wait3A_65 : memref<10240x128xf32, #tpu.memory_space<hbm>>) dst(%arg12 : memref<128x128xf32, #tpu.memory_space<vmem>>)
      %dma_start3A_66 = arith.constant 0 : i32
      %dma_start3A_67 = arith.constant 0 : i32
      %dma_start3A_68 = tpu.memref_slice %arg14[%dma_start3A_66, %dma_start3A_67] : memref<10240x128xf32, #tpu.memory_space<vmem_shared>> -> memref<10240x128xf32, #tpu.memory_space<vmem_shared>>
      tpu.enqueue_indirect_dma source(%arg12 : memref<128x128xf32, #tpu.memory_space<vmem>>) target(%dma_start3A_68 : memref<10240x128xf32, #tpu.memory_space<vmem_shared>>) offsets(%arg10 : memref<128xi32, #tpu.memory_space<vmem>>) semaphore(%arg16 : memref<!tpu.dma_semaphore, #tpu.memory_space<semaphore_mem>>) {add = true}
      %dma_start3A_69 = arith.constant 0 : i32
      %dma_start3A_70 = arith.constant 0 : i32
      %dma_start3A_71 = tpu.memref_slice %arg2[%dma_start3A_69, %dma_start3A_70] : memref<10240x128xf32, #tpu.memory_space<hbm>> -> memref<10240x128xf32, #tpu.memory_space<hbm>>
      tpu.enqueue_indirect_dma source(%dma_start3A_71 : memref<10240x128xf32, #tpu.memory_space<hbm>>) target(%arg13 : memref<128x128xf32, #tpu.memory_space<vmem>>) offsets(%arg9 : memref<128xi32, #tpu.memory_space<vmem>>) semaphore(%arg15 : memref<!tpu.dma_semaphore, #tpu.memory_space<semaphore_mem>>)
      %dma_wait3A_72 = arith.constant 0 : i32
      %dma_wait3A_73 = arith.constant 0 : i32
      %dma_wait3A_74 = tpu.memref_slice %arg2[%dma_wait3A_72, %dma_wait3A_73] : memref<10240x128xf32, #tpu.memory_space<hbm>> -> memref<10240x128xf32, #tpu.memory_space<hbm>>
      tpu.wait_indirect_dma semaphore(%arg15 : memref<!tpu.dma_semaphore, #tpu.memory_space<semaphore_mem>>) src(%dma_wait3A_74 : memref<10240x128xf32, #tpu.memory_space<hbm>>) dst(%arg13 : memref<128x128xf32, #tpu.memory_space<vmem>>)
      %dma_wait3A_75 = arith.constant 0 : i32
      %dma_wait3A_76 = arith.constant 0 : i32
      %dma_wait3A_77 = tpu.memref_slice %arg14[%dma_wait3A_75, %dma_wait3A_76] : memref<10240x128xf32, #tpu.memory_space<vmem_shared>> -> memref<10240x128xf32, #tpu.memory_space<vmem_shared>>
      tpu.wait_indirect_dma semaphore(%arg16 : memref<!tpu.dma_semaphore, #tpu.memory_space<semaphore_mem>>) src(%arg12 : memref<128x128xf32, #tpu.memory_space<vmem>>) dst(%dma_wait3A_77 : memref<10240x128xf32, #tpu.memory_space<vmem_shared>>)
      "tpu.region"() ({
        %run_scoped3A = tpu.sem_alloc : memref<!tpu.dma_semaphore, #tpu.memory_space<semaphore_mem>>
        %dma_start3A_78 = arith.constant 0 : i32
        %dma_start3A_79 = arith.constant 0 : i32
        %dma_start3A_80 = tpu.memref_slice %arg14[%dma_start3A_78, %dma_start3A_79] : memref<10240x128xf32, #tpu.memory_space<vmem_shared>> -> memref<10240x128xf32, #tpu.memory_space<vmem_shared>>
        tpu.enqueue_indirect_dma source(%arg13 : memref<128x128xf32, #tpu.memory_space<vmem>>) target(%dma_start3A_80 : memref<10240x128xf32, #tpu.memory_space<vmem_shared>>) offsets(%arg11 : memref<128xi32, #tpu.memory_space<vmem>>) semaphore(%run_scoped3A : memref<!tpu.dma_semaphore, #tpu.memory_space<semaphore_mem>>) {add = true}
        %dma_wait3A_81 = arith.constant 0 : i32
        %dma_wait3A_82 = arith.constant 0 : i32
        %dma_wait3A_83 = tpu.memref_slice %arg14[%dma_wait3A_81, %dma_wait3A_82] : memref<10240x128xf32, #tpu.memory_space<vmem_shared>> -> memref<10240x128xf32, #tpu.memory_space<vmem_shared>>
        tpu.wait_indirect_dma semaphore(%run_scoped3A : memref<!tpu.dma_semaphore, #tpu.memory_space<semaphore_mem>>) src(%arg13 : memref<128x128xf32, #tpu.memory_space<vmem>>) dst(%dma_wait3A_83 : memref<10240x128xf32, #tpu.memory_space<vmem_shared>>)
        tpu.yield
      }) : () -> ()
    }
    %barrier3A_40 = arith.constant 0 : index
    tpu.barrier barrier_id(%barrier3A_40)
    %eq3A_41 = arith.constant 0 : i32
    %eq3A_42 = arith.cmpi eq, %arg0, %eq3A_41 : i32
    %convert_element_type3A = arith.extui %eq3A_42 : i1 to i32
    %cond3A = arith.constant 0 : i32
    %cond3A_43 = arith.cmpi ne, %convert_element_type3A, %cond3A : i32
    scf.if %cond3A_43 {
      "tpu.region"() ({
        %run_scoped3A = tpu.sem_alloc : memref<!tpu.dma_semaphore, #tpu.memory_space<semaphore_mem>>
        %dma_start3A = arith.constant 0 : i32
        %dma_start3A_49 = tpu.memref_slice %arg6[%multiple_of3A, %dma_start3A] : memref<10240x128xf32, #tpu.memory_space<hbm>> -> memref<640x128xf32, #tpu.memory_space<hbm>>
        %dma_start3A_50 = arith.constant 0 : i32
        %dma_start3A_51 = tpu.memref_slice %arg14[%multiple_of3A, %dma_start3A_50] : memref<10240x128xf32, #tpu.memory_space<vmem_shared>> -> memref<640x128xf32, #tpu.memory_space<vmem_shared>>
        tpu.enqueue_dma source(%dma_start3A_51 : memref<640x128xf32, #tpu.memory_space<vmem_shared>>) target(%dma_start3A_49 : memref<640x128xf32, #tpu.memory_space<hbm>>) target_semaphore(%run_scoped3A : memref<!tpu.dma_semaphore, #tpu.memory_space<semaphore_mem>>)
        %dma_wait3A = arith.constant 0 : i32
        %dma_wait3A_52 = tpu.memref_slice %arg6[%multiple_of3A, %dma_wait3A] : memref<10240x128xf32, #tpu.memory_space<hbm>> -> memref<640x128xf32, #tpu.memory_space<hbm>>
        %dma_wait3A_53 = arith.constant 0 : i32
        %dma_wait3A_54 = tpu.memref_slice %arg14[%multiple_of3A, %dma_wait3A_53] : memref<10240x128xf32, #tpu.memory_space<vmem_shared>> -> memref<640x128xf32, #tpu.memory_space<vmem_shared>>
        tpu.wait_dma2 semaphore(%run_scoped3A : memref<!tpu.dma_semaphore, #tpu.memory_space<semaphore_mem>>) src(%dma_wait3A_54 : memref<640x128xf32, #tpu.memory_space<vmem_shared>>) dst(%dma_wait3A_52 : memref<640x128xf32, #tpu.memory_space<hbm>>)
        tpu.yield
      }) : () -> ()
    } else {
    }
    %eq3A_44 = arith.constant 1 : i32
    %eq3A_45 = arith.cmpi eq, %arg0, %eq3A_44 : i32
    %convert_element_type3A_46 = arith.extui %eq3A_45 : i1 to i32
    %cond3A_47 = arith.constant 0 : i32
    %cond3A_48 = arith.cmpi ne, %convert_element_type3A_46, %cond3A_47 : i32
    scf.if %cond3A_48 {
      "tpu.region"() ({
        %run_scoped3A = tpu.sem_alloc : memref<!tpu.dma_semaphore, #tpu.memory_space<semaphore_mem>>
        %dma_start3A = arith.constant 0 : i32
        %dma_start3A_49 = tpu.memref_slice %arg7[%multiple_of3A, %dma_start3A] : memref<10240x128xf32, #tpu.memory_space<hbm>> -> memref<640x128xf32, #tpu.memory_space<hbm>>
        %dma_start3A_50 = arith.constant 0 : i32
        %dma_start3A_51 = tpu.memref_slice %arg14[%multiple_of3A, %dma_start3A_50] : memref<10240x128xf32, #tpu.memory_space<vmem_shared>> -> memref<640x128xf32, #tpu.memory_space<vmem_shared>>
        tpu.enqueue_dma source(%dma_start3A_51 : memref<640x128xf32, #tpu.memory_space<vmem_shared>>) target(%dma_start3A_49 : memref<640x128xf32, #tpu.memory_space<hbm>>) target_semaphore(%run_scoped3A : memref<!tpu.dma_semaphore, #tpu.memory_space<semaphore_mem>>)
        %dma_wait3A = arith.constant 0 : i32
        %dma_wait3A_52 = tpu.memref_slice %arg7[%multiple_of3A, %dma_wait3A] : memref<10240x128xf32, #tpu.memory_space<hbm>> -> memref<640x128xf32, #tpu.memory_space<hbm>>
        %dma_wait3A_53 = arith.constant 0 : i32
        %dma_wait3A_54 = tpu.memref_slice %arg14[%multiple_of3A, %dma_wait3A_53] : memref<10240x128xf32, #tpu.memory_space<vmem_shared>> -> memref<640x128xf32, #tpu.memory_space<vmem_shared>>
        tpu.wait_dma2 semaphore(%run_scoped3A : memref<!tpu.dma_semaphore, #tpu.memory_space<semaphore_mem>>) src(%dma_wait3A_54 : memref<640x128xf32, #tpu.memory_space<vmem_shared>>) dst(%dma_wait3A_52 : memref<640x128xf32, #tpu.memory_space<hbm>>)
        tpu.yield
      }) : () -> ()
    } else {
    }
    return
  }
}

module attributes {stable_mosaic.version = 14 : i64} {
  func.func @_boundary_body(%arg0: i32, %arg1: memref<512x128xf32, #tpu.memory_space<vmem>>, %arg2: memref<512x128xf32, #tpu.memory_space<vmem>>, %arg3: memref<512x128xf32, #tpu.memory_space<vmem>>, %arg4: memref<512x128xf32, #tpu.memory_space<vmem>>, %arg5: memref<128x128xf32, #tpu.memory_space<vmem>>, %arg6: memref<32x128xf32, #tpu.memory_space<vmem>>, %arg7: memref<1x128xf32, #tpu.memory_space<vmem>>, %arg8: memref<512x128xf32, #tpu.memory_space<vmem>>) attributes {dimension_semantics = [#tpu.dimension_semantics<arbitrary>], iteration_bounds = array<i64: 20>, scalar_prefetch = 0 : i64, scratch_operands = 0 : i64, tpu.core_type = #tpu.core_type<tc>, window_params = [{transform_indices = @transform_0, window_bounds = array<i64: 512, 128>}, {transform_indices = @transform_1, window_bounds = array<i64: 512, 128>}, {transform_indices = @transform_2, window_bounds = array<i64: 512, 128>}, {transform_indices = @transform_3, window_bounds = array<i64: 512, 128>}, {pipeline_mode = #tpu.pipeline_mode<synchronous>, transform_indices = @transform_4, window_bounds = array<i64: 128, 128>}, {pipeline_mode = #tpu.pipeline_mode<synchronous>, transform_indices = @transform_5, window_bounds = array<i64: 32, 128>}, {pipeline_mode = #tpu.pipeline_mode<synchronous>, transform_indices = @transform_6, window_bounds = array<i64: 1, 128>}, {transform_indices = @transform_7, window_bounds = array<i64: 512, 128>}]} {
    %get3A = arith.constant 0 : index
    %get3A_0 = arith.constant 0 : index
    %get3A_1 = vector.load %arg1[%get3A, %get3A_0] : memref<512x128xf32, #tpu.memory_space<vmem>>, vector<512x128xf32>
    %get3A_2 = arith.constant 0 : index
    %get3A_3 = arith.constant 0 : index
    %get3A_4 = vector.load %arg2[%get3A_2, %get3A_3] : memref<512x128xf32, #tpu.memory_space<vmem>>, vector<512x128xf32>
    %add3A = arith.addf %get3A_1, %get3A_4 : vector<512x128xf32>
    %get3A_5 = arith.constant 0 : index
    %get3A_6 = arith.constant 0 : index
    %get3A_7 = vector.load %arg5[%get3A_5, %get3A_6] : memref<128x128xf32, #tpu.memory_space<vmem>>, vector<128x128xf32>
    %dot_general3A = arith.constant dense<0.000000e+00> : vector<512x128xf32>
    %dot_general3A_8 = tpu.matmul %add3A, %get3A_7, %dot_general3A {dimension_numbers = #tpu.dot_dimension_numbers<[1], [0], [0], [1], [0, 0, 1, 1], [], []>, transpose_lhs_hint = false} : vector<512x128xf32>, vector<128x128xf32>, vector<512x128xf32> -> vector<512x128xf32>
    %get3A_9 = arith.constant 0 : index
    %get3A_10 = arith.constant 0 : index
    %get3A_11 = vector.load %arg3[%get3A_9, %get3A_10] : memref<512x128xf32, #tpu.memory_space<vmem>>, vector<512x128xf32>
    %get3A_12 = arith.constant 0 : index
    %get3A_13 = arith.constant 0 : index
    %get3A_14 = vector.load %arg4[%get3A_12, %get3A_13] : memref<512x128xf32, #tpu.memory_space<vmem>>, vector<512x128xf32>
    %add3A_15 = arith.addf %get3A_11, %get3A_14 : vector<512x128xf32>
    %slice3A = vector.extract_strided_slice %add3A_15 {offsets = [0, 0], sizes = [512, 32], strides = [1, 1]} : vector<512x128xf32> to vector<512x32xf32>
    %slice3A_16 = vector.extract_strided_slice %add3A_15 {offsets = [0, 32], sizes = [512, 1], strides = [1, 1]} : vector<512x128xf32> to vector<512x1xf32>
    %get3A_17 = arith.constant 0 : index
    %get3A_18 = arith.constant 0 : index
    %get3A_19 = vector.load %arg6[%get3A_17, %get3A_18] : memref<32x128xf32, #tpu.memory_space<vmem>>, vector<32x128xf32>
    %dot_general3A_20 = arith.constant dense<0.000000e+00> : vector<512x128xf32>
    %dot_general3A_21 = tpu.matmul %slice3A, %get3A_19, %dot_general3A_20 {dimension_numbers = #tpu.dot_dimension_numbers<[1], [0], [0], [1], [0, 0, 1, 1], [], []>, transpose_lhs_hint = false} : vector<512x32xf32>, vector<32x128xf32>, vector<512x128xf32> -> vector<512x128xf32>
    %add3A_22 = arith.addf %dot_general3A_8, %dot_general3A_21 : vector<512x128xf32>
    %max3A = arith.constant 1.000000e+00 : f32
    %max3A_23 = vector.broadcast %max3A : f32 to vector<512x1xf32>
    %max3A_24 = arith.maximumf %slice3A_16, %max3A_23 : vector<512x1xf32>
    %div3A = vector.broadcast %max3A_24 : vector<512x1xf32> to vector<512x128xf32>
    %div3A_25 = arith.divf %add3A_22, %div3A : vector<512x128xf32>
    %get3A_26 = arith.constant 0 : index
    %get3A_27 = arith.constant 0 : index
    %get3A_28 = vector.load %arg7[%get3A_26, %get3A_27] : memref<1x128xf32, #tpu.memory_space<vmem>>, vector<1x128xf32>
    %add3A_29 = vector.broadcast %get3A_28 : vector<1x128xf32> to vector<512x128xf32>
    %add3A_30 = arith.addf %div3A_25, %add3A_29 : vector<512x128xf32>
    %max3A_31 = arith.constant 0.000000e+00 : f32
    %max3A_32 = vector.broadcast %max3A_31 : f32 to vector<512x128xf32>
    %max3A_33 = arith.maximumf %add3A_30, %max3A_32 : vector<512x128xf32>
    %swap3A = arith.constant 0 : index
    %swap3A_34 = arith.constant 0 : index
    %swap3A_35 = vector.load %arg8[%swap3A, %swap3A_34] : memref<512x128xf32, #tpu.memory_space<vmem>>, vector<512x128xf32>
    tpu.vector_store %arg8[%swap3A, %swap3A_34], %max3A_33 {strides = array<i32>} : memref<512x128xf32, #tpu.memory_space<vmem>>, vector<512x128xf32>,
    return
  }
  func.func @transform_0(%arg0: i32) -> (i32, i32) {
    %c0_i32 = arith.constant 0 : i32
    %c0_i32_0 = arith.constant 0 : i32
    return %arg0, %c0_i32 : i32, i32
  }
  func.func @transform_1(%arg0: i32) -> (i32, i32) {
    %c0_i32 = arith.constant 0 : i32
    %c0_i32_0 = arith.constant 0 : i32
    return %arg0, %c0_i32 : i32, i32
  }
  func.func @transform_2(%arg0: i32) -> (i32, i32) {
    %c0_i32 = arith.constant 0 : i32
    %c0_i32_0 = arith.constant 0 : i32
    return %arg0, %c0_i32 : i32, i32
  }
  func.func @transform_3(%arg0: i32) -> (i32, i32) {
    %c0_i32 = arith.constant 0 : i32
    %c0_i32_0 = arith.constant 0 : i32
    return %arg0, %c0_i32 : i32, i32
  }
  func.func @transform_4(%arg0: i32) -> (i32, i32) {
    %c0_i32 = arith.constant 0 : i32
    %c0_i32_0 = arith.constant 0 : i32
    %c0_i32_1 = arith.constant 0 : i32
    return %c0_i32, %c0_i32_0 : i32, i32
  }
  func.func @transform_5(%arg0: i32) -> (i32, i32) {
    %c0_i32 = arith.constant 0 : i32
    %c0_i32_0 = arith.constant 0 : i32
    %c0_i32_1 = arith.constant 0 : i32
    return %c0_i32, %c0_i32_0 : i32, i32
  }
  func.func @transform_6(%arg0: i32) -> (i32, i32) {
    %c0_i32 = arith.constant 0 : i32
    %c0_i32_0 = arith.constant 0 : i32
    %c0_i32_1 = arith.constant 0 : i32
    return %c0_i32, %c0_i32_0 : i32, i32
  }
  func.func @transform_7(%arg0: i32) -> (i32, i32) {
    %c0_i32 = arith.constant 0 : i32
    %c0_i32_0 = arith.constant 0 : i32
    return %arg0, %c0_i32 : i32, i32
  }
}

module attributes {stable_mosaic.version = 14 : i64} {
  func.func @_final_body(%arg0: i32, %arg1: memref<512x128xf32, #tpu.memory_space<vmem>>, %arg2: memref<512x128xf32, #tpu.memory_space<vmem>>, %arg3: memref<512x128xf32, #tpu.memory_space<vmem>>, %arg4: memref<512x128xf32, #tpu.memory_space<vmem>>, %arg5: memref<128x128xf32, #tpu.memory_space<vmem>>, %arg6: memref<32x128xf32, #tpu.memory_space<vmem>>, %arg7: memref<1x128xf32, #tpu.memory_space<vmem>>, %arg8: memref<512x64xf32, #tpu.memory_space<vmem>>, %arg9: memref<64x128xf32, #tpu.memory_space<vmem>>) attributes {dimension_semantics = [#tpu.dimension_semantics<arbitrary>], iteration_bounds = array<i64: 20>, scalar_prefetch = 0 : i64, scratch_operands = 0 : i64, tpu.core_type = #tpu.core_type<tc>, window_params = [{transform_indices = @transform_0, window_bounds = array<i64: 512, 128>}, {transform_indices = @transform_1, window_bounds = array<i64: 512, 128>}, {transform_indices = @transform_2, window_bounds = array<i64: 512, 128>}, {transform_indices = @transform_3, window_bounds = array<i64: 512, 128>}, {pipeline_mode = #tpu.pipeline_mode<synchronous>, transform_indices = @transform_4, window_bounds = array<i64: 128, 128>}, {pipeline_mode = #tpu.pipeline_mode<synchronous>, transform_indices = @transform_5, window_bounds = array<i64: 32, 128>}, {pipeline_mode = #tpu.pipeline_mode<synchronous>, transform_indices = @transform_6, window_bounds = array<i64: 1, 128>}, {transform_indices = @transform_7, window_bounds = array<i64: 512, 64>}, {pipeline_mode = #tpu.pipeline_mode<synchronous>, transform_indices = @transform_8, window_bounds = array<i64: 64, 128>}]} {
    %get3A = arith.constant 0 : index
    %get3A_0 = arith.constant 0 : index
    %get3A_1 = vector.load %arg1[%get3A, %get3A_0] : memref<512x128xf32, #tpu.memory_space<vmem>>, vector<512x128xf32>
    %get3A_2 = arith.constant 0 : index
    %get3A_3 = arith.constant 0 : index
    %get3A_4 = vector.load %arg2[%get3A_2, %get3A_3] : memref<512x128xf32, #tpu.memory_space<vmem>>, vector<512x128xf32>
    %add3A = arith.addf %get3A_1, %get3A_4 : vector<512x128xf32>
    %get3A_5 = arith.constant 0 : index
    %get3A_6 = arith.constant 0 : index
    %get3A_7 = vector.load %arg5[%get3A_5, %get3A_6] : memref<128x128xf32, #tpu.memory_space<vmem>>, vector<128x128xf32>
    %dot_general3A = arith.constant dense<0.000000e+00> : vector<512x128xf32>
    %dot_general3A_8 = tpu.matmul %add3A, %get3A_7, %dot_general3A {dimension_numbers = #tpu.dot_dimension_numbers<[1], [0], [0], [1], [0, 0, 1, 1], [], []>, transpose_lhs_hint = false} : vector<512x128xf32>, vector<128x128xf32>, vector<512x128xf32> -> vector<512x128xf32>
    %get3A_9 = arith.constant 0 : index
    %get3A_10 = arith.constant 0 : index
    %get3A_11 = vector.load %arg3[%get3A_9, %get3A_10] : memref<512x128xf32, #tpu.memory_space<vmem>>, vector<512x128xf32>
    %get3A_12 = arith.constant 0 : index
    %get3A_13 = arith.constant 0 : index
    %get3A_14 = vector.load %arg4[%get3A_12, %get3A_13] : memref<512x128xf32, #tpu.memory_space<vmem>>, vector<512x128xf32>
    %add3A_15 = arith.addf %get3A_11, %get3A_14 : vector<512x128xf32>
    %slice3A = vector.extract_strided_slice %add3A_15 {offsets = [0, 0], sizes = [512, 32], strides = [1, 1]} : vector<512x128xf32> to vector<512x32xf32>
    %slice3A_16 = vector.extract_strided_slice %add3A_15 {offsets = [0, 32], sizes = [512, 1], strides = [1, 1]} : vector<512x128xf32> to vector<512x1xf32>
    %get3A_17 = arith.constant 0 : index
    %get3A_18 = arith.constant 0 : index
    %get3A_19 = vector.load %arg6[%get3A_17, %get3A_18] : memref<32x128xf32, #tpu.memory_space<vmem>>, vector<32x128xf32>
    %dot_general3A_20 = arith.constant dense<0.000000e+00> : vector<512x128xf32>
    %dot_general3A_21 = tpu.matmul %slice3A, %get3A_19, %dot_general3A_20 {dimension_numbers = #tpu.dot_dimension_numbers<[1], [0], [0], [1], [0, 0, 1, 1], [], []>, transpose_lhs_hint = false} : vector<512x32xf32>, vector<32x128xf32>, vector<512x128xf32> -> vector<512x128xf32>
    %add3A_22 = arith.addf %dot_general3A_8, %dot_general3A_21 : vector<512x128xf32>
    %max3A = arith.constant 1.000000e+00 : f32
    %max3A_23 = vector.broadcast %max3A : f32 to vector<512x1xf32>
    %max3A_24 = arith.maximumf %slice3A_16, %max3A_23 : vector<512x1xf32>
    %div3A = vector.broadcast %max3A_24 : vector<512x1xf32> to vector<512x128xf32>
    %div3A_25 = arith.divf %add3A_22, %div3A : vector<512x128xf32>
    %get3A_26 = arith.constant 0 : index
    %get3A_27 = arith.constant 0 : index
    %get3A_28 = vector.load %arg7[%get3A_26, %get3A_27] : memref<1x128xf32, #tpu.memory_space<vmem>>, vector<1x128xf32>
    %add3A_29 = vector.broadcast %get3A_28 : vector<1x128xf32> to vector<512x128xf32>
    %add3A_30 = arith.addf %div3A_25, %add3A_29 : vector<512x128xf32>
    %max3A_31 = arith.constant 0.000000e+00 : f32
    %max3A_32 = vector.broadcast %max3A_31 : f32 to vector<512x128xf32>
    %max3A_33 = arith.maximumf %add3A_30, %max3A_32 : vector<512x128xf32>
    %eq3A = arith.constant 0 : i32
    %eq3A_34 = arith.cmpi eq, %arg0, %eq3A : i32
    %convert_element_type3A = arith.extui %eq3A_34 : i1 to i32
    %cond3A = arith.constant 0 : i32
    %cond3A_35 = arith.cmpi ne, %convert_element_type3A, %cond3A : i32
    scf.if %cond3A_35 {
      %broadcast_in_dim3A = arith.constant 0.000000e+00 : f32
      %broadcast_in_dim3A_427 = vector.broadcast %broadcast_in_dim3A : f32 to vector<64x128xf32>
      %swap3A_428 = arith.constant 0 : index
      %swap3A_429 = arith.constant 0 : index
      %swap3A_430 = vector.load %arg9[%swap3A_428, %swap3A_429] : memref<64x128xf32, #tpu.memory_space<vmem>>, vector<64x128xf32>
      tpu.vector_store %arg9[%swap3A_428, %swap3A_429], %broadcast_in_dim3A_427 {strides = array<i32>} : memref<64x128xf32, #tpu.memory_space<vmem>>, vector<64x128xf32>,
    } else {
    }
    %get3A_36 = arith.constant 0 : index
    %get3A_37 = arith.constant 0 : index
    %get3A_38 = vector.load %arg8[%get3A_36, %get3A_37] : memref<512x64xf32, #tpu.memory_space<vmem>>, vector<512x64xf32>
    %slice3A_39 = vector.extract_strided_slice %get3A_38 {offsets = [0, 0], sizes = [512, 1], strides = [1, 1]} : vector<512x64xf32> to vector<512x1xf32>
    %mul3A = vector.broadcast %slice3A_39 : vector<512x1xf32> to vector<512x128xf32>
    %mul3A_40 = arith.mulf %max3A_33, %mul3A : vector<512x128xf32>
    %reduce_max3A = arith.constant dense<0xFF800000> : vector<128xf32>
    %reduce_max3A_41 = vector.multi_reduction <maximumf>, %mul3A_40, %reduce_max3A [0] : vector<512x128xf32> to vector<128xf32>
    %slice3A_42 = vector.extract_strided_slice %get3A_38 {offsets = [0, 1], sizes = [512, 1], strides = [1, 1]} : vector<512x64xf32> to vector<512x1xf32>
    %mul3A_43 = vector.broadcast %slice3A_42 : vector<512x1xf32> to vector<512x128xf32>
    %mul3A_44 = arith.mulf %max3A_33, %mul3A_43 : vector<512x128xf32>
    %reduce_max3A_45 = arith.constant dense<0xFF800000> : vector<128xf32>
    %reduce_max3A_46 = vector.multi_reduction <maximumf>, %mul3A_44, %reduce_max3A_45 [0] : vector<512x128xf32> to vector<128xf32>
    %slice3A_47 = vector.extract_strided_slice %get3A_38 {offsets = [0, 2], sizes = [512, 1], strides = [1, 1]} : vector<512x64xf32> to vector<512x1xf32>
    %mul3A_48 = vector.broadcast %slice3A_47 : vector<512x1xf32> to vector<512x128xf32>
    %mul3A_49 = arith.mulf %max3A_33, %mul3A_48 : vector<512x128xf32>
    %reduce_max3A_50 = arith.constant dense<0xFF800000> : vector<128xf32>
    %reduce_max3A_51 = vector.multi_reduction <maximumf>, %mul3A_49, %reduce_max3A_50 [0] : vector<512x128xf32> to vector<128xf32>
    %slice3A_52 = vector.extract_strided_slice %get3A_38 {offsets = [0, 3], sizes = [512, 1], strides = [1, 1]} : vector<512x64xf32> to vector<512x1xf32>
    %mul3A_53 = vector.broadcast %slice3A_52 : vector<512x1xf32> to vector<512x128xf32>
    %mul3A_54 = arith.mulf %max3A_33, %mul3A_53 : vector<512x128xf32>
    %reduce_max3A_55 = arith.constant dense<0xFF800000> : vector<128xf32>
    %reduce_max3A_56 = vector.multi_reduction <maximumf>, %mul3A_54, %reduce_max3A_55 [0] : vector<512x128xf32> to vector<128xf32>
    %slice3A_57 = vector.extract_strided_slice %get3A_38 {offsets = [0, 4], sizes = [512, 1], strides = [1, 1]} : vector<512x64xf32> to vector<512x1xf32>
    %mul3A_58 = vector.broadcast %slice3A_57 : vector<512x1xf32> to vector<512x128xf32>
    %mul3A_59 = arith.mulf %max3A_33, %mul3A_58 : vector<512x128xf32>
    %reduce_max3A_60 = arith.constant dense<0xFF800000> : vector<128xf32>
    %reduce_max3A_61 = vector.multi_reduction <maximumf>, %mul3A_59, %reduce_max3A_60 [0] : vector<512x128xf32> to vector<128xf32>
    %slice3A_62 = vector.extract_strided_slice %get3A_38 {offsets = [0, 5], sizes = [512, 1], strides = [1, 1]} : vector<512x64xf32> to vector<512x1xf32>
    %mul3A_63 = vector.broadcast %slice3A_62 : vector<512x1xf32> to vector<512x128xf32>
    %mul3A_64 = arith.mulf %max3A_33, %mul3A_63 : vector<512x128xf32>
    %reduce_max3A_65 = arith.constant dense<0xFF800000> : vector<128xf32>
    %reduce_max3A_66 = vector.multi_reduction <maximumf>, %mul3A_64, %reduce_max3A_65 [0] : vector<512x128xf32> to vector<128xf32>
    %slice3A_67 = vector.extract_strided_slice %get3A_38 {offsets = [0, 6], sizes = [512, 1], strides = [1, 1]} : vector<512x64xf32> to vector<512x1xf32>
    %mul3A_68 = vector.broadcast %slice3A_67 : vector<512x1xf32> to vector<512x128xf32>
    %mul3A_69 = arith.mulf %max3A_33, %mul3A_68 : vector<512x128xf32>
    %reduce_max3A_70 = arith.constant dense<0xFF800000> : vector<128xf32>
    %reduce_max3A_71 = vector.multi_reduction <maximumf>, %mul3A_69, %reduce_max3A_70 [0] : vector<512x128xf32> to vector<128xf32>
    %slice3A_72 = vector.extract_strided_slice %get3A_38 {offsets = [0, 7], sizes = [512, 1], strides = [1, 1]} : vector<512x64xf32> to vector<512x1xf32>
    %mul3A_73 = vector.broadcast %slice3A_72 : vector<512x1xf32> to vector<512x128xf32>
    %mul3A_74 = arith.mulf %max3A_33, %mul3A_73 : vector<512x128xf32>
    %reduce_max3A_75 = arith.constant dense<0xFF800000> : vector<128xf32>
    %reduce_max3A_76 = vector.multi_reduction <maximumf>, %mul3A_74, %reduce_max3A_75 [0] : vector<512x128xf32> to vector<128xf32>
    %slice3A_77 = vector.extract_strided_slice %get3A_38 {offsets = [0, 8], sizes = [512, 1], strides = [1, 1]} : vector<512x64xf32> to vector<512x1xf32>
    %mul3A_78 = vector.broadcast %slice3A_77 : vector<512x1xf32> to vector<512x128xf32>
    %mul3A_79 = arith.mulf %max3A_33, %mul3A_78 : vector<512x128xf32>
    %reduce_max3A_80 = arith.constant dense<0xFF800000> : vector<128xf32>
    %reduce_max3A_81 = vector.multi_reduction <maximumf>, %mul3A_79, %reduce_max3A_80 [0] : vector<512x128xf32> to vector<128xf32>
    %slice3A_82 = vector.extract_strided_slice %get3A_38 {offsets = [0, 9], sizes = [512, 1], strides = [1, 1]} : vector<512x64xf32> to vector<512x1xf32>
    %mul3A_83 = vector.broadcast %slice3A_82 : vector<512x1xf32> to vector<512x128xf32>
    %mul3A_84 = arith.mulf %max3A_33, %mul3A_83 : vector<512x128xf32>
    %reduce_max3A_85 = arith.constant dense<0xFF800000> : vector<128xf32>
    %reduce_max3A_86 = vector.multi_reduction <maximumf>, %mul3A_84, %reduce_max3A_85 [0] : vector<512x128xf32> to vector<128xf32>
    %slice3A_87 = vector.extract_strided_slice %get3A_38 {offsets = [0, 10], sizes = [512, 1], strides = [1, 1]} : vector<512x64xf32> to vector<512x1xf32>
    %mul3A_88 = vector.broadcast %slice3A_87 : vector<512x1xf32> to vector<512x128xf32>
    %mul3A_89 = arith.mulf %max3A_33, %mul3A_88 : vector<512x128xf32>
    %reduce_max3A_90 = arith.constant dense<0xFF800000> : vector<128xf32>
    %reduce_max3A_91 = vector.multi_reduction <maximumf>, %mul3A_89, %reduce_max3A_90 [0] : vector<512x128xf32> to vector<128xf32>
    %slice3A_92 = vector.extract_strided_slice %get3A_38 {offsets = [0, 11], sizes = [512, 1], strides = [1, 1]} : vector<512x64xf32> to vector<512x1xf32>
    %mul3A_93 = vector.broadcast %slice3A_92 : vector<512x1xf32> to vector<512x128xf32>
    %mul3A_94 = arith.mulf %max3A_33, %mul3A_93 : vector<512x128xf32>
    %reduce_max3A_95 = arith.constant dense<0xFF800000> : vector<128xf32>
    %reduce_max3A_96 = vector.multi_reduction <maximumf>, %mul3A_94, %reduce_max3A_95 [0] : vector<512x128xf32> to vector<128xf32>
    %slice3A_97 = vector.extract_strided_slice %get3A_38 {offsets = [0, 12], sizes = [512, 1], strides = [1, 1]} : vector<512x64xf32> to vector<512x1xf32>
    %mul3A_98 = vector.broadcast %slice3A_97 : vector<512x1xf32> to vector<512x128xf32>
    %mul3A_99 = arith.mulf %max3A_33, %mul3A_98 : vector<512x128xf32>
    %reduce_max3A_100 = arith.constant dense<0xFF800000> : vector<128xf32>
    %reduce_max3A_101 = vector.multi_reduction <maximumf>, %mul3A_99, %reduce_max3A_100 [0] : vector<512x128xf32> to vector<128xf32>
    %slice3A_102 = vector.extract_strided_slice %get3A_38 {offsets = [0, 13], sizes = [512, 1], strides = [1, 1]} : vector<512x64xf32> to vector<512x1xf32>
    %mul3A_103 = vector.broadcast %slice3A_102 : vector<512x1xf32> to vector<512x128xf32>
    %mul3A_104 = arith.mulf %max3A_33, %mul3A_103 : vector<512x128xf32>
    %reduce_max3A_105 = arith.constant dense<0xFF800000> : vector<128xf32>
    %reduce_max3A_106 = vector.multi_reduction <maximumf>, %mul3A_104, %reduce_max3A_105 [0] : vector<512x128xf32> to vector<128xf32>
    %slice3A_107 = vector.extract_strided_slice %get3A_38 {offsets = [0, 14], sizes = [512, 1], strides = [1, 1]} : vector<512x64xf32> to vector<512x1xf32>
    %mul3A_108 = vector.broadcast %slice3A_107 : vector<512x1xf32> to vector<512x128xf32>
    %mul3A_109 = arith.mulf %max3A_33, %mul3A_108 : vector<512x128xf32>
    %reduce_max3A_110 = arith.constant dense<0xFF800000> : vector<128xf32>
    %reduce_max3A_111 = vector.multi_reduction <maximumf>, %mul3A_109, %reduce_max3A_110 [0] : vector<512x128xf32> to vector<128xf32>
    %slice3A_112 = vector.extract_strided_slice %get3A_38 {offsets = [0, 15], sizes = [512, 1], strides = [1, 1]} : vector<512x64xf32> to vector<512x1xf32>
    %mul3A_113 = vector.broadcast %slice3A_112 : vector<512x1xf32> to vector<512x128xf32>
    %mul3A_114 = arith.mulf %max3A_33, %mul3A_113 : vector<512x128xf32>
    %reduce_max3A_115 = arith.constant dense<0xFF800000> : vector<128xf32>
    %reduce_max3A_116 = vector.multi_reduction <maximumf>, %mul3A_114, %reduce_max3A_115 [0] : vector<512x128xf32> to vector<128xf32>
    %slice3A_117 = vector.extract_strided_slice %get3A_38 {offsets = [0, 16], sizes = [512, 1], strides = [1, 1]} : vector<512x64xf32> to vector<512x1xf32>
    %mul3A_118 = vector.broadcast %slice3A_117 : vector<512x1xf32> to vector<512x128xf32>
    %mul3A_119 = arith.mulf %max3A_33, %mul3A_118 : vector<512x128xf32>
    %reduce_max3A_120 = arith.constant dense<0xFF800000> : vector<128xf32>
    %reduce_max3A_121 = vector.multi_reduction <maximumf>, %mul3A_119, %reduce_max3A_120 [0] : vector<512x128xf32> to vector<128xf32>
    %slice3A_122 = vector.extract_strided_slice %get3A_38 {offsets = [0, 17], sizes = [512, 1], strides = [1, 1]} : vector<512x64xf32> to vector<512x1xf32>
    %mul3A_123 = vector.broadcast %slice3A_122 : vector<512x1xf32> to vector<512x128xf32>
    %mul3A_124 = arith.mulf %max3A_33, %mul3A_123 : vector<512x128xf32>
    %reduce_max3A_125 = arith.constant dense<0xFF800000> : vector<128xf32>
    %reduce_max3A_126 = vector.multi_reduction <maximumf>, %mul3A_124, %reduce_max3A_125 [0] : vector<512x128xf32> to vector<128xf32>
    %slice3A_127 = vector.extract_strided_slice %get3A_38 {offsets = [0, 18], sizes = [512, 1], strides = [1, 1]} : vector<512x64xf32> to vector<512x1xf32>
    %mul3A_128 = vector.broadcast %slice3A_127 : vector<512x1xf32> to vector<512x128xf32>
    %mul3A_129 = arith.mulf %max3A_33, %mul3A_128 : vector<512x128xf32>
    %reduce_max3A_130 = arith.constant dense<0xFF800000> : vector<128xf32>
    %reduce_max3A_131 = vector.multi_reduction <maximumf>, %mul3A_129, %reduce_max3A_130 [0] : vector<512x128xf32> to vector<128xf32>
    %slice3A_132 = vector.extract_strided_slice %get3A_38 {offsets = [0, 19], sizes = [512, 1], strides = [1, 1]} : vector<512x64xf32> to vector<512x1xf32>
    %mul3A_133 = vector.broadcast %slice3A_132 : vector<512x1xf32> to vector<512x128xf32>
    %mul3A_134 = arith.mulf %max3A_33, %mul3A_133 : vector<512x128xf32>
    %reduce_max3A_135 = arith.constant dense<0xFF800000> : vector<128xf32>
    %reduce_max3A_136 = vector.multi_reduction <maximumf>, %mul3A_134, %reduce_max3A_135 [0] : vector<512x128xf32> to vector<128xf32>
    %slice3A_137 = vector.extract_strided_slice %get3A_38 {offsets = [0, 20], sizes = [512, 1], strides = [1, 1]} : vector<512x64xf32> to vector<512x1xf32>
    %mul3A_138 = vector.broadcast %slice3A_137 : vector<512x1xf32> to vector<512x128xf32>
    %mul3A_139 = arith.mulf %max3A_33, %mul3A_138 : vector<512x128xf32>
    %reduce_max3A_140 = arith.constant dense<0xFF800000> : vector<128xf32>
    %reduce_max3A_141 = vector.multi_reduction <maximumf>, %mul3A_139, %reduce_max3A_140 [0] : vector<512x128xf32> to vector<128xf32>
    %slice3A_142 = vector.extract_strided_slice %get3A_38 {offsets = [0, 21], sizes = [512, 1], strides = [1, 1]} : vector<512x64xf32> to vector<512x1xf32>
    %mul3A_143 = vector.broadcast %slice3A_142 : vector<512x1xf32> to vector<512x128xf32>
    %mul3A_144 = arith.mulf %max3A_33, %mul3A_143 : vector<512x128xf32>
    %reduce_max3A_145 = arith.constant dense<0xFF800000> : vector<128xf32>
    %reduce_max3A_146 = vector.multi_reduction <maximumf>, %mul3A_144, %reduce_max3A_145 [0] : vector<512x128xf32> to vector<128xf32>
    %slice3A_147 = vector.extract_strided_slice %get3A_38 {offsets = [0, 22], sizes = [512, 1], strides = [1, 1]} : vector<512x64xf32> to vector<512x1xf32>
    %mul3A_148 = vector.broadcast %slice3A_147 : vector<512x1xf32> to vector<512x128xf32>
    %mul3A_149 = arith.mulf %max3A_33, %mul3A_148 : vector<512x128xf32>
    %reduce_max3A_150 = arith.constant dense<0xFF800000> : vector<128xf32>
    %reduce_max3A_151 = vector.multi_reduction <maximumf>, %mul3A_149, %reduce_max3A_150 [0] : vector<512x128xf32> to vector<128xf32>
    %slice3A_152 = vector.extract_strided_slice %get3A_38 {offsets = [0, 23], sizes = [512, 1], strides = [1, 1]} : vector<512x64xf32> to vector<512x1xf32>
    %mul3A_153 = vector.broadcast %slice3A_152 : vector<512x1xf32> to vector<512x128xf32>
    %mul3A_154 = arith.mulf %max3A_33, %mul3A_153 : vector<512x128xf32>
    %reduce_max3A_155 = arith.constant dense<0xFF800000> : vector<128xf32>
    %reduce_max3A_156 = vector.multi_reduction <maximumf>, %mul3A_154, %reduce_max3A_155 [0] : vector<512x128xf32> to vector<128xf32>
    %slice3A_157 = vector.extract_strided_slice %get3A_38 {offsets = [0, 24], sizes = [512, 1], strides = [1, 1]} : vector<512x64xf32> to vector<512x1xf32>
    %mul3A_158 = vector.broadcast %slice3A_157 : vector<512x1xf32> to vector<512x128xf32>
    %mul3A_159 = arith.mulf %max3A_33, %mul3A_158 : vector<512x128xf32>
    %reduce_max3A_160 = arith.constant dense<0xFF800000> : vector<128xf32>
    %reduce_max3A_161 = vector.multi_reduction <maximumf>, %mul3A_159, %reduce_max3A_160 [0] : vector<512x128xf32> to vector<128xf32>
    %slice3A_162 = vector.extract_strided_slice %get3A_38 {offsets = [0, 25], sizes = [512, 1], strides = [1, 1]} : vector<512x64xf32> to vector<512x1xf32>
    %mul3A_163 = vector.broadcast %slice3A_162 : vector<512x1xf32> to vector<512x128xf32>
    %mul3A_164 = arith.mulf %max3A_33, %mul3A_163 : vector<512x128xf32>
    %reduce_max3A_165 = arith.constant dense<0xFF800000> : vector<128xf32>
    %reduce_max3A_166 = vector.multi_reduction <maximumf>, %mul3A_164, %reduce_max3A_165 [0] : vector<512x128xf32> to vector<128xf32>
    %slice3A_167 = vector.extract_strided_slice %get3A_38 {offsets = [0, 26], sizes = [512, 1], strides = [1, 1]} : vector<512x64xf32> to vector<512x1xf32>
    %mul3A_168 = vector.broadcast %slice3A_167 : vector<512x1xf32> to vector<512x128xf32>
    %mul3A_169 = arith.mulf %max3A_33, %mul3A_168 : vector<512x128xf32>
    %reduce_max3A_170 = arith.constant dense<0xFF800000> : vector<128xf32>
    %reduce_max3A_171 = vector.multi_reduction <maximumf>, %mul3A_169, %reduce_max3A_170 [0] : vector<512x128xf32> to vector<128xf32>
    %slice3A_172 = vector.extract_strided_slice %get3A_38 {offsets = [0, 27], sizes = [512, 1], strides = [1, 1]} : vector<512x64xf32> to vector<512x1xf32>
    %mul3A_173 = vector.broadcast %slice3A_172 : vector<512x1xf32> to vector<512x128xf32>
    %mul3A_174 = arith.mulf %max3A_33, %mul3A_173 : vector<512x128xf32>
    %reduce_max3A_175 = arith.constant dense<0xFF800000> : vector<128xf32>
    %reduce_max3A_176 = vector.multi_reduction <maximumf>, %mul3A_174, %reduce_max3A_175 [0] : vector<512x128xf32> to vector<128xf32>
    %slice3A_177 = vector.extract_strided_slice %get3A_38 {offsets = [0, 28], sizes = [512, 1], strides = [1, 1]} : vector<512x64xf32> to vector<512x1xf32>
    %mul3A_178 = vector.broadcast %slice3A_177 : vector<512x1xf32> to vector<512x128xf32>
    %mul3A_179 = arith.mulf %max3A_33, %mul3A_178 : vector<512x128xf32>
    %reduce_max3A_180 = arith.constant dense<0xFF800000> : vector<128xf32>
    %reduce_max3A_181 = vector.multi_reduction <maximumf>, %mul3A_179, %reduce_max3A_180 [0] : vector<512x128xf32> to vector<128xf32>
    %slice3A_182 = vector.extract_strided_slice %get3A_38 {offsets = [0, 29], sizes = [512, 1], strides = [1, 1]} : vector<512x64xf32> to vector<512x1xf32>
    %mul3A_183 = vector.broadcast %slice3A_182 : vector<512x1xf32> to vector<512x128xf32>
    %mul3A_184 = arith.mulf %max3A_33, %mul3A_183 : vector<512x128xf32>
    %reduce_max3A_185 = arith.constant dense<0xFF800000> : vector<128xf32>
    %reduce_max3A_186 = vector.multi_reduction <maximumf>, %mul3A_184, %reduce_max3A_185 [0] : vector<512x128xf32> to vector<128xf32>
    %slice3A_187 = vector.extract_strided_slice %get3A_38 {offsets = [0, 30], sizes = [512, 1], strides = [1, 1]} : vector<512x64xf32> to vector<512x1xf32>
    %mul3A_188 = vector.broadcast %slice3A_187 : vector<512x1xf32> to vector<512x128xf32>
    %mul3A_189 = arith.mulf %max3A_33, %mul3A_188 : vector<512x128xf32>
    %reduce_max3A_190 = arith.constant dense<0xFF800000> : vector<128xf32>
    %reduce_max3A_191 = vector.multi_reduction <maximumf>, %mul3A_189, %reduce_max3A_190 [0] : vector<512x128xf32> to vector<128xf32>
    %slice3A_192 = vector.extract_strided_slice %get3A_38 {offsets = [0, 31], sizes = [512, 1], strides = [1, 1]} : vector<512x64xf32> to vector<512x1xf32>
    %mul3A_193 = vector.broadcast %slice3A_192 : vector<512x1xf32> to vector<512x128xf32>
    %mul3A_194 = arith.mulf %max3A_33, %mul3A_193 : vector<512x128xf32>
    %reduce_max3A_195 = arith.constant dense<0xFF800000> : vector<128xf32>
    %reduce_max3A_196 = vector.multi_reduction <maximumf>, %mul3A_194, %reduce_max3A_195 [0] : vector<512x128xf32> to vector<128xf32>
    %slice3A_197 = vector.extract_strided_slice %get3A_38 {offsets = [0, 32], sizes = [512, 1], strides = [1, 1]} : vector<512x64xf32> to vector<512x1xf32>
    %mul3A_198 = vector.broadcast %slice3A_197 : vector<512x1xf32> to vector<512x128xf32>
    %mul3A_199 = arith.mulf %max3A_33, %mul3A_198 : vector<512x128xf32>
    %reduce_max3A_200 = arith.constant dense<0xFF800000> : vector<128xf32>
    %reduce_max3A_201 = vector.multi_reduction <maximumf>, %mul3A_199, %reduce_max3A_200 [0] : vector<512x128xf32> to vector<128xf32>
    %slice3A_202 = vector.extract_strided_slice %get3A_38 {offsets = [0, 33], sizes = [512, 1], strides = [1, 1]} : vector<512x64xf32> to vector<512x1xf32>
    %mul3A_203 = vector.broadcast %slice3A_202 : vector<512x1xf32> to vector<512x128xf32>
    %mul3A_204 = arith.mulf %max3A_33, %mul3A_203 : vector<512x128xf32>
    %reduce_max3A_205 = arith.constant dense<0xFF800000> : vector<128xf32>
    %reduce_max3A_206 = vector.multi_reduction <maximumf>, %mul3A_204, %reduce_max3A_205 [0] : vector<512x128xf32> to vector<128xf32>
    %slice3A_207 = vector.extract_strided_slice %get3A_38 {offsets = [0, 34], sizes = [512, 1], strides = [1, 1]} : vector<512x64xf32> to vector<512x1xf32>
    %mul3A_208 = vector.broadcast %slice3A_207 : vector<512x1xf32> to vector<512x128xf32>
    %mul3A_209 = arith.mulf %max3A_33, %mul3A_208 : vector<512x128xf32>
    %reduce_max3A_210 = arith.constant dense<0xFF800000> : vector<128xf32>
    %reduce_max3A_211 = vector.multi_reduction <maximumf>, %mul3A_209, %reduce_max3A_210 [0] : vector<512x128xf32> to vector<128xf32>
    %slice3A_212 = vector.extract_strided_slice %get3A_38 {offsets = [0, 35], sizes = [512, 1], strides = [1, 1]} : vector<512x64xf32> to vector<512x1xf32>
    %mul3A_213 = vector.broadcast %slice3A_212 : vector<512x1xf32> to vector<512x128xf32>
    %mul3A_214 = arith.mulf %max3A_33, %mul3A_213 : vector<512x128xf32>
    %reduce_max3A_215 = arith.constant dense<0xFF800000> : vector<128xf32>
    %reduce_max3A_216 = vector.multi_reduction <maximumf>, %mul3A_214, %reduce_max3A_215 [0] : vector<512x128xf32> to vector<128xf32>
    %slice3A_217 = vector.extract_strided_slice %get3A_38 {offsets = [0, 36], sizes = [512, 1], strides = [1, 1]} : vector<512x64xf32> to vector<512x1xf32>
    %mul3A_218 = vector.broadcast %slice3A_217 : vector<512x1xf32> to vector<512x128xf32>
    %mul3A_219 = arith.mulf %max3A_33, %mul3A_218 : vector<512x128xf32>
    %reduce_max3A_220 = arith.constant dense<0xFF800000> : vector<128xf32>
    %reduce_max3A_221 = vector.multi_reduction <maximumf>, %mul3A_219, %reduce_max3A_220 [0] : vector<512x128xf32> to vector<128xf32>
    %slice3A_222 = vector.extract_strided_slice %get3A_38 {offsets = [0, 37], sizes = [512, 1], strides = [1, 1]} : vector<512x64xf32> to vector<512x1xf32>
    %mul3A_223 = vector.broadcast %slice3A_222 : vector<512x1xf32> to vector<512x128xf32>
    %mul3A_224 = arith.mulf %max3A_33, %mul3A_223 : vector<512x128xf32>
    %reduce_max3A_225 = arith.constant dense<0xFF800000> : vector<128xf32>
    %reduce_max3A_226 = vector.multi_reduction <maximumf>, %mul3A_224, %reduce_max3A_225 [0] : vector<512x128xf32> to vector<128xf32>
    %slice3A_227 = vector.extract_strided_slice %get3A_38 {offsets = [0, 38], sizes = [512, 1], strides = [1, 1]} : vector<512x64xf32> to vector<512x1xf32>
    %mul3A_228 = vector.broadcast %slice3A_227 : vector<512x1xf32> to vector<512x128xf32>
    %mul3A_229 = arith.mulf %max3A_33, %mul3A_228 : vector<512x128xf32>
    %reduce_max3A_230 = arith.constant dense<0xFF800000> : vector<128xf32>
    %reduce_max3A_231 = vector.multi_reduction <maximumf>, %mul3A_229, %reduce_max3A_230 [0] : vector<512x128xf32> to vector<128xf32>
    %slice3A_232 = vector.extract_strided_slice %get3A_38 {offsets = [0, 39], sizes = [512, 1], strides = [1, 1]} : vector<512x64xf32> to vector<512x1xf32>
    %mul3A_233 = vector.broadcast %slice3A_232 : vector<512x1xf32> to vector<512x128xf32>
    %mul3A_234 = arith.mulf %max3A_33, %mul3A_233 : vector<512x128xf32>
    %reduce_max3A_235 = arith.constant dense<0xFF800000> : vector<128xf32>
    %reduce_max3A_236 = vector.multi_reduction <maximumf>, %mul3A_234, %reduce_max3A_235 [0] : vector<512x128xf32> to vector<128xf32>
    %slice3A_237 = vector.extract_strided_slice %get3A_38 {offsets = [0, 40], sizes = [512, 1], strides = [1, 1]} : vector<512x64xf32> to vector<512x1xf32>
    %mul3A_238 = vector.broadcast %slice3A_237 : vector<512x1xf32> to vector<512x128xf32>
    %mul3A_239 = arith.mulf %max3A_33, %mul3A_238 : vector<512x128xf32>
    %reduce_max3A_240 = arith.constant dense<0xFF800000> : vector<128xf32>
    %reduce_max3A_241 = vector.multi_reduction <maximumf>, %mul3A_239, %reduce_max3A_240 [0] : vector<512x128xf32> to vector<128xf32>
    %slice3A_242 = vector.extract_strided_slice %get3A_38 {offsets = [0, 41], sizes = [512, 1], strides = [1, 1]} : vector<512x64xf32> to vector<512x1xf32>
    %mul3A_243 = vector.broadcast %slice3A_242 : vector<512x1xf32> to vector<512x128xf32>
    %mul3A_244 = arith.mulf %max3A_33, %mul3A_243 : vector<512x128xf32>
    %reduce_max3A_245 = arith.constant dense<0xFF800000> : vector<128xf32>
    %reduce_max3A_246 = vector.multi_reduction <maximumf>, %mul3A_244, %reduce_max3A_245 [0] : vector<512x128xf32> to vector<128xf32>
    %slice3A_247 = vector.extract_strided_slice %get3A_38 {offsets = [0, 42], sizes = [512, 1], strides = [1, 1]} : vector<512x64xf32> to vector<512x1xf32>
    %mul3A_248 = vector.broadcast %slice3A_247 : vector<512x1xf32> to vector<512x128xf32>
    %mul3A_249 = arith.mulf %max3A_33, %mul3A_248 : vector<512x128xf32>
    %reduce_max3A_250 = arith.constant dense<0xFF800000> : vector<128xf32>
    %reduce_max3A_251 = vector.multi_reduction <maximumf>, %mul3A_249, %reduce_max3A_250 [0] : vector<512x128xf32> to vector<128xf32>
    %slice3A_252 = vector.extract_strided_slice %get3A_38 {offsets = [0, 43], sizes = [512, 1], strides = [1, 1]} : vector<512x64xf32> to vector<512x1xf32>
    %mul3A_253 = vector.broadcast %slice3A_252 : vector<512x1xf32> to vector<512x128xf32>
    %mul3A_254 = arith.mulf %max3A_33, %mul3A_253 : vector<512x128xf32>
    %reduce_max3A_255 = arith.constant dense<0xFF800000> : vector<128xf32>
    %reduce_max3A_256 = vector.multi_reduction <maximumf>, %mul3A_254, %reduce_max3A_255 [0] : vector<512x128xf32> to vector<128xf32>
    %slice3A_257 = vector.extract_strided_slice %get3A_38 {offsets = [0, 44], sizes = [512, 1], strides = [1, 1]} : vector<512x64xf32> to vector<512x1xf32>
    %mul3A_258 = vector.broadcast %slice3A_257 : vector<512x1xf32> to vector<512x128xf32>
    %mul3A_259 = arith.mulf %max3A_33, %mul3A_258 : vector<512x128xf32>
    %reduce_max3A_260 = arith.constant dense<0xFF800000> : vector<128xf32>
    %reduce_max3A_261 = vector.multi_reduction <maximumf>, %mul3A_259, %reduce_max3A_260 [0] : vector<512x128xf32> to vector<128xf32>
    %slice3A_262 = vector.extract_strided_slice %get3A_38 {offsets = [0, 45], sizes = [512, 1], strides = [1, 1]} : vector<512x64xf32> to vector<512x1xf32>
    %mul3A_263 = vector.broadcast %slice3A_262 : vector<512x1xf32> to vector<512x128xf32>
    %mul3A_264 = arith.mulf %max3A_33, %mul3A_263 : vector<512x128xf32>
    %reduce_max3A_265 = arith.constant dense<0xFF800000> : vector<128xf32>
    %reduce_max3A_266 = vector.multi_reduction <maximumf>, %mul3A_264, %reduce_max3A_265 [0] : vector<512x128xf32> to vector<128xf32>
    %slice3A_267 = vector.extract_strided_slice %get3A_38 {offsets = [0, 46], sizes = [512, 1], strides = [1, 1]} : vector<512x64xf32> to vector<512x1xf32>
    %mul3A_268 = vector.broadcast %slice3A_267 : vector<512x1xf32> to vector<512x128xf32>
    %mul3A_269 = arith.mulf %max3A_33, %mul3A_268 : vector<512x128xf32>
    %reduce_max3A_270 = arith.constant dense<0xFF800000> : vector<128xf32>
    %reduce_max3A_271 = vector.multi_reduction <maximumf>, %mul3A_269, %reduce_max3A_270 [0] : vector<512x128xf32> to vector<128xf32>
    %slice3A_272 = vector.extract_strided_slice %get3A_38 {offsets = [0, 47], sizes = [512, 1], strides = [1, 1]} : vector<512x64xf32> to vector<512x1xf32>
    %mul3A_273 = vector.broadcast %slice3A_272 : vector<512x1xf32> to vector<512x128xf32>
    %mul3A_274 = arith.mulf %max3A_33, %mul3A_273 : vector<512x128xf32>
    %reduce_max3A_275 = arith.constant dense<0xFF800000> : vector<128xf32>
    %reduce_max3A_276 = vector.multi_reduction <maximumf>, %mul3A_274, %reduce_max3A_275 [0] : vector<512x128xf32> to vector<128xf32>
    %slice3A_277 = vector.extract_strided_slice %get3A_38 {offsets = [0, 48], sizes = [512, 1], strides = [1, 1]} : vector<512x64xf32> to vector<512x1xf32>
    %mul3A_278 = vector.broadcast %slice3A_277 : vector<512x1xf32> to vector<512x128xf32>
    %mul3A_279 = arith.mulf %max3A_33, %mul3A_278 : vector<512x128xf32>
    %reduce_max3A_280 = arith.constant dense<0xFF800000> : vector<128xf32>
    %reduce_max3A_281 = vector.multi_reduction <maximumf>, %mul3A_279, %reduce_max3A_280 [0] : vector<512x128xf32> to vector<128xf32>
    %slice3A_282 = vector.extract_strided_slice %get3A_38 {offsets = [0, 49], sizes = [512, 1], strides = [1, 1]} : vector<512x64xf32> to vector<512x1xf32>
    %mul3A_283 = vector.broadcast %slice3A_282 : vector<512x1xf32> to vector<512x128xf32>
    %mul3A_284 = arith.mulf %max3A_33, %mul3A_283 : vector<512x128xf32>
    %reduce_max3A_285 = arith.constant dense<0xFF800000> : vector<128xf32>
    %reduce_max3A_286 = vector.multi_reduction <maximumf>, %mul3A_284, %reduce_max3A_285 [0] : vector<512x128xf32> to vector<128xf32>
    %slice3A_287 = vector.extract_strided_slice %get3A_38 {offsets = [0, 50], sizes = [512, 1], strides = [1, 1]} : vector<512x64xf32> to vector<512x1xf32>
    %mul3A_288 = vector.broadcast %slice3A_287 : vector<512x1xf32> to vector<512x128xf32>
    %mul3A_289 = arith.mulf %max3A_33, %mul3A_288 : vector<512x128xf32>
    %reduce_max3A_290 = arith.constant dense<0xFF800000> : vector<128xf32>
    %reduce_max3A_291 = vector.multi_reduction <maximumf>, %mul3A_289, %reduce_max3A_290 [0] : vector<512x128xf32> to vector<128xf32>
    %slice3A_292 = vector.extract_strided_slice %get3A_38 {offsets = [0, 51], sizes = [512, 1], strides = [1, 1]} : vector<512x64xf32> to vector<512x1xf32>
    %mul3A_293 = vector.broadcast %slice3A_292 : vector<512x1xf32> to vector<512x128xf32>
    %mul3A_294 = arith.mulf %max3A_33, %mul3A_293 : vector<512x128xf32>
    %reduce_max3A_295 = arith.constant dense<0xFF800000> : vector<128xf32>
    %reduce_max3A_296 = vector.multi_reduction <maximumf>, %mul3A_294, %reduce_max3A_295 [0] : vector<512x128xf32> to vector<128xf32>
    %slice3A_297 = vector.extract_strided_slice %get3A_38 {offsets = [0, 52], sizes = [512, 1], strides = [1, 1]} : vector<512x64xf32> to vector<512x1xf32>
    %mul3A_298 = vector.broadcast %slice3A_297 : vector<512x1xf32> to vector<512x128xf32>
    %mul3A_299 = arith.mulf %max3A_33, %mul3A_298 : vector<512x128xf32>
    %reduce_max3A_300 = arith.constant dense<0xFF800000> : vector<128xf32>
    %reduce_max3A_301 = vector.multi_reduction <maximumf>, %mul3A_299, %reduce_max3A_300 [0] : vector<512x128xf32> to vector<128xf32>
    %slice3A_302 = vector.extract_strided_slice %get3A_38 {offsets = [0, 53], sizes = [512, 1], strides = [1, 1]} : vector<512x64xf32> to vector<512x1xf32>
    %mul3A_303 = vector.broadcast %slice3A_302 : vector<512x1xf32> to vector<512x128xf32>
    %mul3A_304 = arith.mulf %max3A_33, %mul3A_303 : vector<512x128xf32>
    %reduce_max3A_305 = arith.constant dense<0xFF800000> : vector<128xf32>
    %reduce_max3A_306 = vector.multi_reduction <maximumf>, %mul3A_304, %reduce_max3A_305 [0] : vector<512x128xf32> to vector<128xf32>
    %slice3A_307 = vector.extract_strided_slice %get3A_38 {offsets = [0, 54], sizes = [512, 1], strides = [1, 1]} : vector<512x64xf32> to vector<512x1xf32>
    %mul3A_308 = vector.broadcast %slice3A_307 : vector<512x1xf32> to vector<512x128xf32>
    %mul3A_309 = arith.mulf %max3A_33, %mul3A_308 : vector<512x128xf32>
    %reduce_max3A_310 = arith.constant dense<0xFF800000> : vector<128xf32>
    %reduce_max3A_311 = vector.multi_reduction <maximumf>, %mul3A_309, %reduce_max3A_310 [0] : vector<512x128xf32> to vector<128xf32>
    %slice3A_312 = vector.extract_strided_slice %get3A_38 {offsets = [0, 55], sizes = [512, 1], strides = [1, 1]} : vector<512x64xf32> to vector<512x1xf32>
    %mul3A_313 = vector.broadcast %slice3A_312 : vector<512x1xf32> to vector<512x128xf32>
    %mul3A_314 = arith.mulf %max3A_33, %mul3A_313 : vector<512x128xf32>
    %reduce_max3A_315 = arith.constant dense<0xFF800000> : vector<128xf32>
    %reduce_max3A_316 = vector.multi_reduction <maximumf>, %mul3A_314, %reduce_max3A_315 [0] : vector<512x128xf32> to vector<128xf32>
    %slice3A_317 = vector.extract_strided_slice %get3A_38 {offsets = [0, 56], sizes = [512, 1], strides = [1, 1]} : vector<512x64xf32> to vector<512x1xf32>
    %mul3A_318 = vector.broadcast %slice3A_317 : vector<512x1xf32> to vector<512x128xf32>
    %mul3A_319 = arith.mulf %max3A_33, %mul3A_318 : vector<512x128xf32>
    %reduce_max3A_320 = arith.constant dense<0xFF800000> : vector<128xf32>
    %reduce_max3A_321 = vector.multi_reduction <maximumf>, %mul3A_319, %reduce_max3A_320 [0] : vector<512x128xf32> to vector<128xf32>
    %slice3A_322 = vector.extract_strided_slice %get3A_38 {offsets = [0, 57], sizes = [512, 1], strides = [1, 1]} : vector<512x64xf32> to vector<512x1xf32>
    %mul3A_323 = vector.broadcast %slice3A_322 : vector<512x1xf32> to vector<512x128xf32>
    %mul3A_324 = arith.mulf %max3A_33, %mul3A_323 : vector<512x128xf32>
    %reduce_max3A_325 = arith.constant dense<0xFF800000> : vector<128xf32>
    %reduce_max3A_326 = vector.multi_reduction <maximumf>, %mul3A_324, %reduce_max3A_325 [0] : vector<512x128xf32> to vector<128xf32>
    %slice3A_327 = vector.extract_strided_slice %get3A_38 {offsets = [0, 58], sizes = [512, 1], strides = [1, 1]} : vector<512x64xf32> to vector<512x1xf32>
    %mul3A_328 = vector.broadcast %slice3A_327 : vector<512x1xf32> to vector<512x128xf32>
    %mul3A_329 = arith.mulf %max3A_33, %mul3A_328 : vector<512x128xf32>
    %reduce_max3A_330 = arith.constant dense<0xFF800000> : vector<128xf32>
    %reduce_max3A_331 = vector.multi_reduction <maximumf>, %mul3A_329, %reduce_max3A_330 [0] : vector<512x128xf32> to vector<128xf32>
    %slice3A_332 = vector.extract_strided_slice %get3A_38 {offsets = [0, 59], sizes = [512, 1], strides = [1, 1]} : vector<512x64xf32> to vector<512x1xf32>
    %mul3A_333 = vector.broadcast %slice3A_332 : vector<512x1xf32> to vector<512x128xf32>
    %mul3A_334 = arith.mulf %max3A_33, %mul3A_333 : vector<512x128xf32>
    %reduce_max3A_335 = arith.constant dense<0xFF800000> : vector<128xf32>
    %reduce_max3A_336 = vector.multi_reduction <maximumf>, %mul3A_334, %reduce_max3A_335 [0] : vector<512x128xf32> to vector<128xf32>
    %slice3A_337 = vector.extract_strided_slice %get3A_38 {offsets = [0, 60], sizes = [512, 1], strides = [1, 1]} : vector<512x64xf32> to vector<512x1xf32>
    %mul3A_338 = vector.broadcast %slice3A_337 : vector<512x1xf32> to vector<512x128xf32>
    %mul3A_339 = arith.mulf %max3A_33, %mul3A_338 : vector<512x128xf32>
    %reduce_max3A_340 = arith.constant dense<0xFF800000> : vector<128xf32>
    %reduce_max3A_341 = vector.multi_reduction <maximumf>, %mul3A_339, %reduce_max3A_340 [0] : vector<512x128xf32> to vector<128xf32>
    %slice3A_342 = vector.extract_strided_slice %get3A_38 {offsets = [0, 61], sizes = [512, 1], strides = [1, 1]} : vector<512x64xf32> to vector<512x1xf32>
    %mul3A_343 = vector.broadcast %slice3A_342 : vector<512x1xf32> to vector<512x128xf32>
    %mul3A_344 = arith.mulf %max3A_33, %mul3A_343 : vector<512x128xf32>
    %reduce_max3A_345 = arith.constant dense<0xFF800000> : vector<128xf32>
    %reduce_max3A_346 = vector.multi_reduction <maximumf>, %mul3A_344, %reduce_max3A_345 [0] : vector<512x128xf32> to vector<128xf32>
    %slice3A_347 = vector.extract_strided_slice %get3A_38 {offsets = [0, 62], sizes = [512, 1], strides = [1, 1]} : vector<512x64xf32> to vector<512x1xf32>
    %mul3A_348 = vector.broadcast %slice3A_347 : vector<512x1xf32> to vector<512x128xf32>
    %mul3A_349 = arith.mulf %max3A_33, %mul3A_348 : vector<512x128xf32>
    %reduce_max3A_350 = arith.constant dense<0xFF800000> : vector<128xf32>
    %reduce_max3A_351 = vector.multi_reduction <maximumf>, %mul3A_349, %reduce_max3A_350 [0] : vector<512x128xf32> to vector<128xf32>
    %slice3A_352 = vector.extract_strided_slice %get3A_38 {offsets = [0, 63], sizes = [512, 1], strides = [1, 1]} : vector<512x64xf32> to vector<512x1xf32>
    %mul3A_353 = vector.broadcast %slice3A_352 : vector<512x1xf32> to vector<512x128xf32>
    %mul3A_354 = arith.mulf %max3A_33, %mul3A_353 : vector<512x128xf32>
    %reduce_max3A_355 = arith.constant dense<0xFF800000> : vector<128xf32>
    %reduce_max3A_356 = vector.multi_reduction <maximumf>, %mul3A_354, %reduce_max3A_355 [0] : vector<512x128xf32> to vector<128xf32>
    %get3A_357 = arith.constant 0 : index
    %get3A_358 = arith.constant 0 : index
    %get3A_359 = vector.load %arg9[%get3A_357, %get3A_358] : memref<64x128xf32, #tpu.memory_space<vmem>>, vector<64x128xf32>
    %stack3A = vector.shape_cast %reduce_max3A_41 : vector<128xf32> to vector<1x128xf32>
    %stack3A_360 = vector.shape_cast %reduce_max3A_46 : vector<128xf32> to vector<1x128xf32>
    %stack3A_361 = vector.shape_cast %reduce_max3A_51 : vector<128xf32> to vector<1x128xf32>
    %stack3A_362 = vector.shape_cast %reduce_max3A_56 : vector<128xf32> to vector<1x128xf32>
    %stack3A_363 = vector.shape_cast %reduce_max3A_61 : vector<128xf32> to vector<1x128xf32>
    %stack3A_364 = vector.shape_cast %reduce_max3A_66 : vector<128xf32> to vector<1x128xf32>
    %stack3A_365 = vector.shape_cast %reduce_max3A_71 : vector<128xf32> to vector<1x128xf32>
    %stack3A_366 = vector.shape_cast %reduce_max3A_76 : vector<128xf32> to vector<1x128xf32>
    %stack3A_367 = vector.shape_cast %reduce_max3A_81 : vector<128xf32> to vector<1x128xf32>
    %stack3A_368 = vector.shape_cast %reduce_max3A_86 : vector<128xf32> to vector<1x128xf32>
    %stack3A_369 = vector.shape_cast %reduce_max3A_91 : vector<128xf32> to vector<1x128xf32>
    %stack3A_370 = vector.shape_cast %reduce_max3A_96 : vector<128xf32> to vector<1x128xf32>
    %stack3A_371 = vector.shape_cast %reduce_max3A_101 : vector<128xf32> to vector<1x128xf32>
    %stack3A_372 = vector.shape_cast %reduce_max3A_106 : vector<128xf32> to vector<1x128xf32>
    %stack3A_373 = vector.shape_cast %reduce_max3A_111 : vector<128xf32> to vector<1x128xf32>
    %stack3A_374 = vector.shape_cast %reduce_max3A_116 : vector<128xf32> to vector<1x128xf32>
    %stack3A_375 = vector.shape_cast %reduce_max3A_121 : vector<128xf32> to vector<1x128xf32>
    %stack3A_376 = vector.shape_cast %reduce_max3A_126 : vector<128xf32> to vector<1x128xf32>
    %stack3A_377 = vector.shape_cast %reduce_max3A_131 : vector<128xf32> to vector<1x128xf32>
    %stack3A_378 = vector.shape_cast %reduce_max3A_136 : vector<128xf32> to vector<1x128xf32>
    %stack3A_379 = vector.shape_cast %reduce_max3A_141 : vector<128xf32> to vector<1x128xf32>
    %stack3A_380 = vector.shape_cast %reduce_max3A_146 : vector<128xf32> to vector<1x128xf32>
    %stack3A_381 = vector.shape_cast %reduce_max3A_151 : vector<128xf32> to vector<1x128xf32>
    %stack3A_382 = vector.shape_cast %reduce_max3A_156 : vector<128xf32> to vector<1x128xf32>
    %stack3A_383 = vector.shape_cast %reduce_max3A_161 : vector<128xf32> to vector<1x128xf32>
    %stack3A_384 = vector.shape_cast %reduce_max3A_166 : vector<128xf32> to vector<1x128xf32>
    %stack3A_385 = vector.shape_cast %reduce_max3A_171 : vector<128xf32> to vector<1x128xf32>
    %stack3A_386 = vector.shape_cast %reduce_max3A_176 : vector<128xf32> to vector<1x128xf32>
    %stack3A_387 = vector.shape_cast %reduce_max3A_181 : vector<128xf32> to vector<1x128xf32>
    %stack3A_388 = vector.shape_cast %reduce_max3A_186 : vector<128xf32> to vector<1x128xf32>
    %stack3A_389 = vector.shape_cast %reduce_max3A_191 : vector<128xf32> to vector<1x128xf32>
    %stack3A_390 = vector.shape_cast %reduce_max3A_196 : vector<128xf32> to vector<1x128xf32>
    %stack3A_391 = vector.shape_cast %reduce_max3A_201 : vector<128xf32> to vector<1x128xf32>
    %stack3A_392 = vector.shape_cast %reduce_max3A_206 : vector<128xf32> to vector<1x128xf32>
    %stack3A_393 = vector.shape_cast %reduce_max3A_211 : vector<128xf32> to vector<1x128xf32>
    %stack3A_394 = vector.shape_cast %reduce_max3A_216 : vector<128xf32> to vector<1x128xf32>
    %stack3A_395 = vector.shape_cast %reduce_max3A_221 : vector<128xf32> to vector<1x128xf32>
    %stack3A_396 = vector.shape_cast %reduce_max3A_226 : vector<128xf32> to vector<1x128xf32>
    %stack3A_397 = vector.shape_cast %reduce_max3A_231 : vector<128xf32> to vector<1x128xf32>
    %stack3A_398 = vector.shape_cast %reduce_max3A_236 : vector<128xf32> to vector<1x128xf32>
    %stack3A_399 = vector.shape_cast %reduce_max3A_241 : vector<128xf32> to vector<1x128xf32>
    %stack3A_400 = vector.shape_cast %reduce_max3A_246 : vector<128xf32> to vector<1x128xf32>
    %stack3A_401 = vector.shape_cast %reduce_max3A_251 : vector<128xf32> to vector<1x128xf32>
    %stack3A_402 = vector.shape_cast %reduce_max3A_256 : vector<128xf32> to vector<1x128xf32>
    %stack3A_403 = vector.shape_cast %reduce_max3A_261 : vector<128xf32> to vector<1x128xf32>
    %stack3A_404 = vector.shape_cast %reduce_max3A_266 : vector<128xf32> to vector<1x128xf32>
    %stack3A_405 = vector.shape_cast %reduce_max3A_271 : vector<128xf32> to vector<1x128xf32>
    %stack3A_406 = vector.shape_cast %reduce_max3A_276 : vector<128xf32> to vector<1x128xf32>
    %stack3A_407 = vector.shape_cast %reduce_max3A_281 : vector<128xf32> to vector<1x128xf32>
    %stack3A_408 = vector.shape_cast %reduce_max3A_286 : vector<128xf32> to vector<1x128xf32>
    %stack3A_409 = vector.shape_cast %reduce_max3A_291 : vector<128xf32> to vector<1x128xf32>
    %stack3A_410 = vector.shape_cast %reduce_max3A_296 : vector<128xf32> to vector<1x128xf32>
    %stack3A_411 = vector.shape_cast %reduce_max3A_301 : vector<128xf32> to vector<1x128xf32>
    %stack3A_412 = vector.shape_cast %reduce_max3A_306 : vector<128xf32> to vector<1x128xf32>
    %stack3A_413 = vector.shape_cast %reduce_max3A_311 : vector<128xf32> to vector<1x128xf32>
    %stack3A_414 = vector.shape_cast %reduce_max3A_316 : vector<128xf32> to vector<1x128xf32>
    %stack3A_415 = vector.shape_cast %reduce_max3A_321 : vector<128xf32> to vector<1x128xf32>
    %stack3A_416 = vector.shape_cast %reduce_max3A_326 : vector<128xf32> to vector<1x128xf32>
    %stack3A_417 = vector.shape_cast %reduce_max3A_331 : vector<128xf32> to vector<1x128xf32>
    %stack3A_418 = vector.shape_cast %reduce_max3A_336 : vector<128xf32> to vector<1x128xf32>
    %stack3A_419 = vector.shape_cast %reduce_max3A_341 : vector<128xf32> to vector<1x128xf32>
    %stack3A_420 = vector.shape_cast %reduce_max3A_346 : vector<128xf32> to vector<1x128xf32>
    %stack3A_421 = vector.shape_cast %reduce_max3A_351 : vector<128xf32> to vector<1x128xf32>
    %stack3A_422 = vector.shape_cast %reduce_max3A_356 : vector<128xf32> to vector<1x128xf32>
    %stack3A_423 = tpu.concatenate %stack3A, %stack3A_360, %stack3A_361, %stack3A_362, %stack3A_363, %stack3A_364, %stack3A_365, %stack3A_366, %stack3A_367, %stack3A_368, %stack3A_369, %stack3A_370, %stack3A_371, %stack3A_372, %stack3A_373, %stack3A_374, %stack3A_375, %stack3A_376, %stack3A_377, %stack3A_378, %stack3A_379, %stack3A_380, %stack3A_381, %stack3A_382, %stack3A_383, %stack3A_384, %stack3A_385, %stack3A_386, %stack3A_387, %stack3A_388, %stack3A_389, %stack3A_390, %stack3A_391, %stack3A_392, %stack3A_393, %stack3A_394, %stack3A_395, %stack3A_396, %stack3A_397, %stack3A_398, %stack3A_399, %stack3A_400, %stack3A_401, %stack3A_402, %stack3A_403, %stack3A_404, %stack3A_405, %stack3A_406, %stack3A_407, %stack3A_408, %stack3A_409, %stack3A_410, %stack3A_411, %stack3A_412, %stack3A_413, %stack3A_414, %stack3A_415, %stack3A_416, %stack3A_417, %stack3A_418, %stack3A_419, %stack3A_420, %stack3A_421, %stack3A_422 in 0 : vector<1x128xf32>, vector<1x128xf32>, vector<1x128xf32>, vector<1x128xf32>, vector<1x128xf32>, vector<1x128xf32>, vector<1x128xf32>, vector<1x128xf32>, vector<1x128xf32>, vector<1x128xf32>, vector<1x128xf32>, vector<1x128xf32>, vector<1x128xf32>, vector<1x128xf32>, vector<1x128xf32>, vector<1x128xf32>, vector<1x128xf32>, vector<1x128xf32>, vector<1x128xf32>, vector<1x128xf32>, vector<1x128xf32>, vector<1x128xf32>, vector<1x128xf32>, vector<1x128xf32>, vector<1x128xf32>, vector<1x128xf32>, vector<1x128xf32>, vector<1x128xf32>, vector<1x128xf32>, vector<1x128xf32>, vector<1x128xf32>, vector<1x128xf32>, vector<1x128xf32>, vector<1x128xf32>, vector<1x128xf32>, vector<1x128xf32>, vector<1x128xf32>, vector<1x128xf32>, vector<1x128xf32>, vector<1x128xf32>, vector<1x128xf32>, vector<1x128xf32>, vector<1x128xf32>, vector<1x128xf32>, vector<1x128xf32>, vector<1x128xf32>, vector<1x128xf32>, vector<1x128xf32>, vector<1x128xf32>, vector<1x128xf32>, vector<1x128xf32>, vector<1x128xf32>, vector<1x128xf32>, vector<1x128xf32>, vector<1x128xf32>, vector<1x128xf32>, vector<1x128xf32>, vector<1x128xf32>, vector<1x128xf32>, vector<1x128xf32>, vector<1x128xf32>, vector<1x128xf32>, vector<1x128xf32>, vector<1x128xf32> -> vector<64x128xf32>
    %max3A_424 = arith.maximumf %get3A_359, %stack3A_423 : vector<64x128xf32>
    %swap3A = arith.constant 0 : index
    %swap3A_425 = arith.constant 0 : index
    %swap3A_426 = vector.load %arg9[%swap3A, %swap3A_425] : memref<64x128xf32, #tpu.memory_space<vmem>>, vector<64x128xf32>
    tpu.vector_store %arg9[%swap3A, %swap3A_425], %max3A_424 {strides = array<i32>} : memref<64x128xf32, #tpu.memory_space<vmem>>, vector<64x128xf32>,
    return
  }
  func.func @transform_0(%arg0: i32) -> (i32, i32) {
    %c0_i32 = arith.constant 0 : i32
    %c0_i32_0 = arith.constant 0 : i32
    return %arg0, %c0_i32 : i32, i32
  }
  func.func @transform_1(%arg0: i32) -> (i32, i32) {
    %c0_i32 = arith.constant 0 : i32
    %c0_i32_0 = arith.constant 0 : i32
    return %arg0, %c0_i32 : i32, i32
  }
  func.func @transform_2(%arg0: i32) -> (i32, i32) {
    %c0_i32 = arith.constant 0 : i32
    %c0_i32_0 = arith.constant 0 : i32
    return %arg0, %c0_i32 : i32, i32
  }
  func.func @transform_3(%arg0: i32) -> (i32, i32) {
    %c0_i32 = arith.constant 0 : i32
    %c0_i32_0 = arith.constant 0 : i32
    return %arg0, %c0_i32 : i32, i32
  }
  func.func @transform_4(%arg0: i32) -> (i32, i32) {
    %c0_i32 = arith.constant 0 : i32
    %c0_i32_0 = arith.constant 0 : i32
    %c0_i32_1 = arith.constant 0 : i32
    return %c0_i32, %c0_i32_0 : i32, i32
  }
  func.func @transform_5(%arg0: i32) -> (i32, i32) {
    %c0_i32 = arith.constant 0 : i32
    %c0_i32_0 = arith.constant 0 : i32
    %c0_i32_1 = arith.constant 0 : i32
    return %c0_i32, %c0_i32_0 : i32, i32
  }
  func.func @transform_6(%arg0: i32) -> (i32, i32) {
    %c0_i32 = arith.constant 0 : i32
    %c0_i32_0 = arith.constant 0 : i32
    %c0_i32_1 = arith.constant 0 : i32
    return %c0_i32, %c0_i32_0 : i32, i32
  }
  func.func @transform_7(%arg0: i32) -> (i32, i32) {
    %c0_i32 = arith.constant 0 : i32
    %c0_i32_0 = arith.constant 0 : i32
    return %arg0, %c0_i32 : i32, i32
  }
  func.func @transform_8(%arg0: i32) -> (i32, i32) {
    %c0_i32 = arith.constant 0 : i32
    %c0_i32_0 = arith.constant 0 : i32
    %c0_i32_1 = arith.constant 0 : i32
    return %c0_i32, %c0_i32_0 : i32, i32
  }
}

</mosaic_0001>

<sc_bundles>
// kernel: kernel.10.cloned.1.call-start
scs
__scs_entry_jumppad:
0x0: {  	(pc) =	sbr.rel $0x88, $3  }
0x1: {  	(tag) =	ssettag $0x0;
	lr =	simm.s32 $0x1  }
0x2: {  	[smem:$0x3F98] =	sst lr;
	_ =	strace $0xD0000000  }
0x3: {  	_ = 	snop  }
0x4: {  	_ = 	snop  }
0x5: {  	_ = 	snop  }
0x6: {  	_ = 	snop  }
0x7: {  	_ = 	snop  }
__scs_overlays_trampoline_lowered:
0x8: {  	[smem:$0x3FA7] =	sst s0  }
0x9: {  	[smem:$0x3FA8] =	sst s1  }
0xa: {  	[smem:$0x3FA9] =	sst s2  }
0xb: {  	[smem:$0x3FAA] =	sst s3  }
0xc: {  	[smem:$0x3FAB] =	sst s4  }
0xd: {  	[smem:$0x3FAC] =	sst s5  }
0xe: {  	[smem:$0x3FAD] =	sst s6  }
0xf: {  	[smem:$0x3FAE] =	sst s7  }
0x10: {  	[smem:$0x3FAF] =	sst s8  }
0x11: {  	[smem:$0x3FB0] =	sst s9;
	s0 =	simm.s32 @!p0 $0x0  }
0x12: {  	s1 =	sld [smem:$0x3F96];
	s0 =	simm.s32 @p0 $0x1  }
0x13: {  	[smem:$0x3FB1] =	sst s0;
	s0 =	simm.s32 @!p1 $0x0  }
0x14: {  	s2 =	sld [smem:$0x3F95];
	s0 =	simm.s32 @p1 $0x1  }
0x15: {  	[smem:$0x3FB2] =	sst s0;
	s0 =	simm.s32 @!p2 $0x0  }
0x16: {  	s3 =	sld [smem:$0x3FDB];
	s0 =	simm.s32 @p2 $0x1  }
0x17: {  	s4 =	simm.s32 $0x1BF5;
	[smem:$0x3FB4] =	sst s0  }
0x18: {  	s0 =	sld [smem:$0x3F97];
	_ =	swait.ge [sflag:s4], $0x0  }
0x19: {  	s7 =	sld [smem:$0x3F98]  }
0x1a: {  	s8 =	sadd.s32 $0xFFFFE003, lr  }
0x1b: {  	s9 =	sadd.s32 $0xFFFFFEF7, lr;
	s5 =	simm.s32 $0xFFFFFFFF;
	p2 =	slt.u32 s8, $0xFFFFF086  }
0x1c: {  	p1 =	slt.u32 s9, $0xF7A;
	s5 =	simm.s32 @!p2 $0x0  }
0x1d: {  	s5 =	simm.s32 @p1 $0x1;
	p0 =	seq.s32 s7, s2  }
0x1e: {  	s7 =	smul.u32 @!p0 $0xF7A, s2;
	p2 =	seq.s32 @!p0 s5, $0x0  }
0x1f: {  	s9 =	smul.u32 $0xF7A, s1;
	s8 =	simm.s32 @!p0 $0x1BF5;
	p2 =	por !p2, p0  }
0x20: {  	[sflag:s8] =	ssyncset.s32 @!p0 $0xFFFFF086;
	s6 =	sadd.s32 @!p0 s3, s7;
	s7 =	simm.s32 @!p0 $0x108  }
0x21: {  	s3 =	sadd.s32 s3, s9;
	s6 =	sadd.s32 @!p0 $0x88, s6;
	s7 =	simm.s32 @p2 $0x1082  }
0x22: {  	[simem:s7], [sflag:s8] =	dma.local @!p0 [hbm:s6], $0xF7A  }
0x23: {  	s9 =	sor.u32 $0xD0000000, s2;
	s6 =	simm.s32 $0x108;
	_ =	swait.ge @!p0 [sflag:s8], $0x0  }
0x24: {  	s3 =	sadd.s32 $0x88, s3;
	s6 =	simm.s32 @!p1 $0x1082;
	[sflag:s4] =	ssyncset.s32 $0xFFFFF086  }
0x25: {  	[simem:s6], [sflag:s4] =	dma.local [hbm:s3], $0xF7A  }
0x26: {  	[smem:$0x3F98] =	sst s1;
	(tag) =	ssettag s2;
	_ =	strace s9  }
0x27: {  	s1 =	sld [smem:$0x3FA8]  }
0x28: {  	s2 =	sld [smem:$0x3FA9]  }
0x29: {  	s4 =	sld [smem:$0x3FAB]  }
0x2a: {  	p0 =	seq.s32 s5, $0x0;
	s5 =	sld [smem:$0x3FAC]  }
0x2b: {  	s6 =	sld [smem:$0x3FAD]  }
0x2c: {  	s7 =	sld [smem:$0x3FAE]  }
0x2d: {  	s3 =	simm.s32 $0x108;
	s8 =	sld [smem:$0x3FAF]  }
0x2e: {  	s3 =	simm.s32 @!p0 $0x1082;
	s9 =	sld [smem:$0x3FB0]  }
0x2f: {  	lr =	sadd.s32 s0, s3;
	s0 =	sld [smem:$0x3FA7]  }
0x30: {  	s3 =	sld [smem:$0x3FAA]  }
0x31: {  	[smem:$0x3FB3] =	sst s10  }
0x32: {  	s10 =	sld [smem:$0x3FB1];
	_ =	sdelay $0x3  }
0x33: {  	p0 =	seq.s32 s10, $0x1;
	s10 =	sld [smem:$0x3FB3];
	_ =	sdelay $0x3  }
0x34: {  	[smem:$0x3FB3] =	sst s10  }
0x35: {  	s10 =	sld [smem:$0x3FB2];
	_ =	sdelay $0x3  }
0x36: {  	p1 =	seq.s32 s10, $0x1;
	s10 =	sld [smem:$0x3FB3];
	_ =	sdelay $0x3  }
0x37: {  	[smem:$0x3FB3] =	sst s10  }
0x38: {  	s10 =	sld [smem:$0x3FB4]  }
0x39: {  	_ = 	snop;
	(pc) =	sbr.ind lr, $3  }
0x3a: {  	_ = 	snop  }
0x3b: {  	_ = 	snop  }
0x3c: {  	p2 =	seq.s32 s10, $0x1;
	s10 =	sld [smem:$0x3FB3]  }
0x3d: {  	_ =	shalt  }
0x3e: {  	_ =	shalt  }
0x3f: {  	_ =	shalt  }
0x40: {  	_ =	shalt  }
0x41: {  	_ =	shalt  }
0x42: {  	_ =	shalt  }
0x43: {  	_ =	shalt  }
0x44: {  	_ =	shalt  }
0x45: {  	_ =	shalt  }
0x46: {  	_ =	shalt  }
0x47: {  	_ =	shalt  }
0x48: {  	_ =	shalt  }
0x49: {  	_ =	shalt  }
0x4a: {  	_ =	shalt  }
0x4b: {  	_ =	shalt  }
0x4c: {  	_ =	shalt  }
0x4d: {  	_ =	shalt  }
0x4e: {  	_ =	shalt  }
0x4f: {  	_ =	shalt  }
0x50: {  	_ =	shalt  }
0x51: {  	_ =	shalt  }
0x52: {  	_ =	shalt  }
0x53: {  	_ =	shalt  }
0x54: {  	_ =	shalt  }
0x55: {  	_ =	shalt  }
0x56: {  	_ =	shalt  }
0x57: {  	_ =	shalt  }
0x58: {  	_ =	shalt  }
0x59: {  	_ =	shalt  }
0x5a: {  	_ =	shalt  }
0x5b: {  	_ =	shalt  }
0x5c: {  	_ =	shalt  }
0x5d: {  	_ =	shalt  }
0x5e: {  	_ =	shalt  }
0x5f: {  	_ =	shalt  }
0x60: {  	_ =	shalt  }
0x61: {  	_ =	shalt  }
0x62: {  	_ =	shalt  }
0x63: {  	_ =	shalt  }
0x64: {  	_ =	shalt  }
0x65: {  	_ =	shalt  }
0x66: {  	_ =	shalt  }
0x67: {  	_ =	shalt  }
0x68: {  	_ =	shalt  }
0x69: {  	_ =	shalt  }
0x6a: {  	_ =	shalt  }
0x6b: {  	_ =	shalt  }
0x6c: {  	_ =	shalt  }
0x6d: {  	_ =	shalt  }
0x6e: {  	_ =	shalt  }
0x6f: {  	_ =	shalt  }
0x70: {  	_ =	shalt  }
0x71: {  	_ =	shalt  }
0x72: {  	_ =	shalt  }
0x73: {  	_ =	shalt  }
0x74: {  	_ =	shalt  }
0x75: {  	_ =	shalt  }
0x76: {  	_ =	shalt  }
0x77: {  	_ =	shalt  }
0x78: {  	_ =	shalt  }
0x79: {  	_ =	shalt  }
0x7a: {  	_ =	shalt  }
0x7b: {  	_ =	shalt  }
0x7c: {  	_ =	shalt  }
0x7d: {  	_ =	shalt  }
0x7e: {  	_ =	shalt  }
0x7f: {  	_ =	shalt  }
0x80: {  	_ =	shalt  }
0x81: {  	_ =	shalt  }
0x82: {  	_ =	shalt  }
0x83: {  	_ =	shalt  }
0x84: {  	_ =	shalt  }
0x85: {  	_ =	shalt  }
0x86: {  	_ =	shalt  }
0x87: {  	_ =	shalt  }
.Lfunc_end0:
.L_simem_size_0:
called_computation_lowered:
.L_overlay_start_0:
0x88: {  	s2 =	sld [smem:$0x3FD9]  }
0x89: {  	s3 =	sld [smem:$0x3FFE];
	_ =	sdelay $0x1  }
0x8a: {  	s1 =	srdreg.scid  }
0x8b: {  	s0 =	sand.u32 $0x1, s1  }
0x8c: {  	s17 =	sshll.u32 s0, $0xA;
	s2 =	sadd.s32 s3, s2  }
0x8d: {  	s2 =	sadd.s32 s2, s17  }
0x8e: {  	[smem:$0x3FBF] =	sst s2  }
0x8f: {  	_ = 	snop  }
0x90: {  	s2 =	sld [smem:$0x3FC5];
	(tm) =	ssettm $0x1  }
0x91: {  	s18 =	sld [smem:$0x3FFB];
	_ =	sdelay $0x3  }
0x92: {  	_ =	strace s18  }
0x93: {  	s3 =	sld [smem:$0x3FFC];
	_ =	sdelay $0x3  }
0x94: {  	_ =	strace s3  }
0x95: {  	s3 =	sld [smem:$0x3FFD];
	_ =	sdelay $0x3  }
0x96: {  	_ =	strace s3  }
0x97: {  	_ =	strace $0x8FFFFFFF  }
0x98: {  	s19 =	sld [smem:$0x3FDB];
	_ =	sdelay $0x1  }
0x99: {  	s4 =	simm.s32 $_scs_section_size  }
0x9a: {  	s5 =	simm.s32 $_size__tile_overlayer_lowered;
	s6 =	simm.s32 $_tile_overlayer_lowered  }
0x9b: {  	s22 =	simm.s32 $0x1BFF;
	s21 =	sshll.u32 s6, $0x1;
	s3 =	sadd.s32 s4, s19  }
0x9c: {  	s7 =	simm.s32 $0x0;
	s20 =	sshll.u32 s5, $0x1;
	s5 =	sadd.s32 s21, s3  }
0x9d: {  	[timem:s7], [sflag:s22] =	dma.local [hbm:s5], s20  }
0x9e: {  	_ =	swait.ge [sflag:s22], s20  }
0x9f: {  	s4 =	ssub.s32 $0x0, s20;
	[sflag:s22] =	ssyncset.done $0x0  }
0xa0: {  	[sflag:s22] =	ssyncadd.s32 s4;
	_ =	sdelay $0x1  }
0xa1: {  	s23 =	simm.s32 $0x1B8B  }
0xa2: {  	_ =	swait.ge [sflag:s23], $0x1  }
0xa3: {  	[sflag:s23] =	ssyncset.done $0x0  }
0xa4: {  	s25 =	simm.s32 $0x1B8E;
	s24 =	sld [smem:$0x3FFE];
	[sflag:s23] =	ssyncadd.s32 $0xFFFFFFFF  }
0xa5: {  	s26 =	simm.s32 $execute0_lowered;
	[smem:$0x3FD2] =	sst s25  }
0xa6: {  	s5 =	sshll.u32 s26, $0x1;
	_ =	strace $0x80000046;
	[dreg:$0x1] =	wrdreg $0xFFFFFFFF  }
0xa7: {  	s28 =	simm.s32 $_size_execute0_lowered;
	s3 =	sadd.s32 s3, s5;
	[dreg:$0x0] =	wrdreg $0x0  }
0xa8: {  	s5 =	sshll.u32 s28, $0x1;
	[dreg:$0x2] =	wrdreg s3  }
0xa9: {  	[dreg:$0x3] =	wrdreg s5  }
0xaa: {  	[dreg:$0x4] =	wrdreg $0xC0  }
0xab: {  	_ =	task [dreg:s7], $0x5FFFF  }
0xac: {  	[dreg:$0x1] =	wrdreg $0xFFFFFFFF  }
0xad: {  	[dreg:$0x0] =	wrdreg $0x60  }
0xae: {  	[dreg:$0x2] =	wrdreg s2  }
0xaf: {  	[dreg:$0x3] =	wrdreg s24  }
0xb0: {  	[dreg:$0x4] =	wrdreg $0xA  }
0xb1: {  	_ =	task.clear_ibuf [dreg:s7], $0x5FFFF;
	_ =	strace $0x90000046  }
0xb2: {  	s29 =	simm.s32 $0xA;
	_ =	strace $0x80000048  }
0xb3: {  	_ =	swait.ge [sflag:s29], $0x1  }
0xb4: {  	[sflag:s29] =	ssyncadd.s32 $0xFFFFFFFF  }
0xb5: {  	_ =	strace $0x90000048  }
0xb6: {  	_ =	sfence  }
0xb7: {  	s30 =	sld [smem:$0x0];
	_ =	sdelay $0x2  }
0xb8: {  	s31 =	sshll.u32 s1, $0xD;
	s1 =	sshrl.u32 s1, $0x2  }
0xb9: {  	s3 =	sand.u32 $0x4000, s31;
	s1 =	sadd.s32 s1, s30  }
0xba: {  	s0 =	sor.u32 s3, s0;
	s1 =	sshll.u32 s1, $0x11  }
0xbb: {  	s0 =	sor.u32 s1, s0  }
0xbc: {  	s0 =	sadd.s32 $0x8F2B, s0  }
0xbd: {  	[sflag:s0] =	ssyncadd.remote.s32 $0x1  }
0xbe: {  	_ =	sfence.sel $0xFFFF  }
0xbf: {  	[dreg:$0x0] =	wrdreg $0xFFFFFFFF;
	(pc) =	sbr.abs _section_cstart, $3  }
0xc0: {  	[dreg:$0x1] =	wrdreg $0xFFFFFFFF  }
0xc1: {  	_ =	task.clear_ibuf [dreg:s7], $0x2FFFF;
	_ =	strace $0x9FFFFFFF  }
0xc2: {  	(tm) =	ssettm $0x7FFFFFFF  }
0xc3: {  	_ =	shalt  }
tec
execute0_lowered:
.L_overlay_start_1:
0x0: {  	(tag) =	ssettag $0x1  }
0x1: {  	s0 =	srdreg.scid  }
0x2: {  	s12 =	sand.u32 $0x1, s0  }
0x3: {  	s0 =	stileid.u32;
	s1 =	sshll.u32 s12, $0x4  }
0x4: {  	s2 =	rddreg [dreg:$0x0];
	s8 =	sor.u32 s0, s1  }
0x5: {  	s9 =	rddreg [dreg:$0x1];
	s3 =	simm.s32 $0x0;
	s11 =	smul.u32 $0x180, s8  }
0x6: {  	[smem:$0x7FF] =	sst s3  }
0x7: {  	s13 =	sadd.s32 $0x4A00, s9;
	s1 =	rddreg [dreg:$0x2];
	s4 =	sshrl.u32 s11, $0x3  }
0x8: {  	_ =	strace $0x80000047;
	s5 =	sadd.s32 s13, s4;
	s4 =	simm.s32 $0x2  }
0x9: {  	[tilespmem:s3], [sflag:$0x2] =	stream.linear.gather [hbm4b:s5+s3], $0x80, $0x38;
	[tilespmem:$0x4080] =	vst v63  }
0xa: {  	_ =	swait.ge [sflag:s4], $0x80  }
0xb: {  	[sflag:s4] =	ssyncset.done $0x0  }
0xc: {  	s6 =	simm.s32 $0x80;
	s7 =	simm.s32 $0x1;
	[sflag:s4] =	ssyncadd.s32 $0xFFFFFF80  }
0xd: {  	[tilespmem:s6], [sflag:$0x1] =	stream.indirect.gather [hbm4b:s2+s6], $0x80, s3, s6, $0xb8;
	[tilespmem:$0x4080] =	vst v63  }
0xe: {  	s8 =	smul.u32 $0x1800, s8;
	_ =	swait.ge [sflag:s7], $0x4000  }
0xf: {  	s14 =	sadd.s32 $0x5000, s9;
	[sflag:s7] =	ssyncset.done $0x0  }
0x10: {  	s8 =	sadd.s32 s14, s8;
	[sflag:s7] =	ssyncadd.s32 $0xFFFFC000  }
0x11: {  	[hbm4b:s8+s3] =	stream.linear.scatter [tilespmem:s6], [sflag:$0x2], $0x4000, $0x38;
	[tilespmem:$0x4080] =	vst v63  }
0x12: {  	s10 =	sadd.s32 $0x80, s11;
	_ =	swait.ge [sflag:s4], $0x4000  }
0x13: {  	s29 =	sshrl.u32 s10, $0x3;
	[sflag:s4] =	ssyncset.done $0x0  }
0x14: {  	s9 =	sadd.s32 s13, s29;
	[sflag:s4] =	ssyncadd.s32 $0xFFFFC000  }
0x15: {  	[tilespmem:s3], [sflag:$0x2] =	stream.linear.gather [hbm4b:s9+s3], $0x80, $0x38;
	[tilespmem:$0x4080] =	vst v63  }
0x16: {  	_ =	swait.ge [sflag:s4], $0x80  }
0x17: {  	[sflag:s4] =	ssyncset.done $0x0  }
0x18: {  	[sflag:s4] =	ssyncadd.s32 $0xFFFFFF80  }
0x19: {  	[tilespmem:s6], [sflag:$0x1] =	stream.indirect.gather [hbm4b:s2+s6], $0x80, s3, s6, $0xb8;
	[tilespmem:$0x4080] =	vst v63  }
0x1a: {  	_ =	swait.ge [sflag:s7], $0x4000  }
0x1b: {  	s10 =	sshll.u32 s10, $0x4;
	[sflag:s7] =	ssyncset.done $0x0  }
0x1c: {  	s10 =	sadd.s32 s14, s10;
	[sflag:s7] =	ssyncadd.s32 $0xFFFFC000  }
0x1d: {  	[hbm4b:s10+s3] =	stream.linear.scatter [tilespmem:s6], [sflag:$0x2], $0x4000, $0x38;
	[tilespmem:$0x4080] =	vst v63  }
0x1e: {  	s15 =	sadd.s32 $0x100, s11;
	_ =	swait.ge [sflag:s4], $0x4000  }
0x1f: {  	s11 =	sshrl.u32 s15, $0x3;
	[sflag:s4] =	ssyncset.done $0x0  }
0x20: {  	s12 =	ssub.s32 $0x2, s12;
	s11 =	sadd.s32 s13, s11;
	[sflag:s4] =	ssyncadd.s32 $0xFFFFC000  }
0x21: {  	[tilespmem:s3], [sflag:$0x2] =	stream.linear.gather [hbm4b:s11+s3], $0x80, $0x38;
	[tilespmem:$0x4080] =	vst v63  }
0x22: {  	s30 =	sshrl.u32 s12, $0x1;
	_ =	swait.ge [sflag:s4], $0x80  }
0x23: {  	s13 =	ssub.s32 s12, s30;
	[sflag:s4] =	ssyncset.done $0x0  }
0x24: {  	s13 =	smax.u32 s13, $0x1;
	[sflag:s4] =	ssyncadd.s32 $0xFFFFFF80  }
0x25: {  	[tilespmem:s6], [sflag:$0x1] =	stream.indirect.gather [hbm4b:s2+s6], $0x80, s3, s6, $0xb8;
	[tilespmem:$0x4080] =	vst v63  }
0x26: {  	p0 =	sne.s32 s13, $0x1;
	_ =	swait.ge [sflag:s7], $0x4000  }
.Ltmp0:
0x27: {  	s31 =	sshll.u32 s15, $0x4;
	[sflag:s7] =	ssyncset.done $0x0;
	(pc) =	sbr.rel @!p0 .LBB2_2-.Ltmp0, $4  }
0x28: {  	s12 =	sadd.s32 s14, s31;
	[sflag:s7] =	ssyncadd.s32 $0xFFFFC000  }
0x29: {  	[hbm4b:s12+s3] =	stream.linear.scatter [tilespmem:s6], [sflag:$0x2], $0x4000, $0x38;
	[tilespmem:$0x4080] =	vst v63  }
0x2a: {  	_ =	swait.ge [sflag:s4], $0x4000  }
0x2b: {  	s13 =	sadd.s32 $0xFFFFFFFF, s13;
	[sflag:s4] =	ssyncset.done $0x0  }
.LBB2_1:
0x2c: {  	p0 =	sne.s32 s13, $0x1;
	s13 =	sadd.s32 $0xFFFFFFFF, s13;
	[sflag:s4] =	ssyncadd.s32 $0xFFFFC000  }
0x2d: {  	[tilespmem:s3], [sflag:$0x2] =	stream.linear.gather [hbm4b:s5+s3], $0x80, $0x38;
	[tilespmem:$0x4080] =	vst v63  }
0x2e: {  	_ =	swait.ge [sflag:s4], $0x80  }
0x2f: {  	[sflag:s4] =	ssyncset.done $0x0  }
0x30: {  	[sflag:s4] =	ssyncadd.s32 $0xFFFFFF80  }
0x31: {  	[tilespmem:s6], [sflag:$0x1] =	stream.indirect.gather [hbm4b:s2+s6], $0x80, s3, s6, $0xb8;
	[tilespmem:$0x4080] =	vst v63  }
0x32: {  	_ =	swait.ge [sflag:s7], $0x4000  }
0x33: {  	[sflag:s7] =	ssyncset.done $0x0  }
0x34: {  	[sflag:s7] =	ssyncadd.s32 $0xFFFFC000  }
0x35: {  	[hbm4b:s8+s3] =	stream.linear.scatter [tilespmem:s6], [sflag:$0x2], $0x4000, $0x38;
	[tilespmem:$0x4080] =	vst v63  }
0x36: {  	_ =	swait.ge [sflag:s4], $0x4000  }
0x37: {  	[sflag:s4] =	ssyncset.done $0x0  }
0x38: {  	[sflag:s4] =	ssyncadd.s32 $0xFFFFC000  }
0x39: {  	[tilespmem:s3], [sflag:$0x2] =	stream.linear.gather [hbm4b:s9+s3], $0x80, $0x38;
	[tilespmem:$0x4080] =	vst v63  }
0x3a: {  	_ =	swait.ge [sflag:s4], $0x80  }
0x3b: {  	[sflag:s4] =	ssyncset.done $0x0  }
0x3c: {  	[sflag:s4] =	ssyncadd.s32 $0xFFFFFF80  }
0x3d: {  	[tilespmem:s6], [sflag:$0x1] =	stream.indirect.gather [hbm4b:s2+s6], $0x80, s3, s6, $0xb8;
	[tilespmem:$0x4080] =	vst v63  }
0x3e: {  	_ =	swait.ge [sflag:s7], $0x4000  }
0x3f: {  	[sflag:s7] =	ssyncset.done $0x0  }
0x40: {  	[sflag:s7] =	ssyncadd.s32 $0xFFFFC000  }
0x41: {  	[hbm4b:s10+s3] =	stream.linear.scatter [tilespmem:s6], [sflag:$0x2], $0x4000, $0x38;
	[tilespmem:$0x4080] =	vst v63  }
0x42: {  	_ =	swait.ge [sflag:s4], $0x4000  }
0x43: {  	[sflag:s4] =	ssyncset.done $0x0  }
0x44: {  	[sflag:s4] =	ssyncadd.s32 $0xFFFFC000  }
0x45: {  	[tilespmem:s3], [sflag:$0x2] =	stream.linear.gather [hbm4b:s11+s3], $0x80, $0x38;
	[tilespmem:$0x4080] =	vst v63  }
0x46: {  	_ =	swait.ge [sflag:s4], $0x80  }
0x47: {  	[sflag:s4] =	ssyncset.done $0x0  }
0x48: {  	[sflag:s4] =	ssyncadd.s32 $0xFFFFFF80  }
0x49: {  	[tilespmem:s6], [sflag:$0x1] =	stream.indirect.gather [hbm4b:s2+s6], $0x80, s3, s6, $0xb8;
	[tilespmem:$0x4080] =	vst v63  }
0x4a: {  	_ =	swait.ge [sflag:s7], $0x4000  }
.Ltmp1:
0x4b: {  	[sflag:s7] =	ssyncset.done $0x0;
	(pc) =	sbr.rel @p0 .LBB2_1-.Ltmp1, $4  }
0x4c: {  	[sflag:s7] =	ssyncadd.s32 $0xFFFFC000  }
0x4d: {  	[hbm4b:s12+s3] =	stream.linear.scatter [tilespmem:s6], [sflag:$0x2], $0x4000, $0x38;
	[tilespmem:$0x4080] =	vst v63  }
0x4e: {  	_ =	swait.ge [sflag:s4], $0x4000  }
0x4f: {  	[sflag:s4] =	ssyncset.done $0x0  }
.LBB2_2:
0x50: {  	[sflag:s4] =	ssyncadd.s32 $0xFFFFC000  }
0x51: {  	_ =	sfence.sel $0x180000  }
0x52: {  	[bflag:$0x0] =	sbarrier.arrive $0xFFFF  }
0x53: {  	p0 =	sne.s32 s0, $0x0;
	_ =	strace $0x90000047  }
0x54: {  	s0 =	sadd.s32 @!p0 $0x100000, s1;
	[bflag:$0x2] =	sbarrier.arrive $0xFFFF  }
0x55: {  	[sflag:s0] =	ssyncadd.tile.s32 @!p0 $0x1;
	_ =	shalt  }
.Lfunc_end2:
_tile_overlayer_lowered:
.L_overlay_start_2:
0x56: {  	(tag) =	ssettag $0x2  }
0x57: {  	s0 =	rddreg [dreg:$0x0];
	s2 =	stileid.u32  }
0x58: {  	s1 =	rddreg [dreg:$0x1];
	p0 =	sne.s32 s2, $0x0  }
0x59: {  	s3 =	rddreg [dreg:$0x2];
	[bflag:$0x3] =	sbarrier.arrive $0xFFFF;
	s2 =	simm.s32 @!p0 $0x1C02  }
0x5a: {  	[timem:s3], [sflag:s2] =	dma.local @!p0 [hbm:s0], s1  }
0x5b: {  	s0 =	simm.s32 @!p0 $0x2  }
0x5c: {  	_ =	swait.ge @!p0 [sflag:s0], s1  }
0x5d: {  	s1 =	ssub.s32 @!p0 $0x0, s1;
	[sflag:s0] =	ssyncset.done @!p0 $0x0  }
0x5e: {  	[sflag:s0] =	ssyncadd.s32 @!p0 s1  }
0x5f: {  	[bflag:$0x3] =	sbarrier.arrive $0xFFFF  }
0x60: {  	_ =	shalt  }

// kernel: kernel.13.cloned.1.call-start
scs
__scs_entry_jumppad:
0x0: {  	(pc) =	sbr.rel $0x88, $3  }
0x1: {  	(tag) =	ssettag $0x0;
	lr =	simm.s32 $0x1  }
0x2: {  	[smem:$0x3F98] =	sst lr;
	_ =	strace $0xD0000000  }
0x3: {  	_ = 	snop  }
0x4: {  	_ = 	snop  }
0x5: {  	_ = 	snop  }
0x6: {  	_ = 	snop  }
0x7: {  	_ = 	snop  }
__scs_overlays_trampoline_lowered:
0x8: {  	[smem:$0x3FA7] =	sst s0  }
0x9: {  	[smem:$0x3FA8] =	sst s1  }
0xa: {  	[smem:$0x3FA9] =	sst s2  }
0xb: {  	[smem:$0x3FAA] =	sst s3  }
0xc: {  	[smem:$0x3FAB] =	sst s4  }
0xd: {  	[smem:$0x3FAC] =	sst s5  }
0xe: {  	[smem:$0x3FAD] =	sst s6  }
0xf: {  	[smem:$0x3FAE] =	sst s7  }
0x10: {  	[smem:$0x3FAF] =	sst s8  }
0x11: {  	[smem:$0x3FB0] =	sst s9;
	s0 =	simm.s32 @!p0 $0x0  }
0x12: {  	s1 =	sld [smem:$0x3F96];
	s0 =	simm.s32 @p0 $0x1  }
0x13: {  	[smem:$0x3FB1] =	sst s0;
	s0 =	simm.s32 @!p1 $0x0  }
0x14: {  	s2 =	sld [smem:$0x3F95];
	s0 =	simm.s32 @p1 $0x1  }
0x15: {  	[smem:$0x3FB2] =	sst s0;
	s0 =	simm.s32 @!p2 $0x0  }
0x16: {  	s3 =	sld [smem:$0x3FDB];
	s0 =	simm.s32 @p2 $0x1  }
0x17: {  	s4 =	simm.s32 $0x1BF5;
	[smem:$0x3FB4] =	sst s0  }
0x18: {  	s0 =	sld [smem:$0x3F97];
	_ =	swait.ge [sflag:s4], $0x0  }
0x19: {  	s7 =	sld [smem:$0x3F98]  }
0x1a: {  	s8 =	sadd.s32 $0xFFFFE003, lr  }
0x1b: {  	s9 =	sadd.s32 $0xFFFFFEF7, lr;
	s5 =	simm.s32 $0xFFFFFFFF;
	p2 =	slt.u32 s8, $0xFFFFF086  }
0x1c: {  	p1 =	slt.u32 s9, $0xF7A;
	s5 =	simm.s32 @!p2 $0x0  }
0x1d: {  	s5 =	simm.s32 @p1 $0x1;
	p0 =	seq.s32 s7, s2  }
0x1e: {  	s7 =	smul.u32 @!p0 $0xF7A, s2;
	p2 =	seq.s32 @!p0 s5, $0x0  }
0x1f: {  	s9 =	smul.u32 $0xF7A, s1;
	s8 =	simm.s32 @!p0 $0x1BF5;
	p2 =	por !p2, p0  }
0x20: {  	[sflag:s8] =	ssyncset.s32 @!p0 $0xFFFFF086;
	s6 =	sadd.s32 @!p0 s3, s7;
	s7 =	simm.s32 @!p0 $0x108  }
0x21: {  	s3 =	sadd.s32 s3, s9;
	s6 =	sadd.s32 @!p0 $0x88, s6;
	s7 =	simm.s32 @p2 $0x1082  }
0x22: {  	[simem:s7], [sflag:s8] =	dma.local @!p0 [hbm:s6], $0xF7A  }
0x23: {  	s9 =	sor.u32 $0xD0000000, s2;
	s6 =	simm.s32 $0x108;
	_ =	swait.ge @!p0 [sflag:s8], $0x0  }
0x24: {  	s3 =	sadd.s32 $0x88, s3;
	s6 =	simm.s32 @!p1 $0x1082;
	[sflag:s4] =	ssyncset.s32 $0xFFFFF086  }
0x25: {  	[simem:s6], [sflag:s4] =	dma.local [hbm:s3], $0xF7A  }
0x26: {  	[smem:$0x3F98] =	sst s1;
	(tag) =	ssettag s2;
	_ =	strace s9  }
0x27: {  	s1 =	sld [smem:$0x3FA8]  }
0x28: {  	s2 =	sld [smem:$0x3FA9]  }
0x29: {  	s4 =	sld [smem:$0x3FAB]  }
0x2a: {  	p0 =	seq.s32 s5, $0x0;
	s5 =	sld [smem:$0x3FAC]  }
0x2b: {  	s6 =	sld [smem:$0x3FAD]  }
0x2c: {  	s7 =	sld [smem:$0x3FAE]  }
0x2d: {  	s3 =	simm.s32 $0x108;
	s8 =	sld [smem:$0x3FAF]  }
0x2e: {  	s3 =	simm.s32 @!p0 $0x1082;
	s9 =	sld [smem:$0x3FB0]  }
0x2f: {  	lr =	sadd.s32 s0, s3;
	s0 =	sld [smem:$0x3FA7]  }
0x30: {  	s3 =	sld [smem:$0x3FAA]  }
0x31: {  	[smem:$0x3FB3] =	sst s10  }
0x32: {  	s10 =	sld [smem:$0x3FB1];
	_ =	sdelay $0x3  }
0x33: {  	p0 =	seq.s32 s10, $0x1;
	s10 =	sld [smem:$0x3FB3];
	_ =	sdelay $0x3  }
0x34: {  	[smem:$0x3FB3] =	sst s10  }
0x35: {  	s10 =	sld [smem:$0x3FB2];
	_ =	sdelay $0x3  }
0x36: {  	p1 =	seq.s32 s10, $0x1;
	s10 =	sld [smem:$0x3FB3];
	_ =	sdelay $0x3  }
0x37: {  	[smem:$0x3FB3] =	sst s10  }
0x38: {  	s10 =	sld [smem:$0x3FB4]  }
0x39: {  	_ = 	snop;
	(pc) =	sbr.ind lr, $3  }
0x3a: {  	_ = 	snop  }
0x3b: {  	_ = 	snop  }
0x3c: {  	p2 =	seq.s32 s10, $0x1;
	s10 =	sld [smem:$0x3FB3]  }
0x3d: {  	_ =	shalt  }
0x3e: {  	_ =	shalt  }
0x3f: {  	_ =	shalt  }
0x40: {  	_ =	shalt  }
0x41: {  	_ =	shalt  }
0x42: {  	_ =	shalt  }
0x43: {  	_ =	shalt  }
0x44: {  	_ =	shalt  }
0x45: {  	_ =	shalt  }
0x46: {  	_ =	shalt  }
0x47: {  	_ =	shalt  }
0x48: {  	_ =	shalt  }
0x49: {  	_ =	shalt  }
0x4a: {  	_ =	shalt  }
0x4b: {  	_ =	shalt  }
0x4c: {  	_ =	shalt  }
0x4d: {  	_ =	shalt  }
0x4e: {  	_ =	shalt  }
0x4f: {  	_ =	shalt  }
0x50: {  	_ =	shalt  }
0x51: {  	_ =	shalt  }
0x52: {  	_ =	shalt  }
0x53: {  	_ =	shalt  }
0x54: {  	_ =	shalt  }
0x55: {  	_ =	shalt  }
0x56: {  	_ =	shalt  }
0x57: {  	_ =	shalt  }
0x58: {  	_ =	shalt  }
0x59: {  	_ =	shalt  }
0x5a: {  	_ =	shalt  }
0x5b: {  	_ =	shalt  }
0x5c: {  	_ =	shalt  }
0x5d: {  	_ =	shalt  }
0x5e: {  	_ =	shalt  }
0x5f: {  	_ =	shalt  }
0x60: {  	_ =	shalt  }
0x61: {  	_ =	shalt  }
0x62: {  	_ =	shalt  }
0x63: {  	_ =	shalt  }
0x64: {  	_ =	shalt  }
0x65: {  	_ =	shalt  }
0x66: {  	_ =	shalt  }
0x67: {  	_ =	shalt  }
0x68: {  	_ =	shalt  }
0x69: {  	_ =	shalt  }
0x6a: {  	_ =	shalt  }
0x6b: {  	_ =	shalt  }
0x6c: {  	_ =	shalt  }
0x6d: {  	_ =	shalt  }
0x6e: {  	_ =	shalt  }
0x6f: {  	_ =	shalt  }
0x70: {  	_ =	shalt  }
0x71: {  	_ =	shalt  }
0x72: {  	_ =	shalt  }
0x73: {  	_ =	shalt  }
0x74: {  	_ =	shalt  }
0x75: {  	_ =	shalt  }
0x76: {  	_ =	shalt  }
0x77: {  	_ =	shalt  }
0x78: {  	_ =	shalt  }
0x79: {  	_ =	shalt  }
0x7a: {  	_ =	shalt  }
0x7b: {  	_ =	shalt  }
0x7c: {  	_ =	shalt  }
0x7d: {  	_ =	shalt  }
0x7e: {  	_ =	shalt  }
0x7f: {  	_ =	shalt  }
0x80: {  	_ =	shalt  }
0x81: {  	_ =	shalt  }
0x82: {  	_ =	shalt  }
0x83: {  	_ =	shalt  }
0x84: {  	_ =	shalt  }
0x85: {  	_ =	shalt  }
0x86: {  	_ =	shalt  }
0x87: {  	_ =	shalt  }
.Lfunc_end0:
.L_simem_size_0:
called_computation.1_lowered:
.L_overlay_start_0:
0x88: {  	s2 =	sld [smem:$0x3FD9]  }
0x89: {  	s3 =	sld [smem:$0x3FFE];
	_ =	sdelay $0x1  }
0x8a: {  	s1 =	srdreg.scid  }
0x8b: {  	s0 =	sand.u32 $0x1, s1  }
0x8c: {  	s17 =	sshll.u32 s0, $0xA;
	s2 =	sadd.s32 s3, s2  }
0x8d: {  	s2 =	sadd.s32 s2, s17  }
0x8e: {  	[smem:$0x3FBF] =	sst s2  }
0x8f: {  	_ = 	snop  }
0x90: {  	(tm) =	ssettm $0x1  }
0x91: {  	s18 =	sld [smem:$0x3FFB];
	_ =	sdelay $0x3  }
0x92: {  	_ =	strace s18  }
0x93: {  	s2 =	sld [smem:$0x3FFC];
	_ =	sdelay $0x3  }
0x94: {  	_ =	strace s2  }
0x95: {  	s2 =	sld [smem:$0x3FFD];
	_ =	sdelay $0x3  }
0x96: {  	_ =	strace s2  }
0x97: {  	_ =	strace $0x8FFFFFFF  }
0x98: {  	s19 =	sld [smem:$0x3FDB];
	_ =	sdelay $0x1  }
0x99: {  	s20 =	simm.s32 $_scs_section_size  }
0x9a: {  	s4 =	simm.s32 $_size__tile_overlayer_lowered;
	s5 =	simm.s32 $_tile_overlayer_lowered  }
0x9b: {  	s6 =	simm.s32 $0x1BFF;
	s21 =	sshll.u32 s5, $0x1;
	s3 =	sadd.s32 s20, s19  }
0x9c: {  	s22 =	simm.s32 $0x0;
	s4 =	sshll.u32 s4, $0x1;
	s5 =	sadd.s32 s21, s3  }
0x9d: {  	[timem:s22], [sflag:s6] =	dma.local [hbm:s5], s4  }
0x9e: {  	_ =	swait.ge [sflag:s6], s4  }
0x9f: {  	s4 =	ssub.s32 $0x0, s4;
	[sflag:s6] =	ssyncset.done $0x0  }
0xa0: {  	[sflag:s6] =	ssyncadd.s32 s4;
	_ =	sdelay $0x1  }
0xa1: {  	s23 =	simm.s32 $0x1B8B  }
0xa2: {  	_ =	swait.ge [sflag:s23], $0x1  }
0xa3: {  	[sflag:s23] =	ssyncset.done $0x0  }
0xa4: {  	[sflag:s23] =	ssyncadd.s32 $0xFFFFFFFF  }
0xa5: {  	s4 =	sld [smem:$0x0]  }
0xa6: {  	s5 =	sand.u32 $0xFFFFFFFE, s1  }
0xa7: {  	p0 =	sne.s32 s1, s5  }
0xa8: {  	s5 =	sshll.u32 @p0 s5, $0xE  }
0xa9: {  	s5 =	sadd.s32 @p0 $0x11B8D, s5;
	s6 =	sshll.u32 @p0 s4, $0x11  }
0xaa: {  	s5 =	sor.u32 @p0 s6, s5  }
0xab: {  	[sflag:s5] =	ssyncadd.remote.s32 @p0 $0x1;
	_ =	sdelay $0x1  }
0xac: {  	s5 =	simm.s32 @p0 $0x1B8D  }
0xad: {  	_ =	swait.eq @p0 [sflag:s5], $0x1  }
0xae: {  	[sflag:s5] =	ssyncadd.s32 @p0 $0xFFFFFFFF  }
0xaf: {  	s6 =	sshll.u32 @!p0 s1, $0xE  }
0xb0: {  	s6 =	sor.u32 @!p0 $0x4000, s6;
	s5 =	simm.s32 @!p0 $0x1B8D  }
0xb1: {  	s4 =	sshll.u32 @!p0 s4, $0x11;
	s6 =	sadd.s32 @!p0 $0x11B8D, s6;
	_ =	swait.eq @!p0 [sflag:s5], $0x1  }
0xb2: {  	s4 =	sor.u32 @!p0 s4, s6;
	[sflag:s5] =	ssyncadd.s32 @!p0 $0xFFFFFFFF  }
0xb3: {  	s25 =	simm.s32 $0x1B8E;
	s24 =	sld [smem:$0x3FFE];
	[sflag:s4] =	ssyncadd.remote.s32 @!p0 $0x1  }
0xb4: {  	s26 =	simm.s32 $execute0_lowered;
	[smem:$0x3FD2] =	sst s25  }
0xb5: {  	s5 =	sshll.u32 s26, $0x1;
	_ =	strace $0x80000049;
	[dreg:$0x1] =	wrdreg $0xFFFFFFFF  }
0xb6: {  	s28 =	simm.s32 $_size_execute0_lowered;
	s3 =	sadd.s32 s3, s5;
	[dreg:$0x0] =	wrdreg $0x0  }
0xb7: {  	s5 =	sshll.u32 s28, $0x1;
	[dreg:$0x2] =	wrdreg s3  }
0xb8: {  	[dreg:$0x3] =	wrdreg s5  }
0xb9: {  	[dreg:$0x4] =	wrdreg $0xC0  }
0xba: {  	_ =	task [dreg:s22], $0x5FFFF  }
0xbb: {  	[dreg:$0x1] =	wrdreg $0xFFFFFFFF  }
0xbc: {  	[dreg:$0x0] =	wrdreg $0x60  }
0xbd: {  	[dreg:$0x2] =	wrdreg s24  }
0xbe: {  	[dreg:$0x3] =	wrdreg $0x82000  }
0xbf: {  	[dreg:$0x4] =	wrdreg $0x9  }
0xc0: {  	_ =	task.clear_ibuf [dreg:s22], $0x5FFFF;
	_ =	strace $0x90000049  }
0xc1: {  	s29 =	simm.s32 $0x9;
	_ =	strace $0x8000004B  }
0xc2: {  	_ =	swait.ge [sflag:s29], $0x1  }
0xc3: {  	[sflag:s29] =	ssyncadd.s32 $0xFFFFFFFF  }
0xc4: {  	_ =	strace $0x9000004B  }
0xc5: {  	_ =	sfence  }
0xc6: {  	s30 =	sld [smem:$0x0];
	_ =	sdelay $0x2  }
0xc7: {  	s31 =	sshll.u32 s1, $0xD;
	s1 =	sshrl.u32 s1, $0x2  }
0xc8: {  	s4 =	sand.u32 $0x4000, s31;
	s1 =	sadd.s32 s1, s30  }
0xc9: {  	s0 =	sor.u32 s4, s0;
	s1 =	sshll.u32 s1, $0x11  }
0xca: {  	s0 =	sor.u32 s1, s0  }
0xcb: {  	s0 =	sadd.s32 $0x8F2B, s0  }
0xcc: {  	[sflag:s0] =	ssyncadd.remote.s32 $0x1  }
0xcd: {  	_ =	sfence.sel $0xFFFF  }
0xce: {  	[dreg:$0x0] =	wrdreg $0xFFFFFFFF;
	(pc) =	sbr.abs _section_cstart, $3  }
0xcf: {  	[dreg:$0x1] =	wrdreg $0xFFFFFFFF  }
0xd0: {  	_ =	task.clear_ibuf [dreg:s22], $0x2FFFF;
	_ =	strace $0x9FFFFFFF  }
0xd1: {  	(tm) =	ssettm $0x7FFFFFFF  }
tec
execute0_lowered:
.L_overlay_start_1:
0x0: {  	(tag) =	ssettag $0x1  }
0x1: {  	s5 =	rddreg [dreg:$0x0]  }
0x2: {  	s2 =	rddreg [dreg:$0x1]  }
0x3: {  	s0 =	rddreg [dreg:$0x2]  }
0x4: {  	s1 =	stileid.u32;
	s4 =	srdreg.scid  }
0x5: {  	s3 =	simm.s32 $0x0;
	s15 =	simm.s32 $0x80;
	s16 =	simm.s32 $0x200  }
0x6: {  	s17 =	simm.s32 $0x180;
	s18 =	simm.s32 $0x1;
	s6 =	smul.u32 $0x34, s1  }
0x7: {  	s19 =	simm.s32 $0x4200;
	s7 =	sand.u32 $0x1, s4;
	s4 =	smul.u32 $0x6A, s1  }
0x8: {  	s20 =	simm.s32 $0x2;
	s21 =	simm.s32 $0x0;
	s9 =	smul.u32 $0x2800, s1  }
0x9: {  	[smem:$0x7FF] =	sst s3;
	s29 =	smul.u32 $0x50000, s1;
	s10 =	sadd.s32 $0x71A00, s5  }
0xa: {  	s13 =	sadd.s32 $0x99A00, s5;
	s31 =	sshll.u32 s1, $0x6;
	p0 =	seq.s32 s7, $0x0  }
0xb: {  	_ =	strace $0x8000004A;
	s28 =	ssub.s32 $0x2, s7;
	s7 =	simm.s32 $0x35  }
0xc: {  	s6 =	sadd.s32 $0x6A0, s6;
	s8 =	sadd.s32 s9, s5;
	s12 =	sshrl.u32 s28, $0x1  }
0xd: {  	s30 =	sshrl.u32 s29, $0x2;
	s13 =	smov.u32 @p0 s10;
	s7 =	simm.s32 @!p0 $0x1A  }
0xe: {  	s6 =	smov.u32 @p0 s4;
	s4 =	sadd.s32 $0x35000, s5;
	s12 =	ssub.s32 s28, s12  }
0xf: {  	s14 =	sadd.s32 s30, s2;
	s9 =	sadd.s32 s13, s9;
	s6 =	sshll.u32 s6, $0x4  }
0x10: {  	s13 =	simm.s32 $0x3;
	s11 =	sadd.s32 s6, s5;
	s5 =	sadd.s32 $0x49A00, s8  }
0x11: {  	s6 =	sor.u32 $0x1C03, s31;
	s8 =	smax.u32 s12, $0x1;
	s12 =	sshrl.u32 s14, $0x3  }
0x12: {  	s14 =	simm.s32 $0x100;
	s10 =	sadd.s32 $0x3FC10, s11;
	s11 =	sadd.s32 $0x35E10, s11  }
.LBB2_1:
0x13: {  	[spmem:s12], [sflag:s6] =	dma.local [hbm:s5], $0x2800  }
0x14: {  	p1 =	sne.s32 s7, $0x1  }
.Ltmp0:
0x15: {  	_ =	swait.ge [sflag:s13], $0x2800;
	(pc) =	sbr.rel @!p1 .LBB2_5-.Ltmp0, $4  }
0x16: {  	[sflag:s13] =	ssyncset.done $0x0  }
0x17: {  	[sflag:s13] =	ssyncadd.s32 $0xFFFFD800  }
0x18: {  	s24 =	sadd.s32 $0xFFFFFFFF, s7;
	[bflag:$0x0] =	sbarrier.arrive $0xFFFF  }
0x19: {  	p0 =	por $0x0, $0x0;
	s22 =	smov.u32 s11;
	s23 =	smov.u32 s10  }
0x1a: {  	s22 =	sadd.s32 $0xFFFFFFF0, s11  }
0x1b: {  	[tilespmem:s3], [sflag:$0x3] =	stream.linear.gather [hbm4b:s22+s3], $0x80, $0x38;
	[tilespmem:$0x1C200] =	vst v63  }
0x1c: {  	_ =	swait.ge [sflag:s13], $0x80  }
0x1d: {  	[sflag:s13] =	ssyncset.done $0x0  }
0x1e: {  	s31 =	sadd.s32 $0xFFFFFFF0, s10;
	[sflag:s13] =	ssyncadd.s32 $0xFFFFFF80  }
0x1f: {  	[tilespmem:s14], [sflag:$0x3] =	stream.linear.gather [hbm4b:s31+s3], $0x80, $0x38;
	[tilespmem:$0x1C200] =	vst v63  }
0x20: {  	_ =	swait.ge [sflag:s13], $0x80  }
0x21: {  	[sflag:s13] =	ssyncset.done $0x0  }
0x22: {  	[sflag:s13] =	ssyncadd.s32 $0xFFFFFF80  }
0x23: {  	[tilespmem:s16], [sflag:$0x1] =	stream.indirect.gather [hbm4b:s4+s15], $0x80, s3, s15, $0xb8;
	[tilespmem:$0x1C200] =	vst v63  }
0x24: {  	_ = 	snop  }
0x25: {  	[tilespmem:s15], [sflag:$0x3] =	stream.linear.gather [hbm4b:s11+s3], $0x80, $0x38;
	[tilespmem:$0x1C200] =	vst v63  }
0x26: {  	_ =	swait.ge [sflag:s13], $0x80  }
0x27: {  	[sflag:s13] =	ssyncset.done $0x0  }
0x28: {  	[sflag:s13] =	ssyncadd.s32 $0xFFFFFF80  }
0x29: {  	[tilespmem:s17], [sflag:$0x3] =	stream.linear.gather [hbm4b:s10+s3], $0x80, $0x38;
	[tilespmem:$0x1C200] =	vst v63  }
0x2a: {  	_ =	swait.ge [sflag:s13], $0x80  }
0x2b: {  	[sflag:s13] =	ssyncset.done $0x0  }
0x2c: {  	[sflag:s13] =	ssyncadd.s32 $0xFFFFFF80  }
0x2d: {  	_ =	swait.ge [sflag:s18], $0x4000  }
0x2e: {  	[sflag:s18] =	ssyncset.done $0x0  }
0x2f: {  	[sflag:s18] =	ssyncadd.s32 $0xFFFFC000  }
0x30: {  	[spmem:s2] =	stream.indirect.scatter.add.f32 [tilespmem:s16], [sflag:$0x2], $0x80, s14, s15, $0xb8;
	[tilespmem:$0x1C200] =	vst v63  }
0x31: {  	_ = 	snop  }
0x32: {  	[tilespmem:s19], [sflag:$0x1] =	stream.indirect.gather [hbm4b:s4+s15], $0x80, s15, s15, $0xb8;
	[tilespmem:$0x1C200] =	vst v63  }
0x33: {  	_ =	swait.ge [sflag:s18], $0x4000  }
0x34: {  	[sflag:s18] =	ssyncset.done $0x0  }
0x35: {  	[sflag:s18] =	ssyncadd.s32 $0xFFFFC000  }
0x36: {  	p1 =	sne.s32 s24, $0x1;
	_ =	swait.ge [sflag:s20], $0x4000  }
.Ltmp1:
0x37: {  	[sflag:s20] =	ssyncset.done $0x0;
	(pc) =	sbr.rel @!p1 .LBB2_3-.Ltmp1, $4  }
0x38: {  	[sflag:s20] =	ssyncadd.s32 $0xFFFFC000  }
0x39: {  	[spmem:s2] =	stream.indirect.scatter.add.f32 [tilespmem:s19], [sflag:$0x3], $0x80, s17, s15, $0xb8;
	[tilespmem:$0x1C200] =	vst v63  }
0x3a: {  	s24 =	sadd.s32 $0xFFFFFFFF, s24;
	p0 =	por $0x1, $0x1;
	_ =	swait.ge [sflag:s13], $0x4000  }
0x3b: {  	s23 =	smov.u32 s10;
	s22 =	sadd.s32 $0x20, s11;
	[sflag:s13] =	ssyncset.done $0x0  }
.LBB2_4:
0x3c: {  	s25 =	sadd.s32 $0xFFFFFFF0, s22;
	[sflag:s13] =	ssyncadd.s32 $0xFFFFC000;
	s23 =	sadd.s32 $0x20, s23  }
0x3d: {  	[tilespmem:s3], [sflag:$0x3] =	stream.linear.gather [hbm4b:s25+s3], $0x80, $0x38;
	[tilespmem:$0x1C200] =	vst v63  }
0x3e: {  	p1 =	sne.s32 s24, $0x1;
	s24 =	sadd.s32 $0xFFFFFFFF, s24;
	_ =	swait.ge [sflag:s13], $0x80  }
0x3f: {  	[sflag:s13] =	ssyncset.done $0x0  }
0x40: {  	s25 =	sadd.s32 $0xFFFFFFF0, s23;
	[sflag:s13] =	ssyncadd.s32 $0xFFFFFF80  }
0x41: {  	[tilespmem:s14], [sflag:$0x3] =	stream.linear.gather [hbm4b:s25+s3], $0x80, $0x38;
	[tilespmem:$0x1C200] =	vst v63  }
0x42: {  	_ =	swait.ge [sflag:s13], $0x80  }
0x43: {  	[sflag:s13] =	ssyncset.done $0x0  }
0x44: {  	[sflag:s13] =	ssyncadd.s32 $0xFFFFFF80  }
0x45: {  	[tilespmem:s16], [sflag:$0x1] =	stream.indirect.gather [hbm4b:s4+s15], $0x80, s3, s15, $0xb8;
	[tilespmem:$0x1C200] =	vst v63  }
0x46: {  	_ = 	snop  }
0x47: {  	[tilespmem:s15], [sflag:$0x3] =	stream.linear.gather [hbm4b:s22+s3], $0x80, $0x38;
	[tilespmem:$0x1C200] =	vst v63  }
0x48: {  	_ =	swait.ge [sflag:s13], $0x80  }
0x49: {  	[sflag:s13] =	ssyncset.done $0x0  }
0x4a: {  	[sflag:s13] =	ssyncadd.s32 $0xFFFFFF80  }
0x4b: {  	[tilespmem:s17], [sflag:$0x3] =	stream.linear.gather [hbm4b:s23+s3], $0x80, $0x38;
	[tilespmem:$0x1C200] =	vst v63  }
0x4c: {  	_ =	swait.ge [sflag:s13], $0x80  }
0x4d: {  	[sflag:s13] =	ssyncset.done $0x0  }
0x4e: {  	[sflag:s13] =	ssyncadd.s32 $0xFFFFFF80  }
0x4f: {  	_ =	swait.ge [sflag:s18], $0x4000  }
0x50: {  	[sflag:s18] =	ssyncset.done $0x0  }
0x51: {  	[sflag:s18] =	ssyncadd.s32 $0xFFFFC000  }
0x52: {  	[spmem:s2] =	stream.indirect.scatter.add.f32 [tilespmem:s16], [sflag:$0x2], $0x80, s14, s15, $0xb8;
	[tilespmem:$0x1C200] =	vst v63  }
0x53: {  	_ = 	snop  }
0x54: {  	[tilespmem:s19], [sflag:$0x1] =	stream.indirect.gather [hbm4b:s4+s15], $0x80, s15, s15, $0xb8;
	[tilespmem:$0x1C200] =	vst v63  }
0x55: {  	_ =	swait.ge [sflag:s18], $0x4000  }
0x56: {  	[sflag:s18] =	ssyncset.done $0x0  }
0x57: {  	[sflag:s18] =	ssyncadd.s32 $0xFFFFC000  }
0x58: {  	_ =	swait.ge [sflag:s20], $0x4000  }
.Ltmp2:
0x59: {  	[sflag:s20] =	ssyncset.done $0x0;
	(pc) =	sbr.rel @p1 .LBB2_4-.Ltmp2, $4  }
0x5a: {  	[sflag:s20] =	ssyncadd.s32 $0xFFFFC000  }
0x5b: {  	[spmem:s2] =	stream.indirect.scatter.add.f32 [tilespmem:s19], [sflag:$0x3], $0x80, s17, s15, $0xb8;
	[tilespmem:$0x1C200] =	vst v63  }
0x5c: {  	_ =	swait.ge [sflag:s13], $0x4000  }
0x5d: {  	s22 =	sadd.s32 $0x20, s22;
	[sflag:s13] =	ssyncset.done $0x0  }
.LBB2_5:
0x5e: {  	s24 =	sadd.s32 $0xFFFFFFF0, s22;
	[sflag:s13] =	ssyncadd.s32 @p0 $0xFFFFC000  }
0x5f: {  	[tilespmem:s3], [sflag:$0x3] =	stream.linear.gather [hbm4b:s24+s3], $0x80, $0x38;
	[tilespmem:$0x1C200] =	vst v63  }
0x60: {  	s23 =	sadd.s32 @p0 $0x20, s23;
	s24 =	smov.u32 s10;
	_ =	swait.ge [sflag:s13], $0x80  }
0x61: {  	s24 =	smov.u32 @p0 s23;
	[sflag:s13] =	ssyncset.done $0x0  }
0x62: {  	s23 =	sadd.s32 $0xFFFFFFF0, s24;
	[sflag:s13] =	ssyncadd.s32 $0xFFFFFF80  }
0x63: {  	[tilespmem:s14], [sflag:$0x3] =	stream.linear.gather [hbm4b:s23+s3], $0x80, $0x38;
	[tilespmem:$0x1C200] =	vst v63  }
0x64: {  	_ =	swait.ge [sflag:s13], $0x80  }
0x65: {  	[sflag:s13] =	ssyncset.done $0x0  }
0x66: {  	[sflag:s13] =	ssyncadd.s32 $0xFFFFFF80  }
0x67: {  	[tilespmem:s16], [sflag:$0x1] =	stream.indirect.gather [hbm4b:s4+s15], $0x80, s3, s15, $0xb8;
	[tilespmem:$0x1C200] =	vst v63  }
0x68: {  	_ = 	snop  }
0x69: {  	[tilespmem:s15], [sflag:$0x3] =	stream.linear.gather [hbm4b:s22+s3], $0x80, $0x38;
	[tilespmem:$0x1C200] =	vst v63  }
0x6a: {  	_ =	swait.ge [sflag:s13], $0x80  }
0x6b: {  	[sflag:s13] =	ssyncset.done $0x0  }
0x6c: {  	[sflag:s13] =	ssyncadd.s32 $0xFFFFFF80  }
0x6d: {  	[tilespmem:s17], [sflag:$0x3] =	stream.linear.gather [hbm4b:s24+s3], $0x80, $0x38;
	[tilespmem:$0x1C200] =	vst v63  }
0x6e: {  	_ =	swait.ge [sflag:s13], $0x80  }
0x6f: {  	[sflag:s13] =	ssyncset.done $0x0  }
0x70: {  	[sflag:s13] =	ssyncadd.s32 $0xFFFFFF80  }
0x71: {  	_ =	swait.ge [sflag:s18], $0x4000  }
0x72: {  	[sflag:s18] =	ssyncset.done $0x0  }
0x73: {  	[sflag:s18] =	ssyncadd.s32 $0xFFFFC000  }
0x74: {  	[spmem:s2] =	stream.indirect.scatter.add.f32 [tilespmem:s16], [sflag:$0x2], $0x80, s14, s15, $0xb8;
	[tilespmem:$0x1C200] =	vst v63  }
0x75: {  	_ = 	snop  }
0x76: {  	[tilespmem:s19], [sflag:$0x1] =	stream.indirect.gather [hbm4b:s4+s15], $0x80, s15, s15, $0xb8;
	[tilespmem:$0x1C200] =	vst v63  }
0x77: {  	_ =	swait.ge [sflag:s18], $0x4000  }
0x78: {  	[sflag:s18] =	ssyncset.done $0x0  }
0x79: {  	[sflag:s18] =	ssyncadd.s32 $0xFFFFC000  }
0x7a: {  	_ =	swait.ge [sflag:s20], $0x4000  }
0x7b: {  	[sflag:s20] =	ssyncset.done $0x0  }
0x7c: {  	[sflag:s20] =	ssyncadd.s32 $0xFFFFC000  }
0x7d: {  	[spmem:s2] =	stream.indirect.scatter.add.f32 [tilespmem:s19], [sflag:$0x3], $0x80, s17, s15, $0xb8;
	[tilespmem:$0x1C200] =	vst v63  }
0x7e: {  	_ =	swait.ge [sflag:s13], $0x4000  }
0x7f: {  	[sflag:s13] =	ssyncset.done $0x0  }
0x80: {  	s21 =	sadd.s32 $0x1, s21;
	[sflag:s13] =	ssyncadd.s32 $0xFFFFC000  }
0x81: {  	p0 =	sne.s32 s21, s8;
	[bflag:$0x0] =	sbarrier.arrive $0xFFFF  }
0x82: {  	[hbm:s9], [sflag:s6] =	dma.local [spmem:s12], $0x2800  }
.Ltmp3:
0x83: {  	_ = 	snop;
	(pc) =	sbr.rel @p0 .LBB2_1-.Ltmp3, $4  }
.Ltmp4:
0x84: {  	_ = 	snop;
	(pc) =	sbr.rel @!p0 .LBB2_6-.Ltmp4, $4  }
0x85: {  	_ =	swait.ge [sflag:s13], $0x2800  }
0x86: {  	[sflag:s13] =	ssyncset.done $0x0  }
0x87: {  	[sflag:s13] =	ssyncadd.s32 $0xFFFFD800  }
0x88: {  	_ = 	snop  }
.LBB2_3:
.Ltmp5:
0x89: {  	(pc) =	sbr.rel .LBB2_5-.Ltmp5, $2  }
0x8a: {  	_ =	sdelay $0x2  }
0x8b: {  	s23 =	smov.u32 s10  }
.LBB2_6:
0x8c: {  	_ =	sfence.sel $0x180000  }
0x8d: {  	[bflag:$0x0] =	sbarrier.arrive $0xFFFF  }
0x8e: {  	p0 =	sne.s32 s1, $0x0;
	_ =	strace $0x9000004A  }
0x8f: {  	s0 =	sadd.s32 @!p0 $0x100000, s0;
	[bflag:$0x2] =	sbarrier.arrive $0xFFFF  }
0x90: {  	[sflag:s0] =	ssyncadd.tile.s32 @!p0 $0x1;
	_ =	shalt  }
.Lfunc_end2:
_tile_overlayer_lowered:
.L_overlay_start_2:
0x91: {  	(tag) =	ssettag $0x2  }
0x92: {  	s0 =	rddreg [dreg:$0x0];
	s2 =	stileid.u32  }
0x93: {  	s1 =	rddreg [dreg:$0x1];
	p0 =	sne.s32 s2, $0x0  }
0x94: {  	s3 =	rddreg [dreg:$0x2];
	[bflag:$0x3] =	sbarrier.arrive $0xFFFF;
	s2 =	simm.s32 @!p0 $0x1C03  }
0x95: {  	[timem:s3], [sflag:s2] =	dma.local @!p0 [hbm:s0], s1  }
0x96: {  	s0 =	simm.s32 @!p0 $0x3  }
0x97: {  	_ =	swait.ge @!p0 [sflag:s0], s1  }
0x98: {  	s1 =	ssub.s32 @!p0 $0x0, s1;
	[sflag:s0] =	ssyncset.done @!p0 $0x0  }
0x99: {  	[sflag:s0] =	ssyncadd.s32 @!p0 s1  }
0x9a: {  	[bflag:$0x3] =	sbarrier.arrive $0xFFFF  }
0x9b: {  	_ =	shalt  }

// kernel: kernel.16.cloned.1.call-start
scs
__scs_entry_jumppad:
0x0: {  	(pc) =	sbr.rel $0x88, $3  }
0x1: {  	(tag) =	ssettag $0x0;
	lr =	simm.s32 $0x1  }
0x2: {  	[smem:$0x3F98] =	sst lr;
	_ =	strace $0xD0000000  }
0x3: {  	_ = 	snop  }
0x4: {  	_ = 	snop  }
0x5: {  	_ = 	snop  }
0x6: {  	_ = 	snop  }
0x7: {  	_ = 	snop  }
__scs_overlays_trampoline_lowered:
0x8: {  	[smem:$0x3FA7] =	sst s0  }
0x9: {  	[smem:$0x3FA8] =	sst s1  }
0xa: {  	[smem:$0x3FA9] =	sst s2  }
0xb: {  	[smem:$0x3FAA] =	sst s3  }
0xc: {  	[smem:$0x3FAB] =	sst s4  }
0xd: {  	[smem:$0x3FAC] =	sst s5  }
0xe: {  	[smem:$0x3FAD] =	sst s6  }
0xf: {  	[smem:$0x3FAE] =	sst s7  }
0x10: {  	[smem:$0x3FAF] =	sst s8  }
0x11: {  	[smem:$0x3FB0] =	sst s9;
	s0 =	simm.s32 @!p0 $0x0  }
0x12: {  	s1 =	sld [smem:$0x3F96];
	s0 =	simm.s32 @p0 $0x1  }
0x13: {  	[smem:$0x3FB1] =	sst s0;
	s0 =	simm.s32 @!p1 $0x0  }
0x14: {  	s2 =	sld [smem:$0x3F95];
	s0 =	simm.s32 @p1 $0x1  }
0x15: {  	[smem:$0x3FB2] =	sst s0;
	s0 =	simm.s32 @!p2 $0x0  }
0x16: {  	s3 =	sld [smem:$0x3FDB];
	s0 =	simm.s32 @p2 $0x1  }
0x17: {  	s4 =	simm.s32 $0x1BF5;
	[smem:$0x3FB4] =	sst s0  }
0x18: {  	s0 =	sld [smem:$0x3F97];
	_ =	swait.ge [sflag:s4], $0x0  }
0x19: {  	s7 =	sld [smem:$0x3F98]  }
0x1a: {  	s8 =	sadd.s32 $0xFFFFE003, lr  }
0x1b: {  	s9 =	sadd.s32 $0xFFFFFEF7, lr;
	s5 =	simm.s32 $0xFFFFFFFF;
	p2 =	slt.u32 s8, $0xFFFFF086  }
0x1c: {  	p1 =	slt.u32 s9, $0xF7A;
	s5 =	simm.s32 @!p2 $0x0  }
0x1d: {  	s5 =	simm.s32 @p1 $0x1;
	p0 =	seq.s32 s7, s2  }
0x1e: {  	s7 =	smul.u32 @!p0 $0xF7A, s2;
	p2 =	seq.s32 @!p0 s5, $0x0  }
0x1f: {  	s9 =	smul.u32 $0xF7A, s1;
	s8 =	simm.s32 @!p0 $0x1BF5;
	p2 =	por !p2, p0  }
0x20: {  	[sflag:s8] =	ssyncset.s32 @!p0 $0xFFFFF086;
	s6 =	sadd.s32 @!p0 s3, s7;
	s7 =	simm.s32 @!p0 $0x108  }
0x21: {  	s3 =	sadd.s32 s3, s9;
	s6 =	sadd.s32 @!p0 $0x88, s6;
	s7 =	simm.s32 @p2 $0x1082  }
0x22: {  	[simem:s7], [sflag:s8] =	dma.local @!p0 [hbm:s6], $0xF7A  }
0x23: {  	s9 =	sor.u32 $0xD0000000, s2;
	s6 =	simm.s32 $0x108;
	_ =	swait.ge @!p0 [sflag:s8], $0x0  }
0x24: {  	s3 =	sadd.s32 $0x88, s3;
	s6 =	simm.s32 @!p1 $0x1082;
	[sflag:s4] =	ssyncset.s32 $0xFFFFF086  }
0x25: {  	[simem:s6], [sflag:s4] =	dma.local [hbm:s3], $0xF7A  }
0x26: {  	[smem:$0x3F98] =	sst s1;
	(tag) =	ssettag s2;
	_ =	strace s9  }
0x27: {  	s1 =	sld [smem:$0x3FA8]  }
0x28: {  	s2 =	sld [smem:$0x3FA9]  }
0x29: {  	s4 =	sld [smem:$0x3FAB]  }
0x2a: {  	p0 =	seq.s32 s5, $0x0;
	s5 =	sld [smem:$0x3FAC]  }
0x2b: {  	s6 =	sld [smem:$0x3FAD]  }
0x2c: {  	s7 =	sld [smem:$0x3FAE]  }
0x2d: {  	s3 =	simm.s32 $0x108;
	s8 =	sld [smem:$0x3FAF]  }
0x2e: {  	s3 =	simm.s32 @!p0 $0x1082;
	s9 =	sld [smem:$0x3FB0]  }
0x2f: {  	lr =	sadd.s32 s0, s3;
	s0 =	sld [smem:$0x3FA7]  }
0x30: {  	s3 =	sld [smem:$0x3FAA]  }
0x31: {  	[smem:$0x3FB3] =	sst s10  }
0x32: {  	s10 =	sld [smem:$0x3FB1];
	_ =	sdelay $0x3  }
0x33: {  	p0 =	seq.s32 s10, $0x1;
	s10 =	sld [smem:$0x3FB3];
	_ =	sdelay $0x3  }
0x34: {  	[smem:$0x3FB3] =	sst s10  }
0x35: {  	s10 =	sld [smem:$0x3FB2];
	_ =	sdelay $0x3  }
0x36: {  	p1 =	seq.s32 s10, $0x1;
	s10 =	sld [smem:$0x3FB3];
	_ =	sdelay $0x3  }
0x37: {  	[smem:$0x3FB3] =	sst s10  }
0x38: {  	s10 =	sld [smem:$0x3FB4]  }
0x39: {  	_ = 	snop;
	(pc) =	sbr.ind lr, $3  }
0x3a: {  	_ = 	snop  }
0x3b: {  	_ = 	snop  }
0x3c: {  	p2 =	seq.s32 s10, $0x1;
	s10 =	sld [smem:$0x3FB3]  }
0x3d: {  	_ =	shalt  }
0x3e: {  	_ =	shalt  }
0x3f: {  	_ =	shalt  }
0x40: {  	_ =	shalt  }
0x41: {  	_ =	shalt  }
0x42: {  	_ =	shalt  }
0x43: {  	_ =	shalt  }
0x44: {  	_ =	shalt  }
0x45: {  	_ =	shalt  }
0x46: {  	_ =	shalt  }
0x47: {  	_ =	shalt  }
0x48: {  	_ =	shalt  }
0x49: {  	_ =	shalt  }
0x4a: {  	_ =	shalt  }
0x4b: {  	_ =	shalt  }
0x4c: {  	_ =	shalt  }
0x4d: {  	_ =	shalt  }
0x4e: {  	_ =	shalt  }
0x4f: {  	_ =	shalt  }
0x50: {  	_ =	shalt  }
0x51: {  	_ =	shalt  }
0x52: {  	_ =	shalt  }
0x53: {  	_ =	shalt  }
0x54: {  	_ =	shalt  }
0x55: {  	_ =	shalt  }
0x56: {  	_ =	shalt  }
0x57: {  	_ =	shalt  }
0x58: {  	_ =	shalt  }
0x59: {  	_ =	shalt  }
0x5a: {  	_ =	shalt  }
0x5b: {  	_ =	shalt  }
0x5c: {  	_ =	shalt  }
0x5d: {  	_ =	shalt  }
0x5e: {  	_ =	shalt  }
0x5f: {  	_ =	shalt  }
0x60: {  	_ =	shalt  }
0x61: {  	_ =	shalt  }
0x62: {  	_ =	shalt  }
0x63: {  	_ =	shalt  }
0x64: {  	_ =	shalt  }
0x65: {  	_ =	shalt  }
0x66: {  	_ =	shalt  }
0x67: {  	_ =	shalt  }
0x68: {  	_ =	shalt  }
0x69: {  	_ =	shalt  }
0x6a: {  	_ =	shalt  }
0x6b: {  	_ =	shalt  }
0x6c: {  	_ =	shalt  }
0x6d: {  	_ =	shalt  }
0x6e: {  	_ =	shalt  }
0x6f: {  	_ =	shalt  }
0x70: {  	_ =	shalt  }
0x71: {  	_ =	shalt  }
0x72: {  	_ =	shalt  }
0x73: {  	_ =	shalt  }
0x74: {  	_ =	shalt  }
0x75: {  	_ =	shalt  }
0x76: {  	_ =	shalt  }
0x77: {  	_ =	shalt  }
0x78: {  	_ =	shalt  }
0x79: {  	_ =	shalt  }
0x7a: {  	_ =	shalt  }
0x7b: {  	_ =	shalt  }
0x7c: {  	_ =	shalt  }
0x7d: {  	_ =	shalt  }
0x7e: {  	_ =	shalt  }
0x7f: {  	_ =	shalt  }
0x80: {  	_ =	shalt  }
0x81: {  	_ =	shalt  }
0x82: {  	_ =	shalt  }
0x83: {  	_ =	shalt  }
0x84: {  	_ =	shalt  }
0x85: {  	_ =	shalt  }
0x86: {  	_ =	shalt  }
0x87: {  	_ =	shalt  }
.Lfunc_end0:
.L_simem_size_0:
called_computation.2_lowered:
.L_overlay_start_0:
0x88: {  	s2 =	sld [smem:$0x3FD9]  }
0x89: {  	s3 =	sld [smem:$0x3FFE];
	_ =	sdelay $0x1  }
0x8a: {  	s1 =	srdreg.scid  }
0x8b: {  	s0 =	sand.u32 $0x1, s1  }
0x8c: {  	s17 =	sshll.u32 s0, $0xA;
	s2 =	sadd.s32 s3, s2  }
0x8d: {  	s2 =	sadd.s32 s2, s17  }
0x8e: {  	[smem:$0x3FBF] =	sst s2  }
0x8f: {  	_ = 	snop  }
0x90: {  	(tm) =	ssettm $0x1  }
0x91: {  	s18 =	sld [smem:$0x3FFB];
	_ =	sdelay $0x3  }
0x92: {  	_ =	strace s18  }
0x93: {  	s2 =	sld [smem:$0x3FFC];
	_ =	sdelay $0x3  }
0x94: {  	_ =	strace s2  }
0x95: {  	s2 =	sld [smem:$0x3FFD];
	_ =	sdelay $0x3  }
0x96: {  	_ =	strace s2  }
0x97: {  	_ =	strace $0x8FFFFFFF  }
0x98: {  	s19 =	sld [smem:$0x3FDB];
	_ =	sdelay $0x1  }
0x99: {  	s20 =	simm.s32 $_scs_section_size  }
0x9a: {  	s4 =	simm.s32 $_size__tile_overlayer_lowered;
	s5 =	simm.s32 $_tile_overlayer_lowered  }
0x9b: {  	s6 =	simm.s32 $0x1BFF;
	s21 =	sshll.u32 s5, $0x1;
	s3 =	sadd.s32 s20, s19  }
0x9c: {  	s22 =	simm.s32 $0x0;
	s4 =	sshll.u32 s4, $0x1;
	s5 =	sadd.s32 s21, s3  }
0x9d: {  	[timem:s22], [sflag:s6] =	dma.local [hbm:s5], s4  }
0x9e: {  	_ =	swait.ge [sflag:s6], s4  }
0x9f: {  	s4 =	ssub.s32 $0x0, s4;
	[sflag:s6] =	ssyncset.done $0x0  }
0xa0: {  	[sflag:s6] =	ssyncadd.s32 s4;
	_ =	sdelay $0x1  }
0xa1: {  	s23 =	simm.s32 $0x1B8B  }
0xa2: {  	_ =	swait.ge [sflag:s23], $0x1  }
0xa3: {  	[sflag:s23] =	ssyncset.done $0x0  }
0xa4: {  	[sflag:s23] =	ssyncadd.s32 $0xFFFFFFFF  }
0xa5: {  	s4 =	sld [smem:$0x0]  }
0xa6: {  	s5 =	sand.u32 $0xFFFFFFFE, s1  }
0xa7: {  	p0 =	sne.s32 s1, s5  }
0xa8: {  	s5 =	sshll.u32 @p0 s5, $0xE  }
0xa9: {  	s5 =	sadd.s32 @p0 $0x11B8D, s5;
	s6 =	sshll.u32 @p0 s4, $0x11  }
0xaa: {  	s5 =	sor.u32 @p0 s6, s5  }
0xab: {  	[sflag:s5] =	ssyncadd.remote.s32 @p0 $0x1;
	_ =	sdelay $0x1  }
0xac: {  	s5 =	simm.s32 @p0 $0x1B8D  }
0xad: {  	_ =	swait.eq @p0 [sflag:s5], $0x1  }
0xae: {  	[sflag:s5] =	ssyncadd.s32 @p0 $0xFFFFFFFF  }
0xaf: {  	s6 =	sshll.u32 @!p0 s1, $0xE  }
0xb0: {  	s6 =	sor.u32 @!p0 $0x4000, s6;
	s5 =	simm.s32 @!p0 $0x1B8D  }
0xb1: {  	s4 =	sshll.u32 @!p0 s4, $0x11;
	s6 =	sadd.s32 @!p0 $0x11B8D, s6;
	_ =	swait.eq @!p0 [sflag:s5], $0x1  }
0xb2: {  	s4 =	sor.u32 @!p0 s4, s6;
	[sflag:s5] =	ssyncadd.s32 @!p0 $0xFFFFFFFF  }
0xb3: {  	s25 =	simm.s32 $0x1B8E;
	s24 =	sld [smem:$0x3FFE];
	[sflag:s4] =	ssyncadd.remote.s32 @!p0 $0x1  }
0xb4: {  	s26 =	simm.s32 $execute0_lowered;
	[smem:$0x3FD2] =	sst s25  }
0xb5: {  	s5 =	sshll.u32 s26, $0x1;
	_ =	strace $0x8000004C;
	[dreg:$0x1] =	wrdreg $0xFFFFFFFF  }
0xb6: {  	s28 =	simm.s32 $_size_execute0_lowered;
	s3 =	sadd.s32 s3, s5;
	[dreg:$0x0] =	wrdreg $0x0  }
0xb7: {  	s5 =	sshll.u32 s28, $0x1;
	[dreg:$0x2] =	wrdreg s3  }
0xb8: {  	[dreg:$0x3] =	wrdreg s5  }
0xb9: {  	[dreg:$0x4] =	wrdreg $0xC0  }
0xba: {  	_ =	task [dreg:s22], $0x5FFFF  }
0xbb: {  	[dreg:$0x1] =	wrdreg $0xFFFFFFFF  }
0xbc: {  	[dreg:$0x0] =	wrdreg $0x60  }
0xbd: {  	[dreg:$0x2] =	wrdreg s24  }
0xbe: {  	[dreg:$0x3] =	wrdreg $0x82000  }
0xbf: {  	[dreg:$0x4] =	wrdreg $0xA  }
0xc0: {  	_ =	task.clear_ibuf [dreg:s22], $0x5FFFF;
	_ =	strace $0x9000004C  }
0xc1: {  	s29 =	simm.s32 $0xA;
	_ =	strace $0x8000004E  }
0xc2: {  	_ =	swait.ge [sflag:s29], $0x1  }
0xc3: {  	[sflag:s29] =	ssyncadd.s32 $0xFFFFFFFF  }
0xc4: {  	_ =	strace $0x9000004E  }
0xc5: {  	_ =	sfence  }
0xc6: {  	s30 =	sld [smem:$0x0];
	_ =	sdelay $0x2  }
0xc7: {  	s31 =	sshll.u32 s1, $0xD;
	s1 =	sshrl.u32 s1, $0x2  }
0xc8: {  	s4 =	sand.u32 $0x4000, s31;
	s1 =	sadd.s32 s1, s30  }
0xc9: {  	s0 =	sor.u32 s4, s0;
	s1 =	sshll.u32 s1, $0x11  }
0xca: {  	s0 =	sor.u32 s1, s0  }
0xcb: {  	s0 =	sadd.s32 $0x8F2B, s0  }
0xcc: {  	[sflag:s0] =	ssyncadd.remote.s32 $0x1  }
0xcd: {  	_ =	sfence.sel $0xFFFF  }
0xce: {  	[dreg:$0x0] =	wrdreg $0xFFFFFFFF;
	(pc) =	sbr.abs _section_cstart, $3  }
0xcf: {  	[dreg:$0x1] =	wrdreg $0xFFFFFFFF  }
0xd0: {  	_ =	task.clear_ibuf [dreg:s22], $0x2FFFF;
	_ =	strace $0x9FFFFFFF  }
0xd1: {  	(tm) =	ssettm $0x7FFFFFFF  }
tec
execute0_lowered:
.L_overlay_start_1:
0x0: {  	(tag) =	ssettag $0x1  }
0x1: {  	s5 =	rddreg [dreg:$0x0]  }
0x2: {  	s2 =	rddreg [dreg:$0x1]  }
0x3: {  	s0 =	rddreg [dreg:$0x2]  }
0x4: {  	s1 =	stileid.u32;
	s4 =	srdreg.scid  }
0x5: {  	s3 =	simm.s32 $0x0;
	s15 =	simm.s32 $0x80;
	s16 =	simm.s32 $0x200  }
0x6: {  	s17 =	simm.s32 $0x180;
	s18 =	simm.s32 $0x1;
	s6 =	smul.u32 $0x34, s1  }
0x7: {  	s19 =	simm.s32 $0x4200;
	s7 =	sand.u32 $0x1, s4;
	s4 =	smul.u32 $0x6A, s1  }
0x8: {  	s20 =	simm.s32 $0x2;
	s21 =	simm.s32 $0x0;
	s9 =	smul.u32 $0x2800, s1  }
0x9: {  	[smem:$0x7FF] =	sst s3;
	s29 =	smul.u32 $0x50000, s1;
	s10 =	sadd.s32 $0xCB800, s5  }
0xa: {  	s13 =	sadd.s32 $0xF3800, s5;
	s31 =	sshll.u32 s1, $0x6;
	p0 =	seq.s32 s7, $0x0  }
0xb: {  	_ =	strace $0x8000004D;
	s28 =	ssub.s32 $0x2, s7;
	s7 =	simm.s32 $0x35  }
0xc: {  	s6 =	sadd.s32 $0x6A0, s6;
	s8 =	sadd.s32 s9, s5;
	s12 =	sshrl.u32 s28, $0x1  }
0xd: {  	s30 =	sshrl.u32 s29, $0x2;
	s13 =	smov.u32 @p0 s10;
	s7 =	simm.s32 @!p0 $0x1A  }
0xe: {  	s6 =	smov.u32 @p0 s4;
	s4 =	sadd.s32 $0x5000, s5;
	s12 =	ssub.s32 s28, s12  }
0xf: {  	s14 =	sadd.s32 s30, s2;
	s9 =	sadd.s32 s13, s9;
	s6 =	sshll.u32 s6, $0x4  }
0x10: {  	s13 =	simm.s32 $0x3;
	s11 =	sadd.s32 s6, s5;
	s5 =	sadd.s32 $0x49A00, s8  }
0x11: {  	s6 =	sor.u32 $0x1C03, s31;
	s8 =	smax.u32 s12, $0x1;
	s12 =	sshrl.u32 s14, $0x3  }
0x12: {  	s14 =	simm.s32 $0x100;
	s10 =	sadd.s32 $0x3FC10, s11;
	s11 =	sadd.s32 $0xC1A10, s11  }
.LBB2_1:
0x13: {  	[spmem:s12], [sflag:s6] =	dma.local [hbm:s5], $0x2800  }
0x14: {  	p1 =	sne.s32 s7, $0x1  }
.Ltmp0:
0x15: {  	_ =	swait.ge [sflag:s13], $0x2800;
	(pc) =	sbr.rel @!p1 .LBB2_5-.Ltmp0, $4  }
0x16: {  	[sflag:s13] =	ssyncset.done $0x0  }
0x17: {  	[sflag:s13] =	ssyncadd.s32 $0xFFFFD800  }
0x18: {  	s24 =	sadd.s32 $0xFFFFFFFF, s7;
	[bflag:$0x0] =	sbarrier.arrive $0xFFFF  }
0x19: {  	p0 =	por $0x0, $0x0;
	s22 =	smov.u32 s11;
	s23 =	smov.u32 s10  }
0x1a: {  	s22 =	sadd.s32 $0xFFFFFFF0, s11  }
0x1b: {  	[tilespmem:s3], [sflag:$0x3] =	stream.linear.gather [hbm4b:s22+s3], $0x80, $0x38;
	[tilespmem:$0x1C200] =	vst v63  }
0x1c: {  	_ =	swait.ge [sflag:s13], $0x80  }
0x1d: {  	[sflag:s13] =	ssyncset.done $0x0  }
0x1e: {  	s31 =	sadd.s32 $0xFFFFFFF0, s10;
	[sflag:s13] =	ssyncadd.s32 $0xFFFFFF80  }
0x1f: {  	[tilespmem:s14], [sflag:$0x3] =	stream.linear.gather [hbm4b:s31+s3], $0x80, $0x38;
	[tilespmem:$0x1C200] =	vst v63  }
0x20: {  	_ =	swait.ge [sflag:s13], $0x80  }
0x21: {  	[sflag:s13] =	ssyncset.done $0x0  }
0x22: {  	[sflag:s13] =	ssyncadd.s32 $0xFFFFFF80  }
0x23: {  	[tilespmem:s16], [sflag:$0x1] =	stream.indirect.gather [hbm4b:s4+s15], $0x80, s3, s15, $0xb8;
	[tilespmem:$0x1C200] =	vst v63  }
0x24: {  	_ = 	snop  }
0x25: {  	[tilespmem:s15], [sflag:$0x3] =	stream.linear.gather [hbm4b:s11+s3], $0x80, $0x38;
	[tilespmem:$0x1C200] =	vst v63  }
0x26: {  	_ =	swait.ge [sflag:s13], $0x80  }
0x27: {  	[sflag:s13] =	ssyncset.done $0x0  }
0x28: {  	[sflag:s13] =	ssyncadd.s32 $0xFFFFFF80  }
0x29: {  	[tilespmem:s17], [sflag:$0x3] =	stream.linear.gather [hbm4b:s10+s3], $0x80, $0x38;
	[tilespmem:$0x1C200] =	vst v63  }
0x2a: {  	_ =	swait.ge [sflag:s13], $0x80  }
0x2b: {  	[sflag:s13] =	ssyncset.done $0x0  }
0x2c: {  	[sflag:s13] =	ssyncadd.s32 $0xFFFFFF80  }
0x2d: {  	_ =	swait.ge [sflag:s18], $0x4000  }
0x2e: {  	[sflag:s18] =	ssyncset.done $0x0  }
0x2f: {  	[sflag:s18] =	ssyncadd.s32 $0xFFFFC000  }
0x30: {  	[spmem:s2] =	stream.indirect.scatter.add.f32 [tilespmem:s16], [sflag:$0x2], $0x80, s14, s15, $0xb8;
	[tilespmem:$0x1C200] =	vst v63  }
0x31: {  	_ = 	snop  }
0x32: {  	[tilespmem:s19], [sflag:$0x1] =	stream.indirect.gather [hbm4b:s4+s15], $0x80, s15, s15, $0xb8;
	[tilespmem:$0x1C200] =	vst v63  }
0x33: {  	_ =	swait.ge [sflag:s18], $0x4000  }
0x34: {  	[sflag:s18] =	ssyncset.done $0x0  }
0x35: {  	[sflag:s18] =	ssyncadd.s32 $0xFFFFC000  }
0x36: {  	p1 =	sne.s32 s24, $0x1;
	_ =	swait.ge [sflag:s20], $0x4000  }
.Ltmp1:
0x37: {  	[sflag:s20] =	ssyncset.done $0x0;
	(pc) =	sbr.rel @!p1 .LBB2_3-.Ltmp1, $4  }
0x38: {  	[sflag:s20] =	ssyncadd.s32 $0xFFFFC000  }
0x39: {  	[spmem:s2] =	stream.indirect.scatter.add.f32 [tilespmem:s19], [sflag:$0x3], $0x80, s17, s15, $0xb8;
	[tilespmem:$0x1C200] =	vst v63  }
0x3a: {  	s24 =	sadd.s32 $0xFFFFFFFF, s24;
	p0 =	por $0x1, $0x1;
	_ =	swait.ge [sflag:s13], $0x4000  }
0x3b: {  	s23 =	smov.u32 s10;
	s22 =	sadd.s32 $0x20, s11;
	[sflag:s13] =	ssyncset.done $0x0  }
.LBB2_4:
0x3c: {  	s25 =	sadd.s32 $0xFFFFFFF0, s22;
	[sflag:s13] =	ssyncadd.s32 $0xFFFFC000;
	s23 =	sadd.s32 $0x20, s23  }
0x3d: {  	[tilespmem:s3], [sflag:$0x3] =	stream.linear.gather [hbm4b:s25+s3], $0x80, $0x38;
	[tilespmem:$0x1C200] =	vst v63  }
0x3e: {  	p1 =	sne.s32 s24, $0x1;
	s24 =	sadd.s32 $0xFFFFFFFF, s24;
	_ =	swait.ge [sflag:s13], $0x80  }
0x3f: {  	[sflag:s13] =	ssyncset.done $0x0  }
0x40: {  	s25 =	sadd.s32 $0xFFFFFFF0, s23;
	[sflag:s13] =	ssyncadd.s32 $0xFFFFFF80  }
0x41: {  	[tilespmem:s14], [sflag:$0x3] =	stream.linear.gather [hbm4b:s25+s3], $0x80, $0x38;
	[tilespmem:$0x1C200] =	vst v63  }
0x42: {  	_ =	swait.ge [sflag:s13], $0x80  }
0x43: {  	[sflag:s13] =	ssyncset.done $0x0  }
0x44: {  	[sflag:s13] =	ssyncadd.s32 $0xFFFFFF80  }
0x45: {  	[tilespmem:s16], [sflag:$0x1] =	stream.indirect.gather [hbm4b:s4+s15], $0x80, s3, s15, $0xb8;
	[tilespmem:$0x1C200] =	vst v63  }
0x46: {  	_ = 	snop  }
0x47: {  	[tilespmem:s15], [sflag:$0x3] =	stream.linear.gather [hbm4b:s22+s3], $0x80, $0x38;
	[tilespmem:$0x1C200] =	vst v63  }
0x48: {  	_ =	swait.ge [sflag:s13], $0x80  }
0x49: {  	[sflag:s13] =	ssyncset.done $0x0  }
0x4a: {  	[sflag:s13] =	ssyncadd.s32 $0xFFFFFF80  }
0x4b: {  	[tilespmem:s17], [sflag:$0x3] =	stream.linear.gather [hbm4b:s23+s3], $0x80, $0x38;
	[tilespmem:$0x1C200] =	vst v63  }
0x4c: {  	_ =	swait.ge [sflag:s13], $0x80  }
0x4d: {  	[sflag:s13] =	ssyncset.done $0x0  }
0x4e: {  	[sflag:s13] =	ssyncadd.s32 $0xFFFFFF80  }
0x4f: {  	_ =	swait.ge [sflag:s18], $0x4000  }
0x50: {  	[sflag:s18] =	ssyncset.done $0x0  }
0x51: {  	[sflag:s18] =	ssyncadd.s32 $0xFFFFC000  }
0x52: {  	[spmem:s2] =	stream.indirect.scatter.add.f32 [tilespmem:s16], [sflag:$0x2], $0x80, s14, s15, $0xb8;
	[tilespmem:$0x1C200] =	vst v63  }
0x53: {  	_ = 	snop  }
0x54: {  	[tilespmem:s19], [sflag:$0x1] =	stream.indirect.gather [hbm4b:s4+s15], $0x80, s15, s15, $0xb8;
	[tilespmem:$0x1C200] =	vst v63  }
0x55: {  	_ =	swait.ge [sflag:s18], $0x4000  }
0x56: {  	[sflag:s18] =	ssyncset.done $0x0  }
0x57: {  	[sflag:s18] =	ssyncadd.s32 $0xFFFFC000  }
0x58: {  	_ =	swait.ge [sflag:s20], $0x4000  }
.Ltmp2:
0x59: {  	[sflag:s20] =	ssyncset.done $0x0;
	(pc) =	sbr.rel @p1 .LBB2_4-.Ltmp2, $4  }
0x5a: {  	[sflag:s20] =	ssyncadd.s32 $0xFFFFC000  }
0x5b: {  	[spmem:s2] =	stream.indirect.scatter.add.f32 [tilespmem:s19], [sflag:$0x3], $0x80, s17, s15, $0xb8;
	[tilespmem:$0x1C200] =	vst v63  }
0x5c: {  	_ =	swait.ge [sflag:s13], $0x4000  }
0x5d: {  	s22 =	sadd.s32 $0x20, s22;
	[sflag:s13] =	ssyncset.done $0x0  }
.LBB2_5:
0x5e: {  	s24 =	sadd.s32 $0xFFFFFFF0, s22;
	[sflag:s13] =	ssyncadd.s32 @p0 $0xFFFFC000  }
0x5f: {  	[tilespmem:s3], [sflag:$0x3] =	stream.linear.gather [hbm4b:s24+s3], $0x80, $0x38;
	[tilespmem:$0x1C200] =	vst v63  }
0x60: {  	s23 =	sadd.s32 @p0 $0x20, s23;
	s24 =	smov.u32 s10;
	_ =	swait.ge [sflag:s13], $0x80  }
0x61: {  	s24 =	smov.u32 @p0 s23;
	[sflag:s13] =	ssyncset.done $0x0  }
0x62: {  	s23 =	sadd.s32 $0xFFFFFFF0, s24;
	[sflag:s13] =	ssyncadd.s32 $0xFFFFFF80  }
0x63: {  	[tilespmem:s14], [sflag:$0x3] =	stream.linear.gather [hbm4b:s23+s3], $0x80, $0x38;
	[tilespmem:$0x1C200] =	vst v63  }
0x64: {  	_ =	swait.ge [sflag:s13], $0x80  }
0x65: {  	[sflag:s13] =	ssyncset.done $0x0  }
0x66: {  	[sflag:s13] =	ssyncadd.s32 $0xFFFFFF80  }
0x67: {  	[tilespmem:s16], [sflag:$0x1] =	stream.indirect.gather [hbm4b:s4+s15], $0x80, s3, s15, $0xb8;
	[tilespmem:$0x1C200] =	vst v63  }
0x68: {  	_ = 	snop  }
0x69: {  	[tilespmem:s15], [sflag:$0x3] =	stream.linear.gather [hbm4b:s22+s3], $0x80, $0x38;
	[tilespmem:$0x1C200] =	vst v63  }
0x6a: {  	_ =	swait.ge [sflag:s13], $0x80  }
0x6b: {  	[sflag:s13] =	ssyncset.done $0x0  }
0x6c: {  	[sflag:s13] =	ssyncadd.s32 $0xFFFFFF80  }
0x6d: {  	[tilespmem:s17], [sflag:$0x3] =	stream.linear.gather [hbm4b:s24+s3], $0x80, $0x38;
	[tilespmem:$0x1C200] =	vst v63  }
0x6e: {  	_ =	swait.ge [sflag:s13], $0x80  }
0x6f: {  	[sflag:s13] =	ssyncset.done $0x0  }
0x70: {  	[sflag:s13] =	ssyncadd.s32 $0xFFFFFF80  }
0x71: {  	_ =	swait.ge [sflag:s18], $0x4000  }
0x72: {  	[sflag:s18] =	ssyncset.done $0x0  }
0x73: {  	[sflag:s18] =	ssyncadd.s32 $0xFFFFC000  }
0x74: {  	[spmem:s2] =	stream.indirect.scatter.add.f32 [tilespmem:s16], [sflag:$0x2], $0x80, s14, s15, $0xb8;
	[tilespmem:$0x1C200] =	vst v63  }
0x75: {  	_ = 	snop  }
0x76: {  	[tilespmem:s19], [sflag:$0x1] =	stream.indirect.gather [hbm4b:s4+s15], $0x80, s15, s15, $0xb8;
	[tilespmem:$0x1C200] =	vst v63  }
0x77: {  	_ =	swait.ge [sflag:s18], $0x4000  }
0x78: {  	[sflag:s18] =	ssyncset.done $0x0  }
0x79: {  	[sflag:s18] =	ssyncadd.s32 $0xFFFFC000  }
0x7a: {  	_ =	swait.ge [sflag:s20], $0x4000  }
0x7b: {  	[sflag:s20] =	ssyncset.done $0x0  }
0x7c: {  	[sflag:s20] =	ssyncadd.s32 $0xFFFFC000  }
0x7d: {  	[spmem:s2] =	stream.indirect.scatter.add.f32 [tilespmem:s19], [sflag:$0x3], $0x80, s17, s15, $0xb8;
	[tilespmem:$0x1C200] =	vst v63  }
0x7e: {  	_ =	swait.ge [sflag:s13], $0x4000  }
0x7f: {  	[sflag:s13] =	ssyncset.done $0x0  }
0x80: {  	s21 =	sadd.s32 $0x1, s21;
	[sflag:s13] =	ssyncadd.s32 $0xFFFFC000  }
0x81: {  	p0 =	sne.s32 s21, s8;
	[bflag:$0x0] =	sbarrier.arrive $0xFFFF  }
0x82: {  	[hbm:s9], [sflag:s6] =	dma.local [spmem:s12], $0x2800  }
.Ltmp3:
0x83: {  	_ = 	snop;
	(pc) =	sbr.rel @p0 .LBB2_1-.Ltmp3, $4  }
.Ltmp4:
0x84: {  	_ = 	snop;
	(pc) =	sbr.rel @!p0 .LBB2_6-.Ltmp4, $4  }
0x85: {  	_ =	swait.ge [sflag:s13], $0x2800  }
0x86: {  	[sflag:s13] =	ssyncset.done $0x0  }
0x87: {  	[sflag:s13] =	ssyncadd.s32 $0xFFFFD800  }
0x88: {  	_ = 	snop  }
.LBB2_3:
.Ltmp5:
0x89: {  	(pc) =	sbr.rel .LBB2_5-.Ltmp5, $2  }
0x8a: {  	_ =	sdelay $0x2  }
0x8b: {  	s23 =	smov.u32 s10  }
.LBB2_6:
0x8c: {  	_ =	sfence.sel $0x180000  }
0x8d: {  	[bflag:$0x0] =	sbarrier.arrive $0xFFFF  }
0x8e: {  	p0 =	sne.s32 s1, $0x0;
	_ =	strace $0x9000004D  }
0x8f: {  	s0 =	sadd.s32 @!p0 $0x100000, s0;
	[bflag:$0x2] =	sbarrier.arrive $0xFFFF  }
0x90: {  	[sflag:s0] =	ssyncadd.tile.s32 @!p0 $0x1;
	_ =	shalt  }
.Lfunc_end2:
_tile_overlayer_lowered:
.L_overlay_start_2:
0x91: {  	(tag) =	ssettag $0x2  }
0x92: {  	s0 =	rddreg [dreg:$0x0];
	s2 =	stileid.u32  }
0x93: {  	s1 =	rddreg [dreg:$0x1];
	p0 =	sne.s32 s2, $0x0  }
0x94: {  	s3 =	rddreg [dreg:$0x2];
	[bflag:$0x3] =	sbarrier.arrive $0xFFFF;
	s2 =	simm.s32 @!p0 $0x1C03  }
0x95: {  	[timem:s3], [sflag:s2] =	dma.local @!p0 [hbm:s0], s1  }
0x96: {  	s0 =	simm.s32 @!p0 $0x3  }
0x97: {  	_ =	swait.ge @!p0 [sflag:s0], s1  }
0x98: {  	s1 =	ssub.s32 @!p0 $0x0, s1;
	[sflag:s0] =	ssyncset.done @!p0 $0x0  }
0x99: {  	[sflag:s0] =	ssyncadd.s32 @!p0 s1  }
0x9a: {  	[bflag:$0x3] =	sbarrier.arrive $0xFFFF  }
0x9b: {  	_ =	shalt  }

// kernel: kernel.19.cloned.1.call-start
scs
__scs_entry_jumppad:
0x0: {  	(pc) =	sbr.rel $0x88, $3  }
0x1: {  	(tag) =	ssettag $0x0;
	lr =	simm.s32 $0x1  }
0x2: {  	[smem:$0x3F98] =	sst lr;
	_ =	strace $0xD0000000  }
0x3: {  	_ = 	snop  }
0x4: {  	_ = 	snop  }
0x5: {  	_ = 	snop  }
0x6: {  	_ = 	snop  }
0x7: {  	_ = 	snop  }
__scs_overlays_trampoline_lowered:
0x8: {  	[smem:$0x3FA7] =	sst s0  }
0x9: {  	[smem:$0x3FA8] =	sst s1  }
0xa: {  	[smem:$0x3FA9] =	sst s2  }
0xb: {  	[smem:$0x3FAA] =	sst s3  }
0xc: {  	[smem:$0x3FAB] =	sst s4  }
0xd: {  	[smem:$0x3FAC] =	sst s5  }
0xe: {  	[smem:$0x3FAD] =	sst s6  }
0xf: {  	[smem:$0x3FAE] =	sst s7  }
0x10: {  	[smem:$0x3FAF] =	sst s8  }
0x11: {  	[smem:$0x3FB0] =	sst s9;
	s0 =	simm.s32 @!p0 $0x0  }
0x12: {  	s1 =	sld [smem:$0x3F96];
	s0 =	simm.s32 @p0 $0x1  }
0x13: {  	[smem:$0x3FB1] =	sst s0;
	s0 =	simm.s32 @!p1 $0x0  }
0x14: {  	s2 =	sld [smem:$0x3F95];
	s0 =	simm.s32 @p1 $0x1  }
0x15: {  	[smem:$0x3FB2] =	sst s0;
	s0 =	simm.s32 @!p2 $0x0  }
0x16: {  	s3 =	sld [smem:$0x3FDB];
	s0 =	simm.s32 @p2 $0x1  }
0x17: {  	s4 =	simm.s32 $0x1BF5;
	[smem:$0x3FB4] =	sst s0  }
0x18: {  	s0 =	sld [smem:$0x3F97];
	_ =	swait.ge [sflag:s4], $0x0  }
0x19: {  	s7 =	sld [smem:$0x3F98]  }
0x1a: {  	s8 =	sadd.s32 $0xFFFFE003, lr  }
0x1b: {  	s9 =	sadd.s32 $0xFFFFFEF7, lr;
	s5 =	simm.s32 $0xFFFFFFFF;
	p2 =	slt.u32 s8, $0xFFFFF086  }
0x1c: {  	p1 =	slt.u32 s9, $0xF7A;
	s5 =	simm.s32 @!p2 $0x0  }
0x1d: {  	s5 =	simm.s32 @p1 $0x1;
	p0 =	seq.s32 s7, s2  }
0x1e: {  	s7 =	smul.u32 @!p0 $0xF7A, s2;
	p2 =	seq.s32 @!p0 s5, $0x0  }
0x1f: {  	s9 =	smul.u32 $0xF7A, s1;
	s8 =	simm.s32 @!p0 $0x1BF5;
	p2 =	por !p2, p0  }
0x20: {  	[sflag:s8] =	ssyncset.s32 @!p0 $0xFFFFF086;
	s6 =	sadd.s32 @!p0 s3, s7;
	s7 =	simm.s32 @!p0 $0x108  }
0x21: {  	s3 =	sadd.s32 s3, s9;
	s6 =	sadd.s32 @!p0 $0x88, s6;
	s7 =	simm.s32 @p2 $0x1082  }
0x22: {  	[simem:s7], [sflag:s8] =	dma.local @!p0 [hbm:s6], $0xF7A  }
0x23: {  	s9 =	sor.u32 $0xD0000000, s2;
	s6 =	simm.s32 $0x108;
	_ =	swait.ge @!p0 [sflag:s8], $0x0  }
0x24: {  	s3 =	sadd.s32 $0x88, s3;
	s6 =	simm.s32 @!p1 $0x1082;
	[sflag:s4] =	ssyncset.s32 $0xFFFFF086  }
0x25: {  	[simem:s6], [sflag:s4] =	dma.local [hbm:s3], $0xF7A  }
0x26: {  	[smem:$0x3F98] =	sst s1;
	(tag) =	ssettag s2;
	_ =	strace s9  }
0x27: {  	s1 =	sld [smem:$0x3FA8]  }
0x28: {  	s2 =	sld [smem:$0x3FA9]  }
0x29: {  	s4 =	sld [smem:$0x3FAB]  }
0x2a: {  	p0 =	seq.s32 s5, $0x0;
	s5 =	sld [smem:$0x3FAC]  }
0x2b: {  	s6 =	sld [smem:$0x3FAD]  }
0x2c: {  	s7 =	sld [smem:$0x3FAE]  }
0x2d: {  	s3 =	simm.s32 $0x108;
	s8 =	sld [smem:$0x3FAF]  }
0x2e: {  	s3 =	simm.s32 @!p0 $0x1082;
	s9 =	sld [smem:$0x3FB0]  }
0x2f: {  	lr =	sadd.s32 s0, s3;
	s0 =	sld [smem:$0x3FA7]  }
0x30: {  	s3 =	sld [smem:$0x3FAA]  }
0x31: {  	[smem:$0x3FB3] =	sst s10  }
0x32: {  	s10 =	sld [smem:$0x3FB1];
	_ =	sdelay $0x3  }
0x33: {  	p0 =	seq.s32 s10, $0x1;
	s10 =	sld [smem:$0x3FB3];
	_ =	sdelay $0x3  }
0x34: {  	[smem:$0x3FB3] =	sst s10  }
0x35: {  	s10 =	sld [smem:$0x3FB2];
	_ =	sdelay $0x3  }
0x36: {  	p1 =	seq.s32 s10, $0x1;
	s10 =	sld [smem:$0x3FB3];
	_ =	sdelay $0x3  }
0x37: {  	[smem:$0x3FB3] =	sst s10  }
0x38: {  	s10 =	sld [smem:$0x3FB4]  }
0x39: {  	_ = 	snop;
	(pc) =	sbr.ind lr, $3  }
0x3a: {  	_ = 	snop  }
0x3b: {  	_ = 	snop  }
0x3c: {  	p2 =	seq.s32 s10, $0x1;
	s10 =	sld [smem:$0x3FB3]  }
0x3d: {  	_ =	shalt  }
0x3e: {  	_ =	shalt  }
0x3f: {  	_ =	shalt  }
0x40: {  	_ =	shalt  }
0x41: {  	_ =	shalt  }
0x42: {  	_ =	shalt  }
0x43: {  	_ =	shalt  }
0x44: {  	_ =	shalt  }
0x45: {  	_ =	shalt  }
0x46: {  	_ =	shalt  }
0x47: {  	_ =	shalt  }
0x48: {  	_ =	shalt  }
0x49: {  	_ =	shalt  }
0x4a: {  	_ =	shalt  }
0x4b: {  	_ =	shalt  }
0x4c: {  	_ =	shalt  }
0x4d: {  	_ =	shalt  }
0x4e: {  	_ =	shalt  }
0x4f: {  	_ =	shalt  }
0x50: {  	_ =	shalt  }
0x51: {  	_ =	shalt  }
0x52: {  	_ =	shalt  }
0x53: {  	_ =	shalt  }
0x54: {  	_ =	shalt  }
0x55: {  	_ =	shalt  }
0x56: {  	_ =	shalt  }
0x57: {  	_ =	shalt  }
0x58: {  	_ =	shalt  }
0x59: {  	_ =	shalt  }
0x5a: {  	_ =	shalt  }
0x5b: {  	_ =	shalt  }
0x5c: {  	_ =	shalt  }
0x5d: {  	_ =	shalt  }
0x5e: {  	_ =	shalt  }
0x5f: {  	_ =	shalt  }
0x60: {  	_ =	shalt  }
0x61: {  	_ =	shalt  }
0x62: {  	_ =	shalt  }
0x63: {  	_ =	shalt  }
0x64: {  	_ =	shalt  }
0x65: {  	_ =	shalt  }
0x66: {  	_ =	shalt  }
0x67: {  	_ =	shalt  }
0x68: {  	_ =	shalt  }
0x69: {  	_ =	shalt  }
0x6a: {  	_ =	shalt  }
0x6b: {  	_ =	shalt  }
0x6c: {  	_ =	shalt  }
0x6d: {  	_ =	shalt  }
0x6e: {  	_ =	shalt  }
0x6f: {  	_ =	shalt  }
0x70: {  	_ =	shalt  }
0x71: {  	_ =	shalt  }
0x72: {  	_ =	shalt  }
0x73: {  	_ =	shalt  }
0x74: {  	_ =	shalt  }
0x75: {  	_ =	shalt  }
0x76: {  	_ =	shalt  }
0x77: {  	_ =	shalt  }
0x78: {  	_ =	shalt  }
0x79: {  	_ =	shalt  }
0x7a: {  	_ =	shalt  }
0x7b: {  	_ =	shalt  }
0x7c: {  	_ =	shalt  }
0x7d: {  	_ =	shalt  }
0x7e: {  	_ =	shalt  }
0x7f: {  	_ =	shalt  }
0x80: {  	_ =	shalt  }
0x81: {  	_ =	shalt  }
0x82: {  	_ =	shalt  }
0x83: {  	_ =	shalt  }
0x84: {  	_ =	shalt  }
0x85: {  	_ =	shalt  }
0x86: {  	_ =	shalt  }
0x87: {  	_ =	shalt  }
.Lfunc_end0:
.L_simem_size_0:
called_computation.3_lowered:
.L_overlay_start_0:
0x88: {  	s2 =	sld [smem:$0x3FD9]  }
0x89: {  	s3 =	sld [smem:$0x3FFE];
	_ =	sdelay $0x1  }
0x8a: {  	s1 =	srdreg.scid  }
0x8b: {  	s0 =	sand.u32 $0x1, s1  }
0x8c: {  	s16 =	sshll.u32 s0, $0xA;
	s2 =	sadd.s32 s3, s2  }
0x8d: {  	s2 =	sadd.s32 s2, s16  }
0x8e: {  	[smem:$0x3FBF] =	sst s2  }
0x8f: {  	_ = 	snop  }
0x90: {  	(tm) =	ssettm $0x1  }
0x91: {  	s17 =	sld [smem:$0x3FFB];
	_ =	sdelay $0x3  }
0x92: {  	_ =	strace s17  }
0x93: {  	s2 =	sld [smem:$0x3FFC];
	_ =	sdelay $0x3  }
0x94: {  	_ =	strace s2  }
0x95: {  	s2 =	sld [smem:$0x3FFD];
	_ =	sdelay $0x3  }
0x96: {  	_ =	strace s2  }
0x97: {  	_ =	strace $0x8FFFFFFF  }
0x98: {  	s18 =	sld [smem:$0x3FDB];
	_ =	sdelay $0x1  }
0x99: {  	s19 =	simm.s32 $_scs_section_size  }
0x9a: {  	s4 =	simm.s32 $_size__tile_overlayer_lowered;
	s5 =	simm.s32 $_tile_overlayer_lowered  }
0x9b: {  	s22 =	simm.s32 $0x1BFF;
	s21 =	sshll.u32 s5, $0x1;
	s2 =	sadd.s32 s19, s18  }
0x9c: {  	s6 =	simm.s32 $0x0;
	s20 =	sshll.u32 s4, $0x1;
	s4 =	sadd.s32 s21, s2  }
0x9d: {  	[timem:s6], [sflag:s22] =	dma.local [hbm:s4], s20  }
0x9e: {  	_ =	swait.ge [sflag:s22], s20  }
0x9f: {  	s3 =	ssub.s32 $0x0, s20;
	[sflag:s22] =	ssyncset.done $0x0  }
0xa0: {  	[sflag:s22] =	ssyncadd.s32 s3;
	_ =	sdelay $0x1  }
0xa1: {  	s23 =	simm.s32 $0x1B8B  }
0xa2: {  	_ =	swait.ge [sflag:s23], $0x1  }
0xa3: {  	[sflag:s23] =	ssyncset.done $0x0  }
0xa4: {  	s25 =	simm.s32 $0x1B8E;
	s24 =	sld [smem:$0x3FFE];
	[sflag:s23] =	ssyncadd.s32 $0xFFFFFFFF  }
0xa5: {  	s26 =	simm.s32 $execute0_lowered;
	[smem:$0x3FD2] =	sst s25  }
0xa6: {  	s4 =	sshll.u32 s26, $0x1;
	_ =	strace $0x8000004F;
	[dreg:$0x1] =	wrdreg $0xFFFFFFFF  }
0xa7: {  	s28 =	simm.s32 $_size_execute0_lowered;
	s2 =	sadd.s32 s2, s4;
	[dreg:$0x0] =	wrdreg $0x0  }
0xa8: {  	s4 =	sshll.u32 s28, $0x1;
	[dreg:$0x2] =	wrdreg s2  }
0xa9: {  	[dreg:$0x3] =	wrdreg s4  }
0xaa: {  	[dreg:$0x4] =	wrdreg $0xC0  }
0xab: {  	_ =	task [dreg:s6], $0x5FFFF  }
0xac: {  	[dreg:$0x1] =	wrdreg $0xFFFFFFFF  }
0xad: {  	[dreg:$0x0] =	wrdreg $0x60  }
0xae: {  	[dreg:$0x2] =	wrdreg s24  }
0xaf: {  	[dreg:$0x3] =	wrdreg $0x82000  }
0xb0: {  	[dreg:$0x4] =	wrdreg $0x9  }
0xb1: {  	_ =	task.clear_ibuf [dreg:s6], $0x5FFFF;
	_ =	strace $0x9000004F  }
0xb2: {  	s29 =	simm.s32 $0x9;
	_ =	strace $0x80000051  }
0xb3: {  	_ =	swait.ge [sflag:s29], $0x1  }
0xb4: {  	[sflag:s29] =	ssyncadd.s32 $0xFFFFFFFF  }
0xb5: {  	_ =	strace $0x90000051  }
0xb6: {  	_ =	sfence  }
0xb7: {  	s30 =	sld [smem:$0x0];
	_ =	sdelay $0x2  }
0xb8: {  	s31 =	sshll.u32 s1, $0xD;
	s1 =	sshrl.u32 s1, $0x2  }
0xb9: {  	s3 =	sand.u32 $0x4000, s31;
	s1 =	sadd.s32 s1, s30  }
0xba: {  	s0 =	sor.u32 s3, s0;
	s1 =	sshll.u32 s1, $0x11  }
0xbb: {  	s0 =	sor.u32 s1, s0  }
0xbc: {  	s0 =	sadd.s32 $0x8F2B, s0  }
0xbd: {  	[sflag:s0] =	ssyncadd.remote.s32 $0x1  }
0xbe: {  	_ =	sfence.sel $0xFFFF  }
0xbf: {  	[dreg:$0x0] =	wrdreg $0xFFFFFFFF;
	(pc) =	sbr.abs _section_cstart, $3  }
0xc0: {  	[dreg:$0x1] =	wrdreg $0xFFFFFFFF  }
0xc1: {  	_ =	task.clear_ibuf [dreg:s6], $0x2FFFF;
	_ =	strace $0x9FFFFFFF  }
0xc2: {  	(tm) =	ssettm $0x7FFFFFFF  }
0xc3: {  	_ =	shalt  }
tec
execute0_lowered:
.L_overlay_start_1:
0x0: {  	(tag) =	ssettag $0x1  }
0x1: {  	s5 =	rddreg [dreg:$0x0]  }
0x2: {  	s2 =	rddreg [dreg:$0x1]  }
0x3: {  	s0 =	rddreg [dreg:$0x2]  }
0x4: {  	s1 =	stileid.u32;
	s4 =	srdreg.scid  }
0x5: {  	s3 =	simm.s32 $0x0;
	s15 =	simm.s32 $0x80;
	s16 =	simm.s32 $0x200  }
0x6: {  	s17 =	simm.s32 $0x180;
	s18 =	simm.s32 $0x1;
	s6 =	smul.u32 $0x34, s1  }
0x7: {  	s19 =	simm.s32 $0x4200;
	s7 =	sand.u32 $0x1, s4;
	s4 =	smul.u32 $0x6A, s1  }
0x8: {  	s20 =	simm.s32 $0x2;
	s21 =	simm.s32 $0x0;
	s9 =	smul.u32 $0x2800, s1  }
0x9: {  	[smem:$0x7FF] =	sst s3;
	s29 =	smul.u32 $0x50000, s1;
	s10 =	sadd.s32 $0x4A00, s5  }
0xa: {  	s13 =	sadd.s32 $0xCB800, s5;
	s31 =	sshll.u32 s1, $0x6;
	p0 =	seq.s32 s7, $0x0  }
0xb: {  	_ =	strace $0x80000050;
	s28 =	ssub.s32 $0x2, s7;
	s7 =	simm.s32 $0x35  }
0xc: {  	s6 =	sadd.s32 $0x6A0, s6;
	s8 =	sadd.s32 s9, s5;
	s12 =	sshrl.u32 s28, $0x1  }
0xd: {  	s30 =	sshrl.u32 s29, $0x2;
	s13 =	smov.u32 @p0 s10;
	s7 =	simm.s32 @!p0 $0x1A  }
0xe: {  	s6 =	smov.u32 @p0 s4;
	s4 =	sadd.s32 $0x71A00, s5;
	s12 =	ssub.s32 s28, s12  }
0xf: {  	s14 =	sadd.s32 s30, s2;
	s9 =	sadd.s32 s13, s9;
	s6 =	sshll.u32 s6, $0x4  }
0x10: {  	s13 =	simm.s32 $0x3;
	s11 =	sadd.s32 s6, s5;
	s5 =	sadd.s32 $0x49A00, s8  }
0x11: {  	s6 =	sor.u32 $0x1C03, s31;
	s8 =	smax.u32 s12, $0x1;
	s12 =	sshrl.u32 s14, $0x3  }
0x12: {  	s14 =	simm.s32 $0x100;
	s10 =	sadd.s32 $0x3FC10, s11;
	s11 =	sadd.s32 $0xC1A10, s11  }
.LBB2_1:
0x13: {  	[spmem:s12], [sflag:s6] =	dma.local [hbm:s5], $0x2800  }
0x14: {  	p1 =	sne.s32 s7, $0x1  }
.Ltmp0:
0x15: {  	_ =	swait.ge [sflag:s13], $0x2800;
	(pc) =	sbr.rel @!p1 .LBB2_5-.Ltmp0, $4  }
0x16: {  	[sflag:s13] =	ssyncset.done $0x0  }
0x17: {  	[sflag:s13] =	ssyncadd.s32 $0xFFFFD800  }
0x18: {  	s24 =	sadd.s32 $0xFFFFFFFF, s7;
	[bflag:$0x0] =	sbarrier.arrive $0xFFFF  }
0x19: {  	p0 =	por $0x0, $0x0;
	s22 =	smov.u32 s11;
	s23 =	smov.u32 s10  }
0x1a: {  	s22 =	sadd.s32 $0xFFFFFFF0, s11  }
0x1b: {  	[tilespmem:s3], [sflag:$0x3] =	stream.linear.gather [hbm4b:s22+s3], $0x80, $0x38;
	[tilespmem:$0x1C200] =	vst v63  }
0x1c: {  	_ =	swait.ge [sflag:s13], $0x80  }
0x1d: {  	[sflag:s13] =	ssyncset.done $0x0  }
0x1e: {  	s31 =	sadd.s32 $0xFFFFFFF0, s10;
	[sflag:s13] =	ssyncadd.s32 $0xFFFFFF80  }
0x1f: {  	[tilespmem:s14], [sflag:$0x3] =	stream.linear.gather [hbm4b:s31+s3], $0x80, $0x38;
	[tilespmem:$0x1C200] =	vst v63  }
0x20: {  	_ =	swait.ge [sflag:s13], $0x80  }
0x21: {  	[sflag:s13] =	ssyncset.done $0x0  }
0x22: {  	[sflag:s13] =	ssyncadd.s32 $0xFFFFFF80  }
0x23: {  	[tilespmem:s16], [sflag:$0x1] =	stream.indirect.gather [hbm4b:s4+s15], $0x80, s3, s15, $0xb8;
	[tilespmem:$0x1C200] =	vst v63  }
0x24: {  	_ = 	snop  }
0x25: {  	[tilespmem:s15], [sflag:$0x3] =	stream.linear.gather [hbm4b:s11+s3], $0x80, $0x38;
	[tilespmem:$0x1C200] =	vst v63  }
0x26: {  	_ =	swait.ge [sflag:s13], $0x80  }
0x27: {  	[sflag:s13] =	ssyncset.done $0x0  }
0x28: {  	[sflag:s13] =	ssyncadd.s32 $0xFFFFFF80  }
0x29: {  	[tilespmem:s17], [sflag:$0x3] =	stream.linear.gather [hbm4b:s10+s3], $0x80, $0x38;
	[tilespmem:$0x1C200] =	vst v63  }
0x2a: {  	_ =	swait.ge [sflag:s13], $0x80  }
0x2b: {  	[sflag:s13] =	ssyncset.done $0x0  }
0x2c: {  	[sflag:s13] =	ssyncadd.s32 $0xFFFFFF80  }
0x2d: {  	_ =	swait.ge [sflag:s18], $0x4000  }
0x2e: {  	[sflag:s18] =	ssyncset.done $0x0  }
0x2f: {  	[sflag:s18] =	ssyncadd.s32 $0xFFFFC000  }
0x30: {  	[spmem:s2] =	stream.indirect.scatter.add.f32 [tilespmem:s16], [sflag:$0x2], $0x80, s14, s15, $0xb8;
	[tilespmem:$0x1C200] =	vst v63  }
0x31: {  	_ = 	snop  }
0x32: {  	[tilespmem:s19], [sflag:$0x1] =	stream.indirect.gather [hbm4b:s4+s15], $0x80, s15, s15, $0xb8;
	[tilespmem:$0x1C200] =	vst v63  }
0x33: {  	_ =	swait.ge [sflag:s18], $0x4000  }
0x34: {  	[sflag:s18] =	ssyncset.done $0x0  }
0x35: {  	[sflag:s18] =	ssyncadd.s32 $0xFFFFC000  }
0x36: {  	p1 =	sne.s32 s24, $0x1;
	_ =	swait.ge [sflag:s20], $0x4000  }
.Ltmp1:
0x37: {  	[sflag:s20] =	ssyncset.done $0x0;
	(pc) =	sbr.rel @!p1 .LBB2_3-.Ltmp1, $4  }
0x38: {  	[sflag:s20] =	ssyncadd.s32 $0xFFFFC000  }
0x39: {  	[spmem:s2] =	stream.indirect.scatter.add.f32 [tilespmem:s19], [sflag:$0x3], $0x80, s17, s15, $0xb8;
	[tilespmem:$0x1C200] =	vst v63  }
0x3a: {  	s24 =	sadd.s32 $0xFFFFFFFF, s24;
	p0 =	por $0x1, $0x1;
	_ =	swait.ge [sflag:s13], $0x4000  }
0x3b: {  	s23 =	smov.u32 s10;
	s22 =	sadd.s32 $0x20, s11;
	[sflag:s13] =	ssyncset.done $0x0  }
.LBB2_4:
0x3c: {  	s25 =	sadd.s32 $0xFFFFFFF0, s22;
	[sflag:s13] =	ssyncadd.s32 $0xFFFFC000;
	s23 =	sadd.s32 $0x20, s23  }
0x3d: {  	[tilespmem:s3], [sflag:$0x3] =	stream.linear.gather [hbm4b:s25+s3], $0x80, $0x38;
	[tilespmem:$0x1C200] =	vst v63  }
0x3e: {  	p1 =	sne.s32 s24, $0x1;
	s24 =	sadd.s32 $0xFFFFFFFF, s24;
	_ =	swait.ge [sflag:s13], $0x80  }
0x3f: {  	[sflag:s13] =	ssyncset.done $0x0  }
0x40: {  	s25 =	sadd.s32 $0xFFFFFFF0, s23;
	[sflag:s13] =	ssyncadd.s32 $0xFFFFFF80  }
0x41: {  	[tilespmem:s14], [sflag:$0x3] =	stream.linear.gather [hbm4b:s25+s3], $0x80, $0x38;
	[tilespmem:$0x1C200] =	vst v63  }
0x42: {  	_ =	swait.ge [sflag:s13], $0x80  }
0x43: {  	[sflag:s13] =	ssyncset.done $0x0  }
0x44: {  	[sflag:s13] =	ssyncadd.s32 $0xFFFFFF80  }
0x45: {  	[tilespmem:s16], [sflag:$0x1] =	stream.indirect.gather [hbm4b:s4+s15], $0x80, s3, s15, $0xb8;
	[tilespmem:$0x1C200] =	vst v63  }
0x46: {  	_ = 	snop  }
0x47: {  	[tilespmem:s15], [sflag:$0x3] =	stream.linear.gather [hbm4b:s22+s3], $0x80, $0x38;
	[tilespmem:$0x1C200] =	vst v63  }
0x48: {  	_ =	swait.ge [sflag:s13], $0x80  }
0x49: {  	[sflag:s13] =	ssyncset.done $0x0  }
0x4a: {  	[sflag:s13] =	ssyncadd.s32 $0xFFFFFF80  }
0x4b: {  	[tilespmem:s17], [sflag:$0x3] =	stream.linear.gather [hbm4b:s23+s3], $0x80, $0x38;
	[tilespmem:$0x1C200] =	vst v63  }
0x4c: {  	_ =	swait.ge [sflag:s13], $0x80  }
0x4d: {  	[sflag:s13] =	ssyncset.done $0x0  }
0x4e: {  	[sflag:s13] =	ssyncadd.s32 $0xFFFFFF80  }
0x4f: {  	_ =	swait.ge [sflag:s18], $0x4000  }
0x50: {  	[sflag:s18] =	ssyncset.done $0x0  }
0x51: {  	[sflag:s18] =	ssyncadd.s32 $0xFFFFC000  }
0x52: {  	[spmem:s2] =	stream.indirect.scatter.add.f32 [tilespmem:s16], [sflag:$0x2], $0x80, s14, s15, $0xb8;
	[tilespmem:$0x1C200] =	vst v63  }
0x53: {  	_ = 	snop  }
0x54: {  	[tilespmem:s19], [sflag:$0x1] =	stream.indirect.gather [hbm4b:s4+s15], $0x80, s15, s15, $0xb8;
	[tilespmem:$0x1C200] =	vst v63  }
0x55: {  	_ =	swait.ge [sflag:s18], $0x4000  }
0x56: {  	[sflag:s18] =	ssyncset.done $0x0  }
0x57: {  	[sflag:s18] =	ssyncadd.s32 $0xFFFFC000  }
0x58: {  	_ =	swait.ge [sflag:s20], $0x4000  }
.Ltmp2:
0x59: {  	[sflag:s20] =	ssyncset.done $0x0;
	(pc) =	sbr.rel @p1 .LBB2_4-.Ltmp2, $4  }
0x5a: {  	[sflag:s20] =	ssyncadd.s32 $0xFFFFC000  }
0x5b: {  	[spmem:s2] =	stream.indirect.scatter.add.f32 [tilespmem:s19], [sflag:$0x3], $0x80, s17, s15, $0xb8;
	[tilespmem:$0x1C200] =	vst v63  }
0x5c: {  	_ =	swait.ge [sflag:s13], $0x4000  }
0x5d: {  	s22 =	sadd.s32 $0x20, s22;
	[sflag:s13] =	ssyncset.done $0x0  }
.LBB2_5:
0x5e: {  	s24 =	sadd.s32 $0xFFFFFFF0, s22;
	[sflag:s13] =	ssyncadd.s32 @p0 $0xFFFFC000  }
0x5f: {  	[tilespmem:s3], [sflag:$0x3] =	stream.linear.gather [hbm4b:s24+s3], $0x80, $0x38;
	[tilespmem:$0x1C200] =	vst v63  }
0x60: {  	s23 =	sadd.s32 @p0 $0x20, s23;
	s24 =	smov.u32 s10;
	_ =	swait.ge [sflag:s13], $0x80  }
0x61: {  	s24 =	smov.u32 @p0 s23;
	[sflag:s13] =	ssyncset.done $0x0  }
0x62: {  	s23 =	sadd.s32 $0xFFFFFFF0, s24;
	[sflag:s13] =	ssyncadd.s32 $0xFFFFFF80  }
0x63: {  	[tilespmem:s14], [sflag:$0x3] =	stream.linear.gather [hbm4b:s23+s3], $0x80, $0x38;
	[tilespmem:$0x1C200] =	vst v63  }
0x64: {  	_ =	swait.ge [sflag:s13], $0x80  }
0x65: {  	[sflag:s13] =	ssyncset.done $0x0  }
0x66: {  	[sflag:s13] =	ssyncadd.s32 $0xFFFFFF80  }
0x67: {  	[tilespmem:s16], [sflag:$0x1] =	stream.indirect.gather [hbm4b:s4+s15], $0x80, s3, s15, $0xb8;
	[tilespmem:$0x1C200] =	vst v63  }
0x68: {  	_ = 	snop  }
0x69: {  	[tilespmem:s15], [sflag:$0x3] =	stream.linear.gather [hbm4b:s22+s3], $0x80, $0x38;
	[tilespmem:$0x1C200] =	vst v63  }
0x6a: {  	_ =	swait.ge [sflag:s13], $0x80  }
0x6b: {  	[sflag:s13] =	ssyncset.done $0x0  }
0x6c: {  	[sflag:s13] =	ssyncadd.s32 $0xFFFFFF80  }
0x6d: {  	[tilespmem:s17], [sflag:$0x3] =	stream.linear.gather [hbm4b:s24+s3], $0x80, $0x38;
	[tilespmem:$0x1C200] =	vst v63  }
0x6e: {  	_ =	swait.ge [sflag:s13], $0x80  }
0x6f: {  	[sflag:s13] =	ssyncset.done $0x0  }
0x70: {  	[sflag:s13] =	ssyncadd.s32 $0xFFFFFF80  }
0x71: {  	_ =	swait.ge [sflag:s18], $0x4000  }
0x72: {  	[sflag:s18] =	ssyncset.done $0x0  }
0x73: {  	[sflag:s18] =	ssyncadd.s32 $0xFFFFC000  }
0x74: {  	[spmem:s2] =	stream.indirect.scatter.add.f32 [tilespmem:s16], [sflag:$0x2], $0x80, s14, s15, $0xb8;
	[tilespmem:$0x1C200] =	vst v63  }
0x75: {  	_ = 	snop  }
0x76: {  	[tilespmem:s19], [sflag:$0x1] =	stream.indirect.gather [hbm4b:s4+s15], $0x80, s15, s15, $0xb8;
	[tilespmem:$0x1C200] =	vst v63  }
0x77: {  	_ =	swait.ge [sflag:s18], $0x4000  }
0x78: {  	[sflag:s18] =	ssyncset.done $0x0  }
0x79: {  	[sflag:s18] =	ssyncadd.s32 $0xFFFFC000  }
0x7a: {  	_ =	swait.ge [sflag:s20], $0x4000  }
0x7b: {  	[sflag:s20] =	ssyncset.done $0x0  }
0x7c: {  	[sflag:s20] =	ssyncadd.s32 $0xFFFFC000  }
0x7d: {  	[spmem:s2] =	stream.indirect.scatter.add.f32 [tilespmem:s19], [sflag:$0x3], $0x80, s17, s15, $0xb8;
	[tilespmem:$0x1C200] =	vst v63  }
0x7e: {  	_ =	swait.ge [sflag:s13], $0x4000  }
0x7f: {  	[sflag:s13] =	ssyncset.done $0x0  }
0x80: {  	s21 =	sadd.s32 $0x1, s21;
	[sflag:s13] =	ssyncadd.s32 $0xFFFFC000  }
0x81: {  	p0 =	sne.s32 s21, s8;
	[bflag:$0x0] =	sbarrier.arrive $0xFFFF  }
0x82: {  	[hbm:s9], [sflag:s6] =	dma.local [spmem:s12], $0x2800  }
.Ltmp3:
0x83: {  	_ = 	snop;
	(pc) =	sbr.rel @p0 .LBB2_1-.Ltmp3, $4  }
.Ltmp4:
0x84: {  	_ = 	snop;
	(pc) =	sbr.rel @!p0 .LBB2_6-.Ltmp4, $4  }
0x85: {  	_ =	swait.ge [sflag:s13], $0x2800  }
0x86: {  	[sflag:s13] =	ssyncset.done $0x0  }
0x87: {  	[sflag:s13] =	ssyncadd.s32 $0xFFFFD800  }
0x88: {  	_ = 	snop  }
.LBB2_3:
.Ltmp5:
0x89: {  	(pc) =	sbr.rel .LBB2_5-.Ltmp5, $2  }
0x8a: {  	_ =	sdelay $0x2  }
0x8b: {  	s23 =	smov.u32 s10  }
.LBB2_6:
0x8c: {  	_ =	sfence.sel $0x180000  }
0x8d: {  	[bflag:$0x0] =	sbarrier.arrive $0xFFFF  }
0x8e: {  	p0 =	sne.s32 s1, $0x0;
	_ =	strace $0x90000050  }
0x8f: {  	s0 =	sadd.s32 @!p0 $0x100000, s0;
	[bflag:$0x2] =	sbarrier.arrive $0xFFFF  }
0x90: {  	[sflag:s0] =	ssyncadd.tile.s32 @!p0 $0x1;
	_ =	shalt  }
.Lfunc_end2:
_tile_overlayer_lowered:
.L_overlay_start_2:
0x91: {  	(tag) =	ssettag $0x2  }
0x92: {  	s0 =	rddreg [dreg:$0x0];
	s2 =	stileid.u32  }
0x93: {  	s1 =	rddreg [dreg:$0x1];
	p0 =	sne.s32 s2, $0x0  }
0x94: {  	s3 =	rddreg [dreg:$0x2];
	[bflag:$0x3] =	sbarrier.arrive $0xFFFF;
	s2 =	simm.s32 @!p0 $0x1C03  }
0x95: {  	[timem:s3], [sflag:s2] =	dma.local @!p0 [hbm:s0], s1  }
0x96: {  	s0 =	simm.s32 @!p0 $0x3  }
0x97: {  	_ =	swait.ge @!p0 [sflag:s0], s1  }
0x98: {  	s1 =	ssub.s32 @!p0 $0x0, s1;
	[sflag:s0] =	ssyncset.done @!p0 $0x0  }
0x99: {  	[sflag:s0] =	ssyncadd.s32 @!p0 s1  }
0x9a: {  	[bflag:$0x3] =	sbarrier.arrive $0xFFFF  }
0x9b: {  	_ =	shalt  }

// kernel: kernel.22.cloned.1.call-start
scs
__scs_entry_jumppad:
0x0: {  	(pc) =	sbr.rel $0x88, $3  }
0x1: {  	(tag) =	ssettag $0x0;
	lr =	simm.s32 $0x1  }
0x2: {  	[smem:$0x3F98] =	sst lr;
	_ =	strace $0xD0000000  }
0x3: {  	_ = 	snop  }
0x4: {  	_ = 	snop  }
0x5: {  	_ = 	snop  }
0x6: {  	_ = 	snop  }
0x7: {  	_ = 	snop  }
__scs_overlays_trampoline_lowered:
0x8: {  	[smem:$0x3FA7] =	sst s0  }
0x9: {  	[smem:$0x3FA8] =	sst s1  }
0xa: {  	[smem:$0x3FA9] =	sst s2  }
0xb: {  	[smem:$0x3FAA] =	sst s3  }
0xc: {  	[smem:$0x3FAB] =	sst s4  }
0xd: {  	[smem:$0x3FAC] =	sst s5  }
0xe: {  	[smem:$0x3FAD] =	sst s6  }
0xf: {  	[smem:$0x3FAE] =	sst s7  }
0x10: {  	[smem:$0x3FAF] =	sst s8  }
0x11: {  	[smem:$0x3FB0] =	sst s9;
	s0 =	simm.s32 @!p0 $0x0  }
0x12: {  	s1 =	sld [smem:$0x3F96];
	s0 =	simm.s32 @p0 $0x1  }
0x13: {  	[smem:$0x3FB1] =	sst s0;
	s0 =	simm.s32 @!p1 $0x0  }
0x14: {  	s2 =	sld [smem:$0x3F95];
	s0 =	simm.s32 @p1 $0x1  }
0x15: {  	[smem:$0x3FB2] =	sst s0;
	s0 =	simm.s32 @!p2 $0x0  }
0x16: {  	s3 =	sld [smem:$0x3FDB];
	s0 =	simm.s32 @p2 $0x1  }
0x17: {  	s4 =	simm.s32 $0x1BF5;
	[smem:$0x3FB4] =	sst s0  }
0x18: {  	s0 =	sld [smem:$0x3F97];
	_ =	swait.ge [sflag:s4], $0x0  }
0x19: {  	s7 =	sld [smem:$0x3F98]  }
0x1a: {  	s8 =	sadd.s32 $0xFFFFE003, lr  }
0x1b: {  	s9 =	sadd.s32 $0xFFFFFEF7, lr;
	s5 =	simm.s32 $0xFFFFFFFF;
	p2 =	slt.u32 s8, $0xFFFFF086  }
0x1c: {  	p1 =	slt.u32 s9, $0xF7A;
	s5 =	simm.s32 @!p2 $0x0  }
0x1d: {  	s5 =	simm.s32 @p1 $0x1;
	p0 =	seq.s32 s7, s2  }
0x1e: {  	s7 =	smul.u32 @!p0 $0xF7A, s2;
	p2 =	seq.s32 @!p0 s5, $0x0  }
0x1f: {  	s9 =	smul.u32 $0xF7A, s1;
	s8 =	simm.s32 @!p0 $0x1BF5;
	p2 =	por !p2, p0  }
0x20: {  	[sflag:s8] =	ssyncset.s32 @!p0 $0xFFFFF086;
	s6 =	sadd.s32 @!p0 s3, s7;
	s7 =	simm.s32 @!p0 $0x108  }
0x21: {  	s3 =	sadd.s32 s3, s9;
	s6 =	sadd.s32 @!p0 $0x88, s6;
	s7 =	simm.s32 @p2 $0x1082  }
0x22: {  	[simem:s7], [sflag:s8] =	dma.local @!p0 [hbm:s6], $0xF7A  }
0x23: {  	s9 =	sor.u32 $0xD0000000, s2;
	s6 =	simm.s32 $0x108;
	_ =	swait.ge @!p0 [sflag:s8], $0x0  }
0x24: {  	s3 =	sadd.s32 $0x88, s3;
	s6 =	simm.s32 @!p1 $0x1082;
	[sflag:s4] =	ssyncset.s32 $0xFFFFF086  }
0x25: {  	[simem:s6], [sflag:s4] =	dma.local [hbm:s3], $0xF7A  }
0x26: {  	[smem:$0x3F98] =	sst s1;
	(tag) =	ssettag s2;
	_ =	strace s9  }
0x27: {  	s1 =	sld [smem:$0x3FA8]  }
0x28: {  	s2 =	sld [smem:$0x3FA9]  }
0x29: {  	s4 =	sld [smem:$0x3FAB]  }
0x2a: {  	p0 =	seq.s32 s5, $0x0;
	s5 =	sld [smem:$0x3FAC]  }
0x2b: {  	s6 =	sld [smem:$0x3FAD]  }
0x2c: {  	s7 =	sld [smem:$0x3FAE]  }
0x2d: {  	s3 =	simm.s32 $0x108;
	s8 =	sld [smem:$0x3FAF]  }
0x2e: {  	s3 =	simm.s32 @!p0 $0x1082;
	s9 =	sld [smem:$0x3FB0]  }
0x2f: {  	lr =	sadd.s32 s0, s3;
	s0 =	sld [smem:$0x3FA7]  }
0x30: {  	s3 =	sld [smem:$0x3FAA]  }
0x31: {  	[smem:$0x3FB3] =	sst s10  }
0x32: {  	s10 =	sld [smem:$0x3FB1];
	_ =	sdelay $0x3  }
0x33: {  	p0 =	seq.s32 s10, $0x1;
	s10 =	sld [smem:$0x3FB3];
	_ =	sdelay $0x3  }
0x34: {  	[smem:$0x3FB3] =	sst s10  }
0x35: {  	s10 =	sld [smem:$0x3FB2];
	_ =	sdelay $0x3  }
0x36: {  	p1 =	seq.s32 s10, $0x1;
	s10 =	sld [smem:$0x3FB3];
	_ =	sdelay $0x3  }
0x37: {  	[smem:$0x3FB3] =	sst s10  }
0x38: {  	s10 =	sld [smem:$0x3FB4]  }
0x39: {  	_ = 	snop;
	(pc) =	sbr.ind lr, $3  }
0x3a: {  	_ = 	snop  }
0x3b: {  	_ = 	snop  }
0x3c: {  	p2 =	seq.s32 s10, $0x1;
	s10 =	sld [smem:$0x3FB3]  }
0x3d: {  	_ =	shalt  }
0x3e: {  	_ =	shalt  }
0x3f: {  	_ =	shalt  }
0x40: {  	_ =	shalt  }
0x41: {  	_ =	shalt  }
0x42: {  	_ =	shalt  }
0x43: {  	_ =	shalt  }
0x44: {  	_ =	shalt  }
0x45: {  	_ =	shalt  }
0x46: {  	_ =	shalt  }
0x47: {  	_ =	shalt  }
0x48: {  	_ =	shalt  }
0x49: {  	_ =	shalt  }
0x4a: {  	_ =	shalt  }
0x4b: {  	_ =	shalt  }
0x4c: {  	_ =	shalt  }
0x4d: {  	_ =	shalt  }
0x4e: {  	_ =	shalt  }
0x4f: {  	_ =	shalt  }
0x50: {  	_ =	shalt  }
0x51: {  	_ =	shalt  }
0x52: {  	_ =	shalt  }
0x53: {  	_ =	shalt  }
0x54: {  	_ =	shalt  }
0x55: {  	_ =	shalt  }
0x56: {  	_ =	shalt  }
0x57: {  	_ =	shalt  }
0x58: {  	_ =	shalt  }
0x59: {  	_ =	shalt  }
0x5a: {  	_ =	shalt  }
0x5b: {  	_ =	shalt  }
0x5c: {  	_ =	shalt  }
0x5d: {  	_ =	shalt  }
0x5e: {  	_ =	shalt  }
0x5f: {  	_ =	shalt  }
0x60: {  	_ =	shalt  }
0x61: {  	_ =	shalt  }
0x62: {  	_ =	shalt  }
0x63: {  	_ =	shalt  }
0x64: {  	_ =	shalt  }
0x65: {  	_ =	shalt  }
0x66: {  	_ =	shalt  }
0x67: {  	_ =	shalt  }
0x68: {  	_ =	shalt  }
0x69: {  	_ =	shalt  }
0x6a: {  	_ =	shalt  }
0x6b: {  	_ =	shalt  }
0x6c: {  	_ =	shalt  }
0x6d: {  	_ =	shalt  }
0x6e: {  	_ =	shalt  }
0x6f: {  	_ =	shalt  }
0x70: {  	_ =	shalt  }
0x71: {  	_ =	shalt  }
0x72: {  	_ =	shalt  }
0x73: {  	_ =	shalt  }
0x74: {  	_ =	shalt  }
0x75: {  	_ =	shalt  }
0x76: {  	_ =	shalt  }
0x77: {  	_ =	shalt  }
0x78: {  	_ =	shalt  }
0x79: {  	_ =	shalt  }
0x7a: {  	_ =	shalt  }
0x7b: {  	_ =	shalt  }
0x7c: {  	_ =	shalt  }
0x7d: {  	_ =	shalt  }
0x7e: {  	_ =	shalt  }
0x7f: {  	_ =	shalt  }
0x80: {  	_ =	shalt  }
0x81: {  	_ =	shalt  }
0x82: {  	_ =	shalt  }
0x83: {  	_ =	shalt  }
0x84: {  	_ =	shalt  }
0x85: {  	_ =	shalt  }
0x86: {  	_ =	shalt  }
0x87: {  	_ =	shalt  }
.Lfunc_end0:
.L_simem_size_0:
called_computation.4_lowered:
.L_overlay_start_0:
0x88: {  	s2 =	sld [smem:$0x3FD9]  }
0x89: {  	s3 =	sld [smem:$0x3FFE];
	_ =	sdelay $0x1  }
0x8a: {  	s1 =	srdreg.scid  }
0x8b: {  	s0 =	sand.u32 $0x1, s1  }
0x8c: {  	s16 =	sshll.u32 s0, $0xA;
	s2 =	sadd.s32 s3, s2  }
0x8d: {  	s2 =	sadd.s32 s2, s16  }
0x8e: {  	[smem:$0x3FBF] =	sst s2  }
0x8f: {  	_ = 	snop  }
0x90: {  	(tm) =	ssettm $0x1  }
0x91: {  	s17 =	sld [smem:$0x3FFB];
	_ =	sdelay $0x3  }
0x92: {  	_ =	strace s17  }
0x93: {  	s2 =	sld [smem:$0x3FFC];
	_ =	sdelay $0x3  }
0x94: {  	_ =	strace s2  }
0x95: {  	s2 =	sld [smem:$0x3FFD];
	_ =	sdelay $0x3  }
0x96: {  	_ =	strace s2  }
0x97: {  	_ =	strace $0x8FFFFFFF  }
0x98: {  	s18 =	sld [smem:$0x3FDB];
	_ =	sdelay $0x1  }
0x99: {  	s19 =	simm.s32 $_scs_section_size  }
0x9a: {  	s4 =	simm.s32 $_size__tile_overlayer_lowered;
	s5 =	simm.s32 $_tile_overlayer_lowered  }
0x9b: {  	s22 =	simm.s32 $0x1BFF;
	s21 =	sshll.u32 s5, $0x1;
	s2 =	sadd.s32 s19, s18  }
0x9c: {  	s6 =	simm.s32 $0x0;
	s20 =	sshll.u32 s4, $0x1;
	s4 =	sadd.s32 s21, s2  }
0x9d: {  	[timem:s6], [sflag:s22] =	dma.local [hbm:s4], s20  }
0x9e: {  	_ =	swait.ge [sflag:s22], s20  }
0x9f: {  	s3 =	ssub.s32 $0x0, s20;
	[sflag:s22] =	ssyncset.done $0x0  }
0xa0: {  	[sflag:s22] =	ssyncadd.s32 s3;
	_ =	sdelay $0x1  }
0xa1: {  	s23 =	simm.s32 $0x1B8B  }
0xa2: {  	_ =	swait.ge [sflag:s23], $0x1  }
0xa3: {  	[sflag:s23] =	ssyncset.done $0x0  }
0xa4: {  	s25 =	simm.s32 $0x1B8E;
	s24 =	sld [smem:$0x3FFE];
	[sflag:s23] =	ssyncadd.s32 $0xFFFFFFFF  }
0xa5: {  	s26 =	simm.s32 $execute0_lowered;
	[smem:$0x3FD2] =	sst s25  }
0xa6: {  	s4 =	sshll.u32 s26, $0x1;
	_ =	strace $0x80000052;
	[dreg:$0x1] =	wrdreg $0xFFFFFFFF  }
0xa7: {  	s28 =	simm.s32 $_size_execute0_lowered;
	s2 =	sadd.s32 s2, s4;
	[dreg:$0x0] =	wrdreg $0x0  }
0xa8: {  	s4 =	sshll.u32 s28, $0x1;
	[dreg:$0x2] =	wrdreg s2  }
0xa9: {  	[dreg:$0x3] =	wrdreg s4  }
0xaa: {  	[dreg:$0x4] =	wrdreg $0xC0  }
0xab: {  	_ =	task [dreg:s6], $0x5FFFF  }
0xac: {  	[dreg:$0x1] =	wrdreg $0xFFFFFFFF  }
0xad: {  	[dreg:$0x0] =	wrdreg $0x60  }
0xae: {  	[dreg:$0x2] =	wrdreg s24  }
0xaf: {  	[dreg:$0x3] =	wrdreg $0x82000  }
0xb0: {  	[dreg:$0x4] =	wrdreg $0x9  }
0xb1: {  	_ =	task.clear_ibuf [dreg:s6], $0x5FFFF;
	_ =	strace $0x90000052  }
0xb2: {  	s29 =	simm.s32 $0x9;
	_ =	strace $0x80000054  }
0xb3: {  	_ =	swait.ge [sflag:s29], $0x1  }
0xb4: {  	[sflag:s29] =	ssyncadd.s32 $0xFFFFFFFF  }
0xb5: {  	_ =	strace $0x90000054  }
0xb6: {  	_ =	sfence  }
0xb7: {  	s30 =	sld [smem:$0x0];
	_ =	sdelay $0x2  }
0xb8: {  	s31 =	sshll.u32 s1, $0xD;
	s1 =	sshrl.u32 s1, $0x2  }
0xb9: {  	s3 =	sand.u32 $0x4000, s31;
	s1 =	sadd.s32 s1, s30  }
0xba: {  	s0 =	sor.u32 s3, s0;
	s1 =	sshll.u32 s1, $0x11  }
0xbb: {  	s0 =	sor.u32 s1, s0  }
0xbc: {  	s0 =	sadd.s32 $0x8F2B, s0  }
0xbd: {  	[sflag:s0] =	ssyncadd.remote.s32 $0x1  }
0xbe: {  	_ =	sfence.sel $0xFFFF  }
0xbf: {  	[dreg:$0x0] =	wrdreg $0xFFFFFFFF;
	(pc) =	sbr.abs _section_cstart, $3  }
0xc0: {  	[dreg:$0x1] =	wrdreg $0xFFFFFFFF  }
0xc1: {  	_ =	task.clear_ibuf [dreg:s6], $0x2FFFF;
	_ =	strace $0x9FFFFFFF  }
0xc2: {  	(tm) =	ssettm $0x7FFFFFFF  }
0xc3: {  	_ =	shalt  }
tec
execute0_lowered:
.L_overlay_start_1:
0x0: {  	(tag) =	ssettag $0x1  }
0x1: {  	s5 =	rddreg [dreg:$0x0]  }
0x2: {  	s2 =	rddreg [dreg:$0x1]  }
0x3: {  	s0 =	rddreg [dreg:$0x2]  }
0x4: {  	s1 =	stileid.u32;
	s4 =	srdreg.scid  }
0x5: {  	s3 =	simm.s32 $0x0;
	s15 =	simm.s32 $0x80;
	s16 =	simm.s32 $0x200  }
0x6: {  	s17 =	simm.s32 $0x180;
	s18 =	simm.s32 $0x1;
	s6 =	smul.u32 $0x34, s1  }
0x7: {  	s19 =	simm.s32 $0x4200;
	s7 =	sand.u32 $0x1, s4;
	s4 =	smul.u32 $0x6A, s1  }
0x8: {  	s20 =	simm.s32 $0x2;
	s21 =	simm.s32 $0x0;
	s9 =	smul.u32 $0x2800, s1  }
0x9: {  	[smem:$0x7FF] =	sst s3;
	s29 =	smul.u32 $0x50000, s1;
	s10 =	sadd.s32 $0x4A00, s5  }
0xa: {  	s13 =	sadd.s32 $0xCB800, s5;
	s31 =	sshll.u32 s1, $0x6;
	p0 =	seq.s32 s7, $0x0  }
0xb: {  	_ =	strace $0x80000053;
	s28 =	ssub.s32 $0x2, s7;
	s7 =	simm.s32 $0x35  }
0xc: {  	s6 =	sadd.s32 $0x6A0, s6;
	s8 =	sadd.s32 s9, s5;
	s12 =	sshrl.u32 s28, $0x1  }
0xd: {  	s30 =	sshrl.u32 s29, $0x2;
	s13 =	smov.u32 @p0 s10;
	s7 =	simm.s32 @!p0 $0x1A  }
0xe: {  	s6 =	smov.u32 @p0 s4;
	s4 =	sadd.s32 $0x71A00, s5;
	s12 =	ssub.s32 s28, s12  }
0xf: {  	s14 =	sadd.s32 s30, s2;
	s9 =	sadd.s32 s13, s9;
	s6 =	sshll.u32 s6, $0x4  }
0x10: {  	s13 =	simm.s32 $0x3;
	s11 =	sadd.s32 s6, s5;
	s5 =	sadd.s32 $0x49A00, s8  }
0x11: {  	s6 =	sor.u32 $0x1C03, s31;
	s8 =	smax.u32 s12, $0x1;
	s12 =	sshrl.u32 s14, $0x3  }
0x12: {  	s14 =	simm.s32 $0x100;
	s10 =	sadd.s32 $0x3FC10, s11;
	s11 =	sadd.s32 $0xC1A10, s11  }
.LBB2_1:
0x13: {  	[spmem:s12], [sflag:s6] =	dma.local [hbm:s5], $0x2800  }
0x14: {  	p1 =	sne.s32 s7, $0x1  }
.Ltmp0:
0x15: {  	_ =	swait.ge [sflag:s13], $0x2800;
	(pc) =	sbr.rel @!p1 .LBB2_5-.Ltmp0, $4  }
0x16: {  	[sflag:s13] =	ssyncset.done $0x0  }
0x17: {  	[sflag:s13] =	ssyncadd.s32 $0xFFFFD800  }
0x18: {  	s24 =	sadd.s32 $0xFFFFFFFF, s7;
	[bflag:$0x0] =	sbarrier.arrive $0xFFFF  }
0x19: {  	p0 =	por $0x0, $0x0;
	s22 =	smov.u32 s11;
	s23 =	smov.u32 s10  }
0x1a: {  	s22 =	sadd.s32 $0xFFFFFFF0, s11  }
0x1b: {  	[tilespmem:s3], [sflag:$0x3] =	stream.linear.gather [hbm4b:s22+s3], $0x80, $0x38;
	[tilespmem:$0x1C200] =	vst v63  }
0x1c: {  	_ =	swait.ge [sflag:s13], $0x80  }
0x1d: {  	[sflag:s13] =	ssyncset.done $0x0  }
0x1e: {  	s31 =	sadd.s32 $0xFFFFFFF0, s10;
	[sflag:s13] =	ssyncadd.s32 $0xFFFFFF80  }
0x1f: {  	[tilespmem:s14], [sflag:$0x3] =	stream.linear.gather [hbm4b:s31+s3], $0x80, $0x38;
	[tilespmem:$0x1C200] =	vst v63  }
0x20: {  	_ =	swait.ge [sflag:s13], $0x80  }
0x21: {  	[sflag:s13] =	ssyncset.done $0x0  }
0x22: {  	[sflag:s13] =	ssyncadd.s32 $0xFFFFFF80  }
0x23: {  	[tilespmem:s16], [sflag:$0x1] =	stream.indirect.gather [hbm4b:s4+s15], $0x80, s3, s15, $0xb8;
	[tilespmem:$0x1C200] =	vst v63  }
0x24: {  	_ = 	snop  }
0x25: {  	[tilespmem:s15], [sflag:$0x3] =	stream.linear.gather [hbm4b:s11+s3], $0x80, $0x38;
	[tilespmem:$0x1C200] =	vst v63  }
0x26: {  	_ =	swait.ge [sflag:s13], $0x80  }
0x27: {  	[sflag:s13] =	ssyncset.done $0x0  }
0x28: {  	[sflag:s13] =	ssyncadd.s32 $0xFFFFFF80  }
0x29: {  	[tilespmem:s17], [sflag:$0x3] =	stream.linear.gather [hbm4b:s10+s3], $0x80, $0x38;
	[tilespmem:$0x1C200] =	vst v63  }
0x2a: {  	_ =	swait.ge [sflag:s13], $0x80  }
0x2b: {  	[sflag:s13] =	ssyncset.done $0x0  }
0x2c: {  	[sflag:s13] =	ssyncadd.s32 $0xFFFFFF80  }
0x2d: {  	_ =	swait.ge [sflag:s18], $0x4000  }
0x2e: {  	[sflag:s18] =	ssyncset.done $0x0  }
0x2f: {  	[sflag:s18] =	ssyncadd.s32 $0xFFFFC000  }
0x30: {  	[spmem:s2] =	stream.indirect.scatter.add.f32 [tilespmem:s16], [sflag:$0x2], $0x80, s14, s15, $0xb8;
	[tilespmem:$0x1C200] =	vst v63  }
0x31: {  	_ = 	snop  }
0x32: {  	[tilespmem:s19], [sflag:$0x1] =	stream.indirect.gather [hbm4b:s4+s15], $0x80, s15, s15, $0xb8;
	[tilespmem:$0x1C200] =	vst v63  }
0x33: {  	_ =	swait.ge [sflag:s18], $0x4000  }
0x34: {  	[sflag:s18] =	ssyncset.done $0x0  }
0x35: {  	[sflag:s18] =	ssyncadd.s32 $0xFFFFC000  }
0x36: {  	p1 =	sne.s32 s24, $0x1;
	_ =	swait.ge [sflag:s20], $0x4000  }
.Ltmp1:
0x37: {  	[sflag:s20] =	ssyncset.done $0x0;
	(pc) =	sbr.rel @!p1 .LBB2_3-.Ltmp1, $4  }
0x38: {  	[sflag:s20] =	ssyncadd.s32 $0xFFFFC000  }
0x39: {  	[spmem:s2] =	stream.indirect.scatter.add.f32 [tilespmem:s19], [sflag:$0x3], $0x80, s17, s15, $0xb8;
	[tilespmem:$0x1C200] =	vst v63  }
0x3a: {  	s24 =	sadd.s32 $0xFFFFFFFF, s24;
	p0 =	por $0x1, $0x1;
	_ =	swait.ge [sflag:s13], $0x4000  }
0x3b: {  	s23 =	smov.u32 s10;
	s22 =	sadd.s32 $0x20, s11;
	[sflag:s13] =	ssyncset.done $0x0  }
.LBB2_4:
0x3c: {  	s25 =	sadd.s32 $0xFFFFFFF0, s22;
	[sflag:s13] =	ssyncadd.s32 $0xFFFFC000;
	s23 =	sadd.s32 $0x20, s23  }
0x3d: {  	[tilespmem:s3], [sflag:$0x3] =	stream.linear.gather [hbm4b:s25+s3], $0x80, $0x38;
	[tilespmem:$0x1C200] =	vst v63  }
0x3e: {  	p1 =	sne.s32 s24, $0x1;
	s24 =	sadd.s32 $0xFFFFFFFF, s24;
	_ =	swait.ge [sflag:s13], $0x80  }
0x3f: {  	[sflag:s13] =	ssyncset.done $0x0  }
0x40: {  	s25 =	sadd.s32 $0xFFFFFFF0, s23;
	[sflag:s13] =	ssyncadd.s32 $0xFFFFFF80  }
0x41: {  	[tilespmem:s14], [sflag:$0x3] =	stream.linear.gather [hbm4b:s25+s3], $0x80, $0x38;
	[tilespmem:$0x1C200] =	vst v63  }
0x42: {  	_ =	swait.ge [sflag:s13], $0x80  }
0x43: {  	[sflag:s13] =	ssyncset.done $0x0  }
0x44: {  	[sflag:s13] =	ssyncadd.s32 $0xFFFFFF80  }
0x45: {  	[tilespmem:s16], [sflag:$0x1] =	stream.indirect.gather [hbm4b:s4+s15], $0x80, s3, s15, $0xb8;
	[tilespmem:$0x1C200] =	vst v63  }
0x46: {  	_ = 	snop  }
0x47: {  	[tilespmem:s15], [sflag:$0x3] =	stream.linear.gather [hbm4b:s22+s3], $0x80, $0x38;
	[tilespmem:$0x1C200] =	vst v63  }
0x48: {  	_ =	swait.ge [sflag:s13], $0x80  }
0x49: {  	[sflag:s13] =	ssyncset.done $0x0  }
0x4a: {  	[sflag:s13] =	ssyncadd.s32 $0xFFFFFF80  }
0x4b: {  	[tilespmem:s17], [sflag:$0x3] =	stream.linear.gather [hbm4b:s23+s3], $0x80, $0x38;
	[tilespmem:$0x1C200] =	vst v63  }
0x4c: {  	_ =	swait.ge [sflag:s13], $0x80  }
0x4d: {  	[sflag:s13] =	ssyncset.done $0x0  }
0x4e: {  	[sflag:s13] =	ssyncadd.s32 $0xFFFFFF80  }
0x4f: {  	_ =	swait.ge [sflag:s18], $0x4000  }
0x50: {  	[sflag:s18] =	ssyncset.done $0x0  }
0x51: {  	[sflag:s18] =	ssyncadd.s32 $0xFFFFC000  }
0x52: {  	[spmem:s2] =	stream.indirect.scatter.add.f32 [tilespmem:s16], [sflag:$0x2], $0x80, s14, s15, $0xb8;
	[tilespmem:$0x1C200] =	vst v63  }
0x53: {  	_ = 	snop  }
0x54: {  	[tilespmem:s19], [sflag:$0x1] =	stream.indirect.gather [hbm4b:s4+s15], $0x80, s15, s15, $0xb8;
	[tilespmem:$0x1C200] =	vst v63  }
0x55: {  	_ =	swait.ge [sflag:s18], $0x4000  }
0x56: {  	[sflag:s18] =	ssyncset.done $0x0  }
0x57: {  	[sflag:s18] =	ssyncadd.s32 $0xFFFFC000  }
0x58: {  	_ =	swait.ge [sflag:s20], $0x4000  }
.Ltmp2:
0x59: {  	[sflag:s20] =	ssyncset.done $0x0;
	(pc) =	sbr.rel @p1 .LBB2_4-.Ltmp2, $4  }
0x5a: {  	[sflag:s20] =	ssyncadd.s32 $0xFFFFC000  }
0x5b: {  	[spmem:s2] =	stream.indirect.scatter.add.f32 [tilespmem:s19], [sflag:$0x3], $0x80, s17, s15, $0xb8;
	[tilespmem:$0x1C200] =	vst v63  }
0x5c: {  	_ =	swait.ge [sflag:s13], $0x4000  }
0x5d: {  	s22 =	sadd.s32 $0x20, s22;
	[sflag:s13] =	ssyncset.done $0x0  }
.LBB2_5:
0x5e: {  	s24 =	sadd.s32 $0xFFFFFFF0, s22;
	[sflag:s13] =	ssyncadd.s32 @p0 $0xFFFFC000  }
0x5f: {  	[tilespmem:s3], [sflag:$0x3] =	stream.linear.gather [hbm4b:s24+s3], $0x80, $0x38;
	[tilespmem:$0x1C200] =	vst v63  }
0x60: {  	s23 =	sadd.s32 @p0 $0x20, s23;
	s24 =	smov.u32 s10;
	_ =	swait.ge [sflag:s13], $0x80  }
0x61: {  	s24 =	smov.u32 @p0 s23;
	[sflag:s13] =	ssyncset.done $0x0  }
0x62: {  	s23 =	sadd.s32 $0xFFFFFFF0, s24;
	[sflag:s13] =	ssyncadd.s32 $0xFFFFFF80  }
0x63: {  	[tilespmem:s14], [sflag:$0x3] =	stream.linear.gather [hbm4b:s23+s3], $0x80, $0x38;
	[tilespmem:$0x1C200] =	vst v63  }
0x64: {  	_ =	swait.ge [sflag:s13], $0x80  }
0x65: {  	[sflag:s13] =	ssyncset.done $0x0  }
0x66: {  	[sflag:s13] =	ssyncadd.s32 $0xFFFFFF80  }
0x67: {  	[tilespmem:s16], [sflag:$0x1] =	stream.indirect.gather [hbm4b:s4+s15], $0x80, s3, s15, $0xb8;
	[tilespmem:$0x1C200] =	vst v63  }
0x68: {  	_ = 	snop  }
0x69: {  	[tilespmem:s15], [sflag:$0x3] =	stream.linear.gather [hbm4b:s22+s3], $0x80, $0x38;
	[tilespmem:$0x1C200] =	vst v63  }
0x6a: {  	_ =	swait.ge [sflag:s13], $0x80  }
0x6b: {  	[sflag:s13] =	ssyncset.done $0x0  }
0x6c: {  	[sflag:s13] =	ssyncadd.s32 $0xFFFFFF80  }
0x6d: {  	[tilespmem:s17], [sflag:$0x3] =	stream.linear.gather [hbm4b:s24+s3], $0x80, $0x38;
	[tilespmem:$0x1C200] =	vst v63  }
0x6e: {  	_ =	swait.ge [sflag:s13], $0x80  }
0x6f: {  	[sflag:s13] =	ssyncset.done $0x0  }
0x70: {  	[sflag:s13] =	ssyncadd.s32 $0xFFFFFF80  }
0x71: {  	_ =	swait.ge [sflag:s18], $0x4000  }
0x72: {  	[sflag:s18] =	ssyncset.done $0x0  }
0x73: {  	[sflag:s18] =	ssyncadd.s32 $0xFFFFC000  }
0x74: {  	[spmem:s2] =	stream.indirect.scatter.add.f32 [tilespmem:s16], [sflag:$0x2], $0x80, s14, s15, $0xb8;
	[tilespmem:$0x1C200] =	vst v63  }
0x75: {  	_ = 	snop  }
0x76: {  	[tilespmem:s19], [sflag:$0x1] =	stream.indirect.gather [hbm4b:s4+s15], $0x80, s15, s15, $0xb8;
	[tilespmem:$0x1C200] =	vst v63  }
0x77: {  	_ =	swait.ge [sflag:s18], $0x4000  }
0x78: {  	[sflag:s18] =	ssyncset.done $0x0  }
0x79: {  	[sflag:s18] =	ssyncadd.s32 $0xFFFFC000  }
0x7a: {  	_ =	swait.ge [sflag:s20], $0x4000  }
0x7b: {  	[sflag:s20] =	ssyncset.done $0x0  }
0x7c: {  	[sflag:s20] =	ssyncadd.s32 $0xFFFFC000  }
0x7d: {  	[spmem:s2] =	stream.indirect.scatter.add.f32 [tilespmem:s19], [sflag:$0x3], $0x80, s17, s15, $0xb8;
	[tilespmem:$0x1C200] =	vst v63  }
0x7e: {  	_ =	swait.ge [sflag:s13], $0x4000  }
0x7f: {  	[sflag:s13] =	ssyncset.done $0x0  }
0x80: {  	s21 =	sadd.s32 $0x1, s21;
	[sflag:s13] =	ssyncadd.s32 $0xFFFFC000  }
0x81: {  	p0 =	sne.s32 s21, s8;
	[bflag:$0x0] =	sbarrier.arrive $0xFFFF  }
0x82: {  	[hbm:s9], [sflag:s6] =	dma.local [spmem:s12], $0x2800  }
.Ltmp3:
0x83: {  	_ = 	snop;
	(pc) =	sbr.rel @p0 .LBB2_1-.Ltmp3, $4  }
.Ltmp4:
0x84: {  	_ = 	snop;
	(pc) =	sbr.rel @!p0 .LBB2_6-.Ltmp4, $4  }
0x85: {  	_ =	swait.ge [sflag:s13], $0x2800  }
0x86: {  	[sflag:s13] =	ssyncset.done $0x0  }
0x87: {  	[sflag:s13] =	ssyncadd.s32 $0xFFFFD800  }
0x88: {  	_ = 	snop  }
.LBB2_3:
.Ltmp5:
0x89: {  	(pc) =	sbr.rel .LBB2_5-.Ltmp5, $2  }
0x8a: {  	_ =	sdelay $0x2  }
0x8b: {  	s23 =	smov.u32 s10  }
.LBB2_6:
0x8c: {  	_ =	sfence.sel $0x180000  }
0x8d: {  	[bflag:$0x0] =	sbarrier.arrive $0xFFFF  }
0x8e: {  	p0 =	sne.s32 s1, $0x0;
	_ =	strace $0x90000053  }
0x8f: {  	s0 =	sadd.s32 @!p0 $0x100000, s0;
	[bflag:$0x2] =	sbarrier.arrive $0xFFFF  }
0x90: {  	[sflag:s0] =	ssyncadd.tile.s32 @!p0 $0x1;
	_ =	shalt  }
.Lfunc_end2:
_tile_overlayer_lowered:
.L_overlay_start_2:
0x91: {  	(tag) =	ssettag $0x2  }
0x92: {  	s0 =	rddreg [dreg:$0x0];
	s2 =	stileid.u32  }
0x93: {  	s1 =	rddreg [dreg:$0x1];
	p0 =	sne.s32 s2, $0x0  }
0x94: {  	s3 =	rddreg [dreg:$0x2];
	[bflag:$0x3] =	sbarrier.arrive $0xFFFF;
	s2 =	simm.s32 @!p0 $0x1C03  }
0x95: {  	[timem:s3], [sflag:s2] =	dma.local @!p0 [hbm:s0], s1  }
0x96: {  	s0 =	simm.s32 @!p0 $0x3  }
0x97: {  	_ =	swait.ge @!p0 [sflag:s0], s1  }
0x98: {  	s1 =	ssub.s32 @!p0 $0x0, s1;
	[sflag:s0] =	ssyncset.done @!p0 $0x0  }
0x99: {  	[sflag:s0] =	ssyncadd.s32 @!p0 s1  }
0x9a: {  	[bflag:$0x3] =	sbarrier.arrive $0xFFFF  }
0x9b: {  	_ =	shalt  }

</sc_bundles>
